<compile_context>
chip_gen: v7x
topology: tpu7x:2x2x1
jax: 0.10.2.dev20260603
libtpu: 0.0.44.dev20260713+nightly
codegen_flags: <defaults>
</compile_context>

<pallas_src>
import functools

import jax
import jax.numpy as jnp
from jax import lax
from jax.experimental import pallas as pl
from jax.experimental.pallas import tpu as pltpu
from jax.experimental.pallas import tpu_sc as plsc

N_ATOMS = 50000
M_NBR = 12
F = 64
N_CRYSTALS = 512
N_EDGES = N_ATOMS * M_NBR

NW = 32
GATHER_PAD = 614400
IDX_ROWS = GATHER_PAD // 128
ROWS_PER_W = IDX_ROWS // NW
CHUNK_ROWS = 2
NSLOT = 3
NITER = ROWS_PER_W // (CHUNK_ROWS * NSLOT)

TA = 400
TE = TA * M_NBR
GRID_E = N_ATOMS // TA
TA_V = 2000
GRID_V = N_ATOMS // TA_V
TP = 400
GRID_P = N_ATOMS // TP
EPS = 1e-5


def _softplus(x):
    return jnp.logaddexp(x, 0.0)


def _sc_gather(table, idx2d):
    mesh = plsc.VectorSubcoreMesh(core_axis_name="c", subcore_axis_name="s")

    nrow = CHUNK_ROWS * 128

    @functools.partial(
        pl.kernel,
        mesh=mesh,
        out_type=jax.ShapeDtypeStruct((GATHER_PAD, 2 * F), jnp.float32),
        scratch_types=(
            [pltpu.VMEM((CHUNK_ROWS, 128), jnp.int32)] * NSLOT
            + [pltpu.VMEM((nrow, 2 * F), jnp.float32)] * NSLOT
            + [pltpu.SemaphoreType.DMA] * (2 * NSLOT)
        ),
    )
    def k(table_hbm, idx_hbm, out_hbm, *scratch):
        idx_bufs = scratch[:NSLOT]
        row_bufs = scratch[NSLOT:2 * NSLOT]
        sg = scratch[2 * NSLOT:3 * NSLOT]
        sw = scratch[3 * NSLOT:]
        wid = lax.axis_index("s") * 2 + lax.axis_index("c")
        row0 = wid * ROWS_PER_W

        def out_region(c):
            return out_hbm.at[pl.ds((row0 + c * CHUNK_ROWS) * 128, nrow), :]

        for b in range(NSLOT):
            pltpu.async_copy(row_bufs[b], out_region(b), sw[b])

        def body(t, carry):
            handles = []
            for b in range(NSLOT):
                c = t * NSLOT + b
                pltpu.make_async_copy(row_bufs[b], out_region(c), sw[b]).wait()
                pltpu.sync_copy(
                    idx_hbm.at[pl.ds(row0 + c * CHUNK_ROWS, CHUNK_ROWS), :],
                    idx_bufs[b])
                handles.append([
                    pltpu.async_copy(
                        table_hbm.at[idx_bufs[b].at[j]],
                        row_bufs[b].at[pl.ds(j * 128, 128), :],
                        sg[b])
                    for j in range(CHUNK_ROWS)])
            for b in range(NSLOT):
                c = t * NSLOT + b
                for h in handles[b]:
                    h.wait()
                pltpu.async_copy(row_bufs[b], out_region(c), sw[b])
            return carry

        lax.fori_loop(0, NITER, body, 0)
        for b in range(NSLOT):
            pltpu.make_async_copy(row_bufs[b], out_region(b), sw[b]).wait()

    return k(table, idx2d)


def _embed_body(a_ref, w_ref, b_ref, o_ref):
    o_ref[...] = jnp.dot(a_ref[...], w_ref[...],
                         preferred_element_type=jnp.float32) + b_ref[...]


def _embed(atom_fea, W_embed, b_embed):
    n, k = atom_fea.shape
    ta = 2000
    return pl.pallas_call(
        _embed_body,
        grid=(n // ta,),
        in_specs=[
            pl.BlockSpec((ta, k), lambda i: (i, 0)),
            pl.BlockSpec((k, F), lambda i: (0, 0)),
            pl.BlockSpec((1, F), lambda i: (0, 0)),
        ],
        out_specs=pl.BlockSpec((ta, F), lambda i: (i, 0)),
        out_shape=jax.ShapeDtypeStruct((n, F), jnp.float32),
    )(atom_fea, W_embed, b_embed.reshape(1, F))


def _vn_body(v_ref, wn_ref, o_ref):
    o_ref[...] = jnp.dot(v_ref[...], wn_ref[...],
                         preferred_element_type=jnp.float32)


def _vn(v, wn):
    return pl.pallas_call(
        _vn_body,
        grid=(GRID_V,),
        in_specs=[
            pl.BlockSpec((TA_V, F), lambda i: (i, 0)),
            pl.BlockSpec((F, 2 * F), lambda i: (0, 0)),
        ],
        out_specs=pl.BlockSpec((TA_V, 2 * F), lambda i: (i, 0)),
        out_shape=jax.ShapeDtypeStruct((N_ATOMS, 2 * F), jnp.float32),
    )(v, wn)


def _edge_y(v_ref, g_ref, nf_ref, ws_ref, we_ref, bf_ref):
    vs = jnp.dot(v_ref[...], ws_ref[...], preferred_element_type=jnp.float32)
    vs = jnp.broadcast_to(vs[:, None, :], (TA, M_NBR, 2 * F)).reshape(TE, 2 * F)
    y = vs + g_ref[...]
    nf = nf_ref[...].reshape(TE, 41)
    y = y + jnp.dot(nf, we_ref[...], preferred_element_type=jnp.float32)
    return y + bf_ref[...]


def _passA_body(v_ref, g_ref, nf_ref, ws_ref, we_ref, bf_ref, acc_ref):
    @pl.when(pl.program_id(0) == 0)
    def _():
        acc_ref[...] = jnp.zeros_like(acc_ref)

    y = _edge_y(v_ref, g_ref, nf_ref, ws_ref, we_ref, bf_ref)
    acc_ref[0:1, :] += jnp.sum(y, axis=0, keepdims=True)
    acc_ref[1:2, :] += jnp.sum(y * y, axis=0, keepdims=True)


def _edge_in_specs():
    return [
        pl.BlockSpec((TA, F), lambda i: (i, 0)),
        pl.BlockSpec((TE, 2 * F), lambda i: (i, 0)),
        pl.BlockSpec((TA, M_NBR, 41), lambda i: (i, 0, 0)),
        pl.BlockSpec((F, 2 * F), lambda i: (0, 0)),
        pl.BlockSpec((41, 2 * F), lambda i: (0, 0)),
        pl.BlockSpec((1, 2 * F), lambda i: (0, 0)),
    ]


def _passA(v, g, nf_flat, ws, we, bf):
    return pl.pallas_call(
        _passA_body,
        grid=(GRID_E,),
        in_specs=_edge_in_specs(),
        out_specs=pl.BlockSpec((8, 2 * F), lambda i: (0, 0)),
        out_shape=jax.ShapeDtypeStruct((8, 2 * F), jnp.float32),
    )(v, g, nf_flat, ws, we, bf)


def _passB_body(v_ref, g_ref, nf_ref, ws_ref, we_ref, bf_ref,
                acc_ref, g1_ref, bb1_ref, ns_ref, acc2_ref):
    @pl.when(pl.program_id(0) == 0)
    def _():
        acc2_ref[...] = jnp.zeros_like(acc2_ref)

    inv_n = 1.0 / N_EDGES
    mu = acc_ref[0:1, :] * inv_n
    var = acc_ref[1:2, :] * inv_n - mu * mu
    scale = g1_ref[...] * lax.rsqrt(var + EPS)
    shift = bb1_ref[...] - mu * scale

    y = _edge_y(v_ref, g_ref, nf_ref, ws_ref, we_ref, bf_ref)
    y = y * scale + shift
    filt = jax.nn.sigmoid(y[:, :F])
    core = _softplus(y[:, F:])
    prod = (filt * core).reshape(TA, M_NBR, F)
    s = jnp.sum(prod, axis=1)
    ns_ref[...] = s
    row = jnp.concatenate(
        [jnp.sum(s, axis=0, keepdims=True),
         jnp.sum(s * s, axis=0, keepdims=True)], axis=1)
    acc2_ref[0:1, :] += row


def _passB(v, g, nf_flat, ws, we, bf, acc, g1, bb1):
    return pl.pallas_call(
        _passB_body,
        grid=(GRID_E,),
        in_specs=_edge_in_specs() + [
            pl.BlockSpec((8, 2 * F), lambda i: (0, 0)),
            pl.BlockSpec((1, 2 * F), lambda i: (0, 0)),
            pl.BlockSpec((1, 2 * F), lambda i: (0, 0)),
        ],
        out_specs=[
            pl.BlockSpec((TA, F), lambda i: (i, 0)),
            pl.BlockSpec((8, 2 * F), lambda i: (0, 0)),
        ],
        out_shape=[
            jax.ShapeDtypeStruct((N_ATOMS, F), jnp.float32),
            jax.ShapeDtypeStruct((8, 2 * F), jnp.float32),
        ],
    )(v, g, nf_flat, ws, we, bf, acc, g1, bb1)


def _passC_body(v_ref, ns_ref, acc2_ref, g2_ref, bb2_ref, o_ref):
    inv_n = 1.0 / N_ATOMS
    mu = acc2_ref[0:1, :F] * inv_n
    var = acc2_ref[0:1, F:] * inv_n - mu * mu
    scale = g2_ref[...] * lax.rsqrt(var + EPS)
    shift = bb2_ref[...] - mu * scale
    o_ref[...] = _softplus(v_ref[...] + ns_ref[...] * scale + shift)


def _passC(v, ns, acc2, g2, bb2):
    return pl.pallas_call(
        _passC_body,
        grid=(GRID_V,),
        in_specs=[
            pl.BlockSpec((TA_V, F), lambda i: (i, 0)),
            pl.BlockSpec((TA_V, F), lambda i: (i, 0)),
            pl.BlockSpec((8, 2 * F), lambda i: (0, 0)),
            pl.BlockSpec((1, F), lambda i: (0, 0)),
            pl.BlockSpec((1, F), lambda i: (0, 0)),
        ],
        out_specs=pl.BlockSpec((TA_V, F), lambda i: (i, 0)),
        out_shape=jax.ShapeDtypeStruct((N_ATOMS, F), jnp.float32),
    )(v, ns, acc2, g2, bb2)


def _pool_body(ids_ref, v_ref, acc_ref):
    @pl.when(pl.program_id(0) == 0)
    def _():
        acc_ref[...] = jnp.zeros_like(acc_ref)

    ids = ids_ref[0, 0, :]
    iota = lax.broadcasted_iota(jnp.int32, (N_CRYSTALS, TP), 0)
    onehot = (iota == ids[None, :]).astype(jnp.float32)
    v_ext = jnp.concatenate(
        [v_ref[...], jnp.ones((TP, F), jnp.float32)], axis=1)
    acc_ref[...] += jnp.dot(onehot, v_ext, preferred_element_type=jnp.float32)


def _pool(ids3d, v):
    return pl.pallas_call(
        _pool_body,
        grid=(GRID_P,),
        in_specs=[
            pl.BlockSpec((1, 1, TP), lambda i: (i, 0, 0)),
            pl.BlockSpec((TP, F), lambda i: (i, 0)),
        ],
        out_specs=pl.BlockSpec((N_CRYSTALS, 2 * F), lambda i: (0, 0)),
        out_shape=jax.ShapeDtypeStruct((N_CRYSTALS, 2 * F), jnp.float32),
    )(ids3d, v)


def _head_body(acc_ref, wp1_ref, bp1_ref, wp2_ref, bp2_ref, o_ref):
    sums = acc_ref[:, :F]
    counts = acc_ref[:, F:]
    crys = sums / jnp.maximum(counts, 1.0)
    h = jnp.maximum(
        jnp.dot(crys, wp1_ref[...], preferred_element_type=jnp.float32)
        + bp1_ref[...], 0.0)
    o_ref[...] = jnp.dot(h, wp2_ref[...],
                         preferred_element_type=jnp.float32) + bp2_ref[...]


def _head(acc, Wp1, bp1, Wp2, bp2):
    return pl.pallas_call(
        _head_body,
        in_specs=[pl.BlockSpec(acc.shape, lambda: (0, 0)),
                  pl.BlockSpec((F, F), lambda: (0, 0)),
                  pl.BlockSpec((1, F), lambda: (0, 0)),
                  pl.BlockSpec((F, F), lambda: (0, 0)),
                  pl.BlockSpec((1, F), lambda: (0, 0))],
        out_specs=pl.BlockSpec((N_CRYSTALS, F), lambda: (0, 0)),
        out_shape=jax.ShapeDtypeStruct((N_CRYSTALS, F), jnp.float32),
    )(acc, Wp1, bp1.reshape(1, F), Wp2, bp2.reshape(1, F))


def kernel(atom_fea, nbr_fea, nbr_fea_idx, crystal_atom_idx, W_embed, b_embed,
           Wf0, bf0, g1_0, bb1_0, g2_0, bb2_0,
           Wf1, bf1, g1_1, bb1_1, g2_1, bb2_1,
           Wf2, bf2, g1_2, bb1_2, g2_2, bb2_2,
           Wp1, bp1, Wp2, bp2):
    layers = [(Wf0, bf0, g1_0, bb1_0, g2_0, bb2_0),
              (Wf1, bf1, g1_1, bb1_1, g2_1, bb2_1),
              (Wf2, bf2, g1_2, bb1_2, g2_2, bb2_2)]

    idx_flat = nbr_fea_idx.reshape(-1)
    idx_pad = jnp.pad(idx_flat, (0, GATHER_PAD - N_EDGES)).reshape(IDX_ROWS, 128)
    nf_flat = nbr_fea
    ids3d = crystal_atom_idx.reshape(GRID_P, 1, TP)

    v = _embed(atom_fea, W_embed, b_embed)

    for (Wf, bf, g1, bb1, g2, bb2) in layers:
        ws = Wf[:F]
        wn = Wf[F:2 * F]
        we = Wf[2 * F:]
        bf2d = bf.reshape(1, 2 * F)
        vn = _vn(v, wn)
        g = _sc_gather(vn, idx_pad)
        acc = _passA(v, g, nf_flat, ws, we, bf2d)
        ns, acc2 = _passB(v, g, nf_flat, ws, we, bf2d, acc,
                          g1.reshape(1, 2 * F), bb1.reshape(1, 2 * F))
        v = _passC(v, ns, acc2, g2.reshape(1, F), bb2.reshape(1, F))

    acc_pool = _pool(ids3d, v)
    return _head(acc_pool, Wp1, bp1, Wp2, bp2)

# --- scband reference (transcript-rebuilt; emitter-appended) ---
"""Pipeline reference for scband-simclr-31155692765284 (READ-ONLY COPY).

The authoritative reference and input builder live on the scoring server;
editing this copy changes nothing except your own understanding.
"""

import jax, jax.numpy as jnp
import numpy as np

N_ATOMS = 50000
M_NBR = 12
ORIG_FEA = 92
NBR_FEA_LEN = 41
ATOM_FEA_LEN = 64
N_CONV = 3
N_CRYSTALS = 512


def _bn(x, gamma, beta, eps=1e-5):
    mu = jnp.mean(x, axis=0, keepdims=True)
    var = jnp.var(x, axis=0, keepdims=True)
    return (x - mu) / jnp.sqrt(var + eps) * gamma + beta


def setup_inputs(seed: int = 0) -> dict:
    key = jax.random.key(seed)
    ks = jax.random.split(key, 32)
    F = ATOM_FEA_LEN
    inp = {}
    inp["atom_fea"] = jax.random.normal(ks[0], (N_ATOMS, ORIG_FEA), dtype=jnp.float32)
    inp["nbr_fea"] = jax.random.normal(ks[1], (N_ATOMS, M_NBR, NBR_FEA_LEN), dtype=jnp.float32)
    inp["nbr_fea_idx"] = jax.random.randint(ks[2], (N_ATOMS, M_NBR), 0, N_ATOMS, dtype=jnp.int32)
    inp["crystal_atom_idx"] = jnp.sort(jax.random.randint(ks[3], (N_ATOMS,), 0, N_CRYSTALS, dtype=jnp.int32))
    inp["W_embed"] = jax.random.normal(ks[4], (ORIG_FEA, F), dtype=jnp.float32) * np.sqrt(2.0 / ORIG_FEA)
    inp["b_embed"] = jnp.zeros((F,), dtype=jnp.float32)
    fc_in = 2 * F + NBR_FEA_LEN
    for i in range(N_CONV):
        inp[f"Wf{i}"] = jax.random.normal(ks[5 + i], (fc_in, 2 * F), dtype=jnp.float32) * np.sqrt(2.0 / fc_in)
        inp[f"bf{i}"] = jnp.zeros((2 * F,), dtype=jnp.float32)
        inp[f"g1_{i}"] = jnp.ones((2 * F,), dtype=jnp.float32)
        inp[f"bb1_{i}"] = jnp.zeros((2 * F,), dtype=jnp.float32)
        inp[f"g2_{i}"] = jnp.ones((F,), dtype=jnp.float32)
        inp[f"bb2_{i}"] = jnp.zeros((F,), dtype=jnp.float32)
    inp["Wp1"] = jax.random.normal(ks[10], (F, F), dtype=jnp.float32) * np.sqrt(2.0 / F)
    inp["bp1"] = jnp.zeros((F,), dtype=jnp.float32)
    inp["Wp2"] = jax.random.normal(ks[11], (F, F), dtype=jnp.float32) * np.sqrt(2.0 / F)
    inp["bp2"] = jnp.zeros((F,), dtype=jnp.float32)
    return inp


def reference(atom_fea, nbr_fea, nbr_fea_idx, crystal_atom_idx, W_embed, b_embed,
              Wf0, bf0, g1_0, bb1_0, g2_0, bb2_0,
              Wf1, bf1, g1_1, bb1_1, g2_1, bb2_1,
              Wf2, bf2, g1_2, bb1_2, g2_2, bb2_2,
              Wp1, bp1, Wp2, bp2):
    layers = [(Wf0, bf0, g1_0, bb1_0, g2_0, bb2_0),
              (Wf1, bf1, g1_1, bb1_1, g2_1, bb2_1),
              (Wf2, bf2, g1_2, bb1_2, g2_2, bb2_2)]
    v = atom_fea @ W_embed + b_embed
    N, M = nbr_fea_idx.shape
    F = v.shape[1]
    for (Wf, bf, g1, bb1, g2, bb2) in layers:
        atom_nbr_fea = jnp.take(v, nbr_fea_idx, axis=0)              # gather [N, M, F]
        self_fea = jnp.broadcast_to(v[:, None, :], (N, M, F))
        total_nbr_fea = jnp.concatenate([self_fea, atom_nbr_fea, nbr_fea], axis=2)
        total_gated = total_nbr_fea @ Wf + bf                         # [N, M, 2F]
        total_gated = _bn(total_gated.reshape(-1, 2 * F), g1, bb1).reshape(N, M, 2 * F)
        nbr_filter = jax.nn.sigmoid(total_gated[..., :F])
        nbr_core = jax.nn.softplus(total_gated[..., F:])
        nbr_sumed = jnp.sum(nbr_filter * nbr_core, axis=1)            # [N, F]
        nbr_sumed = _bn(nbr_sumed, g2, bb2)
        v = jax.nn.softplus(v + nbr_sumed)
    sums = jax.ops.segment_sum(v, crystal_atom_idx, num_segments=N_CRYSTALS)
    counts = jax.ops.segment_sum(jnp.ones((N,), dtype=v.dtype), crystal_atom_idx, num_segments=N_CRYSTALS)
    crys_fea = sums / jnp.maximum(counts, 1.0)[:, None]               # mean pooling per crystal
    h = jax.nn.relu(crys_fea @ Wp1 + bp1)
    y = h @ Wp2 + bp2
    return y

if __name__ == "__main__":
    import jax
    _d = setup_inputs()
    print(jax.jit(kernel)(*tuple(_d.values())))

</pallas_src>

<mosaic_0001>
#map = affine_map<(d0, d1) -> (0, 0)>
module attributes {stable_mosaic.version = 14 : i64} {
  func.func @k(%arg0: i32, %arg1: i32, %arg2: memref<50000x128xf32, #tpu.memory_space<hbm>>, %arg3: memref<4800x128xi32, #tpu.memory_space<hbm>>, %arg4: memref<614400x128xf32, #tpu.memory_space<hbm>>, %arg5: memref<2x128xi32, #tpu.memory_space<vmem>>, %arg6: memref<2x128xi32, #tpu.memory_space<vmem>>, %arg7: memref<2x128xi32, #tpu.memory_space<vmem>>, %arg8: memref<256x128xf32, #tpu.memory_space<vmem>>, %arg9: memref<256x128xf32, #tpu.memory_space<vmem>>, %arg10: memref<256x128xf32, #tpu.memory_space<vmem>>, %arg11: memref<!tpu.dma_semaphore, #tpu.memory_space<semaphore_mem>>, %arg12: memref<!tpu.dma_semaphore, #tpu.memory_space<semaphore_mem>>, %arg13: memref<!tpu.dma_semaphore, #tpu.memory_space<semaphore_mem>>, %arg14: memref<!tpu.dma_semaphore, #tpu.memory_space<semaphore_mem>>, %arg15: memref<!tpu.dma_semaphore, #tpu.memory_space<semaphore_mem>>, %arg16: memref<!tpu.dma_semaphore, #tpu.memory_space<semaphore_mem>>) attributes {dimension_semantics = [#tpu.dimension_semantics<core_parallel>, #tpu.dimension_semantics<subcore_parallel>], iteration_bounds = array<i64: 2, 16>, scalar_prefetch = 0 : i64, scratch_operands = 12 : i64, tpu.core_type = #tpu.core_type<sc_vector_subcore>, window_params = [{transform_indices = #map}, {transform_indices = #map}, {transform_indices = #map}]} {
    %mul3A = arith.constant 2 : i32
    %mul3A_0 = arith.muli %arg1, %mul3A : i32
    %add3A = arith.addi %mul3A_0, %arg0 : i32
    %mul3A_1 = arith.constant 150 : i32
    %mul3A_2 = arith.muli %add3A, %mul3A_1 : i32
    %add3A_3 = arith.constant 0 : i32
    %add3A_4 = arith.addi %mul3A_2, %add3A_3 : i32
    %mul3A_5 = arith.constant 128 : i32
    %mul3A_6 = arith.muli %add3A_4, %mul3A_5 : i32
    %dma_start3A = arith.constant 0 : i32
    %dma_start3A_7 = tpu.memref_slice %arg4[%mul3A_6, %dma_start3A] : memref<614400x128xf32, #tpu.memory_space<hbm>> -> memref<256x128xf32, #tpu.memory_space<hbm>>
    %dma_start3A_8 = arith.constant 0 : i32
    %dma_start3A_9 = tpu.memref_slice %arg4[%mul3A_6, %dma_start3A_8] : memref<614400x128xf32, #tpu.memory_space<hbm>> -> memref<256x128xf32, #tpu.memory_space<hbm>>
    tpu.enqueue_dma source(%arg8 : memref<256x128xf32, #tpu.memory_space<vmem>>) target(%dma_start3A_9 : memref<256x128xf32, #tpu.memory_space<hbm>>) target_semaphore(%arg14 : memref<!tpu.dma_semaphore, #tpu.memory_space<semaphore_mem>>)
    %add3A_10 = arith.constant 2 : i32
    %add3A_11 = arith.addi %mul3A_2, %add3A_10 : i32
    %mul3A_12 = arith.constant 128 : i32
    %mul3A_13 = arith.muli %add3A_11, %mul3A_12 : i32
    %dma_start3A_14 = arith.constant 0 : i32
    %dma_start3A_15 = tpu.memref_slice %arg4[%mul3A_13, %dma_start3A_14] : memref<614400x128xf32, #tpu.memory_space<hbm>> -> memref<256x128xf32, #tpu.memory_space<hbm>>
    %dma_start3A_16 = arith.constant 0 : i32
    %dma_start3A_17 = tpu.memref_slice %arg4[%mul3A_13, %dma_start3A_16] : memref<614400x128xf32, #tpu.memory_space<hbm>> -> memref<256x128xf32, #tpu.memory_space<hbm>>
    tpu.enqueue_dma source(%arg9 : memref<256x128xf32, #tpu.memory_space<vmem>>) target(%dma_start3A_17 : memref<256x128xf32, #tpu.memory_space<hbm>>) target_semaphore(%arg15 : memref<!tpu.dma_semaphore, #tpu.memory_space<semaphore_mem>>)
    %add3A_18 = arith.constant 4 : i32
    %add3A_19 = arith.addi %mul3A_2, %add3A_18 : i32
    %mul3A_20 = arith.constant 128 : i32
    %mul3A_21 = arith.muli %add3A_19, %mul3A_20 : i32
    %dma_start3A_22 = arith.constant 0 : i32
    %dma_start3A_23 = tpu.memref_slice %arg4[%mul3A_21, %dma_start3A_22] : memref<614400x128xf32, #tpu.memory_space<hbm>> -> memref<256x128xf32, #tpu.memory_space<hbm>>
    %dma_start3A_24 = arith.constant 0 : i32
    %dma_start3A_25 = tpu.memref_slice %arg4[%mul3A_21, %dma_start3A_24] : memref<614400x128xf32, #tpu.memory_space<hbm>> -> memref<256x128xf32, #tpu.memory_space<hbm>>
    tpu.enqueue_dma source(%arg10 : memref<256x128xf32, #tpu.memory_space<vmem>>) target(%dma_start3A_25 : memref<256x128xf32, #tpu.memory_space<hbm>>) target_semaphore(%arg16 : memref<!tpu.dma_semaphore, #tpu.memory_space<semaphore_mem>>)
    %scan3A = arith.constant 0 : i32
    %scan3A_26 = arith.constant 0 : i32
    %scan3A_27 = arith.constant 25 : i32
    %scan3A_28 = arith.addi %scan3A_26, %scan3A_27 : i32
    %scan3A_29 = arith.constant 1 : i32
    scf.for %scan3A_54 = %scan3A_26 to %scan3A_28 step %scan3A_29  : i32 {
      %mul3A_55 = arith.constant 3 : i32
      %mul3A_56 = arith.muli %scan3A_54, %mul3A_55 : i32
      %add3A_57 = arith.constant 0 : i32
      %add3A_58 = arith.addi %mul3A_56, %add3A_57 : i32
      %mul3A_59 = arith.constant 2 : i32
      %mul3A_60 = arith.muli %add3A_58, %mul3A_59 : i32
      %add3A_61 = arith.addi %mul3A_2, %mul3A_60 : i32
      %mul3A_62 = arith.constant 128 : i32
      %mul3A_63 = arith.muli %add3A_61, %mul3A_62 : i32
      %dma_wait3A_64 = arith.constant 0 : i32
      %dma_wait3A_65 = tpu.memref_slice %arg4[%mul3A_63, %dma_wait3A_64] : memref<614400x128xf32, #tpu.memory_space<hbm>> -> memref<256x128xf32, #tpu.memory_space<hbm>>
      %dma_wait3A_66 = arith.constant 0 : i32
      %dma_wait3A_67 = tpu.memref_slice %arg4[%mul3A_63, %dma_wait3A_66] : memref<614400x128xf32, #tpu.memory_space<hbm>> -> memref<256x128xf32, #tpu.memory_space<hbm>>
      tpu.wait_dma2 semaphore(%arg14 : memref<!tpu.dma_semaphore, #tpu.memory_space<semaphore_mem>>) src(%arg8 : memref<256x128xf32, #tpu.memory_space<vmem>>) dst(%dma_wait3A_67 : memref<256x128xf32, #tpu.memory_space<hbm>>)
      %mul3A_68 = arith.constant 2 : i32
      %mul3A_69 = arith.muli %add3A_58, %mul3A_68 : i32
      %add3A_70 = arith.addi %mul3A_2, %mul3A_69 : i32
      "tpu.region"() ({
        %run_scoped3A = tpu.sem_alloc : memref<!tpu.dma_semaphore, #tpu.memory_space<semaphore_mem>>
        %dma_start3A_262 = arith.constant 0 : i32
        %dma_start3A_263 = tpu.memref_slice %arg3[%add3A_70, %dma_start3A_262] : memref<4800x128xi32, #tpu.memory_space<hbm>> -> memref<2x128xi32, #tpu.memory_space<hbm>>
        %dma_start3A_264 = arith.constant 0 : i32
        %dma_start3A_265 = tpu.memref_slice %arg3[%add3A_70, %dma_start3A_264] : memref<4800x128xi32, #tpu.memory_space<hbm>> -> memref<2x128xi32, #tpu.memory_space<hbm>>
        tpu.enqueue_dma source(%dma_start3A_265 : memref<2x128xi32, #tpu.memory_space<hbm>>) target(%arg5 : memref<2x128xi32, #tpu.memory_space<vmem>>) target_semaphore(%run_scoped3A : memref<!tpu.dma_semaphore, #tpu.memory_space<semaphore_mem>>)
        %dma_wait3A_266 = arith.constant 0 : i32
        %dma_wait3A_267 = tpu.memref_slice %arg3[%add3A_70, %dma_wait3A_266] : memref<4800x128xi32, #tpu.memory_space<hbm>> -> memref<2x128xi32, #tpu.memory_space<hbm>>
        %dma_wait3A_268 = arith.constant 0 : i32
        %dma_wait3A_269 = tpu.memref_slice %arg3[%add3A_70, %dma_wait3A_268] : memref<4800x128xi32, #tpu.memory_space<hbm>> -> memref<2x128xi32, #tpu.memory_space<hbm>>
        tpu.wait_dma2 semaphore(%run_scoped3A : memref<!tpu.dma_semaphore, #tpu.memory_space<semaphore_mem>>) src(%dma_wait3A_269 : memref<2x128xi32, #tpu.memory_space<hbm>>) dst(%arg5 : memref<2x128xi32, #tpu.memory_space<vmem>>)
        tpu.yield
      }) : () -> ()
      %dma_start3A_71 = arith.constant 0 : i32
      %dma_start3A_72 = arith.constant 0 : i32
      %dma_start3A_73 = arith.constant 0 : i32
      %dma_start3A_74 = tpu.memref_slice %arg8[%dma_start3A_72, %dma_start3A_73] : memref<256x128xf32, #tpu.memory_space<vmem>> -> memref<128x128xf32, #tpu.memory_space<vmem>>
      %dma_start3A_75 = arith.constant 0 : i32
      %dma_start3A_76 = tpu.memref_slice %arg5[%dma_start3A_71, %dma_start3A_75] : memref<2x128xi32, #tpu.memory_space<vmem>> -> memref<1x128xi32, #tpu.memory_space<vmem>>
      %dma_start3A_77 = tpu.memref_squeeze %dma_start3A_76 : memref<1x128xi32, #tpu.memory_space<vmem>> -> memref<128xi32, #tpu.memory_space<vmem>>
      %dma_start3A_78 = arith.constant 0 : i32
      %dma_start3A_79 = arith.constant 0 : i32
      %dma_start3A_80 = tpu.memref_slice %arg2[%dma_start3A_78, %dma_start3A_79] : memref<50000x128xf32, #tpu.memory_space<hbm>> -> memref<50000x128xf32, #tpu.memory_space<hbm>>
      tpu.enqueue_indirect_dma source(%dma_start3A_80 : memref<50000x128xf32, #tpu.memory_space<hbm>>) target(%dma_start3A_74 : memref<128x128xf32, #tpu.memory_space<vmem>>) offsets(%dma_start3A_77 : memref<128xi32, #tpu.memory_space<vmem>>) semaphore(%arg11 : memref<!tpu.dma_semaphore, #tpu.memory_space<semaphore_mem>>)
      %dma_start3A_81 = arith.constant 1 : i32
      %dma_start3A_82 = arith.constant 128 : i32
      %dma_start3A_83 = arith.constant 0 : i32
      %dma_start3A_84 = tpu.memref_slice %arg8[%dma_start3A_82, %dma_start3A_83] : memref<256x128xf32, #tpu.memory_space<vmem>> -> memref<128x128xf32, #tpu.memory_space<vmem>>
      %dma_start3A_85 = arith.constant 0 : i32
      %dma_start3A_86 = tpu.memref_slice %arg5[%dma_start3A_81, %dma_start3A_85] : memref<2x128xi32, #tpu.memory_space<vmem>> -> memref<1x128xi32, #tpu.memory_space<vmem>>
      %dma_start3A_87 = tpu.memref_squeeze %dma_start3A_86 : memref<1x128xi32, #tpu.memory_space<vmem>> -> memref<128xi32, #tpu.memory_space<vmem>>
      %dma_start3A_88 = arith.constant 0 : i32
      %dma_start3A_89 = arith.constant 0 : i32
      %dma_start3A_90 = tpu.memref_slice %arg2[%dma_start3A_88, %dma_start3A_89] : memref<50000x128xf32, #tpu.memory_space<hbm>> -> memref<50000x128xf32, #tpu.memory_space<hbm>>
      tpu.enqueue_indirect_dma source(%dma_start3A_90 : memref<50000x128xf32, #tpu.memory_space<hbm>>) target(%dma_start3A_84 : memref<128x128xf32, #tpu.memory_space<vmem>>) offsets(%dma_start3A_87 : memref<128xi32, #tpu.memory_space<vmem>>) semaphore(%arg11 : memref<!tpu.dma_semaphore, #tpu.memory_space<semaphore_mem>>)
      %mul3A_91 = arith.constant 3 : i32
      %mul3A_92 = arith.muli %scan3A_54, %mul3A_91 : i32
      %add3A_93 = arith.constant 1 : i32
      %add3A_94 = arith.addi %mul3A_92, %add3A_93 : i32
      %mul3A_95 = arith.constant 2 : i32
      %mul3A_96 = arith.muli %add3A_94, %mul3A_95 : i32
      %add3A_97 = arith.addi %mul3A_2, %mul3A_96 : i32
      %mul3A_98 = arith.constant 128 : i32
      %mul3A_99 = arith.muli %add3A_97, %mul3A_98 : i32
      %dma_wait3A_100 = arith.constant 0 : i32
      %dma_wait3A_101 = tpu.memref_slice %arg4[%mul3A_99, %dma_wait3A_100] : memref<614400x128xf32, #tpu.memory_space<hbm>> -> memref<256x128xf32, #tpu.memory_space<hbm>>
      %dma_wait3A_102 = arith.constant 0 : i32
      %dma_wait3A_103 = tpu.memref_slice %arg4[%mul3A_99, %dma_wait3A_102] : memref<614400x128xf32, #tpu.memory_space<hbm>> -> memref<256x128xf32, #tpu.memory_space<hbm>>
      tpu.wait_dma2 semaphore(%arg15 : memref<!tpu.dma_semaphore, #tpu.memory_space<semaphore_mem>>) src(%arg9 : memref<256x128xf32, #tpu.memory_space<vmem>>) dst(%dma_wait3A_103 : memref<256x128xf32, #tpu.memory_space<hbm>>)
      %mul3A_104 = arith.constant 2 : i32
      %mul3A_105 = arith.muli %add3A_94, %mul3A_104 : i32
      %add3A_106 = arith.addi %mul3A_2, %mul3A_105 : i32
      "tpu.region"() ({
        %run_scoped3A = tpu.sem_alloc : memref<!tpu.dma_semaphore, #tpu.memory_space<semaphore_mem>>
        %dma_start3A_262 = arith.constant 0 : i32
        %dma_start3A_263 = tpu.memref_slice %arg3[%add3A_106, %dma_start3A_262] : memref<4800x128xi32, #tpu.memory_space<hbm>> -> memref<2x128xi32, #tpu.memory_space<hbm>>
        %dma_start3A_264 = arith.constant 0 : i32
        %dma_start3A_265 = tpu.memref_slice %arg3[%add3A_106, %dma_start3A_264] : memref<4800x128xi32, #tpu.memory_space<hbm>> -> memref<2x128xi32, #tpu.memory_space<hbm>>
        tpu.enqueue_dma source(%dma_start3A_265 : memref<2x128xi32, #tpu.memory_space<hbm>>) target(%arg6 : memref<2x128xi32, #tpu.memory_space<vmem>>) target_semaphore(%run_scoped3A : memref<!tpu.dma_semaphore, #tpu.memory_space<semaphore_mem>>)
        %dma_wait3A_266 = arith.constant 0 : i32
        %dma_wait3A_267 = tpu.memref_slice %arg3[%add3A_106, %dma_wait3A_266] : memref<4800x128xi32, #tpu.memory_space<hbm>> -> memref<2x128xi32, #tpu.memory_space<hbm>>
        %dma_wait3A_268 = arith.constant 0 : i32
        %dma_wait3A_269 = tpu.memref_slice %arg3[%add3A_106, %dma_wait3A_268] : memref<4800x128xi32, #tpu.memory_space<hbm>> -> memref<2x128xi32, #tpu.memory_space<hbm>>
        tpu.wait_dma2 semaphore(%run_scoped3A : memref<!tpu.dma_semaphore, #tpu.memory_space<semaphore_mem>>) src(%dma_wait3A_269 : memref<2x128xi32, #tpu.memory_space<hbm>>) dst(%arg6 : memref<2x128xi32, #tpu.memory_space<vmem>>)
        tpu.yield
      }) : () -> ()
      %dma_start3A_107 = arith.constant 0 : i32
      %dma_start3A_108 = arith.constant 0 : i32
      %dma_start3A_109 = arith.constant 0 : i32
      %dma_start3A_110 = tpu.memref_slice %arg9[%dma_start3A_108, %dma_start3A_109] : memref<256x128xf32, #tpu.memory_space<vmem>> -> memref<128x128xf32, #tpu.memory_space<vmem>>
      %dma_start3A_111 = arith.constant 0 : i32
      %dma_start3A_112 = tpu.memref_slice %arg6[%dma_start3A_107, %dma_start3A_111] : memref<2x128xi32, #tpu.memory_space<vmem>> -> memref<1x128xi32, #tpu.memory_space<vmem>>
      %dma_start3A_113 = tpu.memref_squeeze %dma_start3A_112 : memref<1x128xi32, #tpu.memory_space<vmem>> -> memref<128xi32, #tpu.memory_space<vmem>>
      %dma_start3A_114 = arith.constant 0 : i32
      %dma_start3A_115 = arith.constant 0 : i32
      %dma_start3A_116 = tpu.memref_slice %arg2[%dma_start3A_114, %dma_start3A_115] : memref<50000x128xf32, #tpu.memory_space<hbm>> -> memref<50000x128xf32, #tpu.memory_space<hbm>>
      tpu.enqueue_indirect_dma source(%dma_start3A_116 : memref<50000x128xf32, #tpu.memory_space<hbm>>) target(%dma_start3A_110 : memref<128x128xf32, #tpu.memory_space<vmem>>) offsets(%dma_start3A_113 : memref<128xi32, #tpu.memory_space<vmem>>) semaphore(%arg12 : memref<!tpu.dma_semaphore, #tpu.memory_space<semaphore_mem>>)
      %dma_start3A_117 = arith.constant 1 : i32
      %dma_start3A_118 = arith.constant 128 : i32
      %dma_start3A_119 = arith.constant 0 : i32
      %dma_start3A_120 = tpu.memref_slice %arg9[%dma_start3A_118, %dma_start3A_119] : memref<256x128xf32, #tpu.memory_space<vmem>> -> memref<128x128xf32, #tpu.memory_space<vmem>>
      %dma_start3A_121 = arith.constant 0 : i32
      %dma_start3A_122 = tpu.memref_slice %arg6[%dma_start3A_117, %dma_start3A_121] : memref<2x128xi32, #tpu.memory_space<vmem>> -> memref<1x128xi32, #tpu.memory_space<vmem>>
      %dma_start3A_123 = tpu.memref_squeeze %dma_start3A_122 : memref<1x128xi32, #tpu.memory_space<vmem>> -> memref<128xi32, #tpu.memory_space<vmem>>
      %dma_start3A_124 = arith.constant 0 : i32
      %dma_start3A_125 = arith.constant 0 : i32
      %dma_start3A_126 = tpu.memref_slice %arg2[%dma_start3A_124, %dma_start3A_125] : memref<50000x128xf32, #tpu.memory_space<hbm>> -> memref<50000x128xf32, #tpu.memory_space<hbm>>
      tpu.enqueue_indirect_dma source(%dma_start3A_126 : memref<50000x128xf32, #tpu.memory_space<hbm>>) target(%dma_start3A_120 : memref<128x128xf32, #tpu.memory_space<vmem>>) offsets(%dma_start3A_123 : memref<128xi32, #tpu.memory_space<vmem>>) semaphore(%arg12 : memref<!tpu.dma_semaphore, #tpu.memory_space<semaphore_mem>>)
      %mul3A_127 = arith.constant 3 : i32
      %mul3A_128 = arith.muli %scan3A_54, %mul3A_127 : i32
      %add3A_129 = arith.constant 2 : i32
      %add3A_130 = arith.addi %mul3A_128, %add3A_129 : i32
      %mul3A_131 = arith.constant 2 : i32
      %mul3A_132 = arith.muli %add3A_130, %mul3A_131 : i32
      %add3A_133 = arith.addi %mul3A_2, %mul3A_132 : i32
      %mul3A_134 = arith.constant 128 : i32
      %mul3A_135 = arith.muli %add3A_133, %mul3A_134 : i32
      %dma_wait3A_136 = arith.constant 0 : i32
      %dma_wait3A_137 = tpu.memref_slice %arg4[%mul3A_135, %dma_wait3A_136] : memref<614400x128xf32, #tpu.memory_space<hbm>> -> memref<256x128xf32, #tpu.memory_space<hbm>>
      %dma_wait3A_138 = arith.constant 0 : i32
      %dma_wait3A_139 = tpu.memref_slice %arg4[%mul3A_135, %dma_wait3A_138] : memref<614400x128xf32, #tpu.memory_space<hbm>> -> memref<256x128xf32, #tpu.memory_space<hbm>>
      tpu.wait_dma2 semaphore(%arg16 : memref<!tpu.dma_semaphore, #tpu.memory_space<semaphore_mem>>) src(%arg10 : memref<256x128xf32, #tpu.memory_space<vmem>>) dst(%dma_wait3A_139 : memref<256x128xf32, #tpu.memory_space<hbm>>)
      %mul3A_140 = arith.constant 2 : i32
      %mul3A_141 = arith.muli %add3A_130, %mul3A_140 : i32
      %add3A_142 = arith.addi %mul3A_2, %mul3A_141 : i32
      "tpu.region"() ({
        %run_scoped3A = tpu.sem_alloc : memref<!tpu.dma_semaphore, #tpu.memory_space<semaphore_mem>>
        %dma_start3A_262 = arith.constant 0 : i32
        %dma_start3A_263 = tpu.memref_slice %arg3[%add3A_142, %dma_start3A_262] : memref<4800x128xi32, #tpu.memory_space<hbm>> -> memref<2x128xi32, #tpu.memory_space<hbm>>
        %dma_start3A_264 = arith.constant 0 : i32
        %dma_start3A_265 = tpu.memref_slice %arg3[%add3A_142, %dma_start3A_264] : memref<4800x128xi32, #tpu.memory_space<hbm>> -> memref<2x128xi32, #tpu.memory_space<hbm>>
        tpu.enqueue_dma source(%dma_start3A_265 : memref<2x128xi32, #tpu.memory_space<hbm>>) target(%arg7 : memref<2x128xi32, #tpu.memory_space<vmem>>) target_semaphore(%run_scoped3A : memref<!tpu.dma_semaphore, #tpu.memory_space<semaphore_mem>>)
        %dma_wait3A_266 = arith.constant 0 : i32
        %dma_wait3A_267 = tpu.memref_slice %arg3[%add3A_142, %dma_wait3A_266] : memref<4800x128xi32, #tpu.memory_space<hbm>> -> memref<2x128xi32, #tpu.memory_space<hbm>>
        %dma_wait3A_268 = arith.constant 0 : i32
        %dma_wait3A_269 = tpu.memref_slice %arg3[%add3A_142, %dma_wait3A_268] : memref<4800x128xi32, #tpu.memory_space<hbm>> -> memref<2x128xi32, #tpu.memory_space<hbm>>
        tpu.wait_dma2 semaphore(%run_scoped3A : memref<!tpu.dma_semaphore, #tpu.memory_space<semaphore_mem>>) src(%dma_wait3A_269 : memref<2x128xi32, #tpu.memory_space<hbm>>) dst(%arg7 : memref<2x128xi32, #tpu.memory_space<vmem>>)
        tpu.yield
      }) : () -> ()
      %dma_start3A_143 = arith.constant 0 : i32
      %dma_start3A_144 = arith.constant 0 : i32
      %dma_start3A_145 = arith.constant 0 : i32
      %dma_start3A_146 = tpu.memref_slice %arg10[%dma_start3A_144, %dma_start3A_145] : memref<256x128xf32, #tpu.memory_space<vmem>> -> memref<128x128xf32, #tpu.memory_space<vmem>>
      %dma_start3A_147 = arith.constant 0 : i32
      %dma_start3A_148 = tpu.memref_slice %arg7[%dma_start3A_143, %dma_start3A_147] : memref<2x128xi32, #tpu.memory_space<vmem>> -> memref<1x128xi32, #tpu.memory_space<vmem>>
      %dma_start3A_149 = tpu.memref_squeeze %dma_start3A_148 : memref<1x128xi32, #tpu.memory_space<vmem>> -> memref<128xi32, #tpu.memory_space<vmem>>
      %dma_start3A_150 = arith.constant 0 : i32
      %dma_start3A_151 = arith.constant 0 : i32
      %dma_start3A_152 = tpu.memref_slice %arg2[%dma_start3A_150, %dma_start3A_151] : memref<50000x128xf32, #tpu.memory_space<hbm>> -> memref<50000x128xf32, #tpu.memory_space<hbm>>
      tpu.enqueue_indirect_dma source(%dma_start3A_152 : memref<50000x128xf32, #tpu.memory_space<hbm>>) target(%dma_start3A_146 : memref<128x128xf32, #tpu.memory_space<vmem>>) offsets(%dma_start3A_149 : memref<128xi32, #tpu.memory_space<vmem>>) semaphore(%arg13 : memref<!tpu.dma_semaphore, #tpu.memory_space<semaphore_mem>>)
      %dma_start3A_153 = arith.constant 1 : i32
      %dma_start3A_154 = arith.constant 128 : i32
      %dma_start3A_155 = arith.constant 0 : i32
      %dma_start3A_156 = tpu.memref_slice %arg10[%dma_start3A_154, %dma_start3A_155] : memref<256x128xf32, #tpu.memory_space<vmem>> -> memref<128x128xf32, #tpu.memory_space<vmem>>
      %dma_start3A_157 = arith.constant 0 : i32
      %dma_start3A_158 = tpu.memref_slice %arg7[%dma_start3A_153, %dma_start3A_157] : memref<2x128xi32, #tpu.memory_space<vmem>> -> memref<1x128xi32, #tpu.memory_space<vmem>>
      %dma_start3A_159 = tpu.memref_squeeze %dma_start3A_158 : memref<1x128xi32, #tpu.memory_space<vmem>> -> memref<128xi32, #tpu.memory_space<vmem>>
      %dma_start3A_160 = arith.constant 0 : i32
      %dma_start3A_161 = arith.constant 0 : i32
      %dma_start3A_162 = tpu.memref_slice %arg2[%dma_start3A_160, %dma_start3A_161] : memref<50000x128xf32, #tpu.memory_space<hbm>> -> memref<50000x128xf32, #tpu.memory_space<hbm>>
      tpu.enqueue_indirect_dma source(%dma_start3A_162 : memref<50000x128xf32, #tpu.memory_space<hbm>>) target(%dma_start3A_156 : memref<128x128xf32, #tpu.memory_space<vmem>>) offsets(%dma_start3A_159 : memref<128xi32, #tpu.memory_space<vmem>>) semaphore(%arg13 : memref<!tpu.dma_semaphore, #tpu.memory_space<semaphore_mem>>)
      %mul3A_163 = arith.constant 3 : i32
      %mul3A_164 = arith.muli %scan3A_54, %mul3A_163 : i32
      %add3A_165 = arith.constant 0 : i32
      %add3A_166 = arith.addi %mul3A_164, %add3A_165 : i32
      %dma_wait3A_167 = arith.constant 0 : i32
      %dma_wait3A_168 = arith.constant 0 : i32
      %dma_wait3A_169 = arith.constant 0 : i32
      %dma_wait3A_170 = tpu.memref_slice %arg8[%dma_wait3A_168, %dma_wait3A_169] : memref<256x128xf32, #tpu.memory_space<vmem>> -> memref<128x128xf32, #tpu.memory_space<vmem>>
      %dma_wait3A_171 = arith.constant 0 : i32
      %dma_wait3A_172 = tpu.memref_slice %arg5[%dma_wait3A_167, %dma_wait3A_171] : memref<2x128xi32, #tpu.memory_space<vmem>> -> memref<1x128xi32, #tpu.memory_space<vmem>>
      %dma_wait3A_173 = tpu.memref_squeeze %dma_wait3A_172 : memref<1x128xi32, #tpu.memory_space<vmem>> -> memref<128xi32, #tpu.memory_space<vmem>>
      %dma_wait3A_174 = arith.constant 0 : i32
      %dma_wait3A_175 = arith.constant 0 : i32
      %dma_wait3A_176 = tpu.memref_slice %arg2[%dma_wait3A_174, %dma_wait3A_175] : memref<50000x128xf32, #tpu.memory_space<hbm>> -> memref<50000x128xf32, #tpu.memory_space<hbm>>
      tpu.wait_indirect_dma semaphore(%arg11 : memref<!tpu.dma_semaphore, #tpu.memory_space<semaphore_mem>>) src(%dma_wait3A_176 : memref<50000x128xf32, #tpu.memory_space<hbm>>) dst(%dma_wait3A_170 : memref<128x128xf32, #tpu.memory_space<vmem>>)
      %dma_wait3A_177 = arith.constant 1 : i32
      %dma_wait3A_178 = arith.constant 128 : i32
      %dma_wait3A_179 = arith.constant 0 : i32
      %dma_wait3A_180 = tpu.memref_slice %arg8[%dma_wait3A_178, %dma_wait3A_179] : memref<256x128xf32, #tpu.memory_space<vmem>> -> memref<128x128xf32, #tpu.memory_space<vmem>>
      %dma_wait3A_181 = arith.constant 0 : i32
      %dma_wait3A_182 = tpu.memref_slice %arg5[%dma_wait3A_177, %dma_wait3A_181] : memref<2x128xi32, #tpu.memory_space<vmem>> -> memref<1x128xi32, #tpu.memory_space<vmem>>
      %dma_wait3A_183 = tpu.memref_squeeze %dma_wait3A_182 : memref<1x128xi32, #tpu.memory_space<vmem>> -> memref<128xi32, #tpu.memory_space<vmem>>
      %dma_wait3A_184 = arith.constant 0 : i32
      %dma_wait3A_185 = arith.constant 0 : i32
      %dma_wait3A_186 = tpu.memref_slice %arg2[%dma_wait3A_184, %dma_wait3A_185] : memref<50000x128xf32, #tpu.memory_space<hbm>> -> memref<50000x128xf32, #tpu.memory_space<hbm>>
      tpu.wait_indirect_dma semaphore(%arg11 : memref<!tpu.dma_semaphore, #tpu.memory_space<semaphore_mem>>) src(%dma_wait3A_186 : memref<50000x128xf32, #tpu.memory_space<hbm>>) dst(%dma_wait3A_180 : memref<128x128xf32, #tpu.memory_space<vmem>>)
      %mul3A_187 = arith.constant 2 : i32
      %mul3A_188 = arith.muli %add3A_166, %mul3A_187 : i32
      %add3A_189 = arith.addi %mul3A_2, %mul3A_188 : i32
      %mul3A_190 = arith.constant 128 : i32
      %mul3A_191 = arith.muli %add3A_189, %mul3A_190 : i32
      %dma_start3A_192 = arith.constant 0 : i32
      %dma_start3A_193 = tpu.memref_slice %arg4[%mul3A_191, %dma_start3A_192] : memref<614400x128xf32, #tpu.memory_space<hbm>> -> memref<256x128xf32, #tpu.memory_space<hbm>>
      %dma_start3A_194 = arith.constant 0 : i32
      %dma_start3A_195 = tpu.memref_slice %arg4[%mul3A_191, %dma_start3A_194] : memref<614400x128xf32, #tpu.memory_space<hbm>> -> memref<256x128xf32, #tpu.memory_space<hbm>>
      tpu.enqueue_dma source(%arg8 : memref<256x128xf32, #tpu.memory_space<vmem>>) target(%dma_start3A_195 : memref<256x128xf32, #tpu.memory_space<hbm>>) target_semaphore(%arg14 : memref<!tpu.dma_semaphore, #tpu.memory_space<semaphore_mem>>)
      %mul3A_196 = arith.constant 3 : i32
      %mul3A_197 = arith.muli %scan3A_54, %mul3A_196 : i32
      %add3A_198 = arith.constant 1 : i32
      %add3A_199 = arith.addi %mul3A_197, %add3A_198 : i32
      %dma_wait3A_200 = arith.constant 0 : i32
      %dma_wait3A_201 = arith.constant 0 : i32
      %dma_wait3A_202 = arith.constant 0 : i32
      %dma_wait3A_203 = tpu.memref_slice %arg9[%dma_wait3A_201, %dma_wait3A_202] : memref<256x128xf32, #tpu.memory_space<vmem>> -> memref<128x128xf32, #tpu.memory_space<vmem>>
      %dma_wait3A_204 = arith.constant 0 : i32
      %dma_wait3A_205 = tpu.memref_slice %arg6[%dma_wait3A_200, %dma_wait3A_204] : memref<2x128xi32, #tpu.memory_space<vmem>> -> memref<1x128xi32, #tpu.memory_space<vmem>>
      %dma_wait3A_206 = tpu.memref_squeeze %dma_wait3A_205 : memref<1x128xi32, #tpu.memory_space<vmem>> -> memref<128xi32, #tpu.memory_space<vmem>>
      %dma_wait3A_207 = arith.constant 0 : i32
      %dma_wait3A_208 = arith.constant 0 : i32
      %dma_wait3A_209 = tpu.memref_slice %arg2[%dma_wait3A_207, %dma_wait3A_208] : memref<50000x128xf32, #tpu.memory_space<hbm>> -> memref<50000x128xf32, #tpu.memory_space<hbm>>
      tpu.wait_indirect_dma semaphore(%arg12 : memref<!tpu.dma_semaphore, #tpu.memory_space<semaphore_mem>>) src(%dma_wait3A_209 : memref<50000x128xf32, #tpu.memory_space<hbm>>) dst(%dma_wait3A_203 : memref<128x128xf32, #tpu.memory_space<vmem>>)
      %dma_wait3A_210 = arith.constant 1 : i32
      %dma_wait3A_211 = arith.constant 128 : i32
      %dma_wait3A_212 = arith.constant 0 : i32
      %dma_wait3A_213 = tpu.memref_slice %arg9[%dma_wait3A_211, %dma_wait3A_212] : memref<256x128xf32, #tpu.memory_space<vmem>> -> memref<128x128xf32, #tpu.memory_space<vmem>>
      %dma_wait3A_214 = arith.constant 0 : i32
      %dma_wait3A_215 = tpu.memref_slice %arg6[%dma_wait3A_210, %dma_wait3A_214] : memref<2x128xi32, #tpu.memory_space<vmem>> -> memref<1x128xi32, #tpu.memory_space<vmem>>
      %dma_wait3A_216 = tpu.memref_squeeze %dma_wait3A_215 : memref<1x128xi32, #tpu.memory_space<vmem>> -> memref<128xi32, #tpu.memory_space<vmem>>
      %dma_wait3A_217 = arith.constant 0 : i32
      %dma_wait3A_218 = arith.constant 0 : i32
      %dma_wait3A_219 = tpu.memref_slice %arg2[%dma_wait3A_217, %dma_wait3A_218] : memref<50000x128xf32, #tpu.memory_space<hbm>> -> memref<50000x128xf32, #tpu.memory_space<hbm>>
      tpu.wait_indirect_dma semaphore(%arg12 : memref<!tpu.dma_semaphore, #tpu.memory_space<semaphore_mem>>) src(%dma_wait3A_219 : memref<50000x128xf32, #tpu.memory_space<hbm>>) dst(%dma_wait3A_213 : memref<128x128xf32, #tpu.memory_space<vmem>>)
      %mul3A_220 = arith.constant 2 : i32
      %mul3A_221 = arith.muli %add3A_199, %mul3A_220 : i32
      %add3A_222 = arith.addi %mul3A_2, %mul3A_221 : i32
      %mul3A_223 = arith.constant 128 : i32
      %mul3A_224 = arith.muli %add3A_222, %mul3A_223 : i32
      %dma_start3A_225 = arith.constant 0 : i32
      %dma_start3A_226 = tpu.memref_slice %arg4[%mul3A_224, %dma_start3A_225] : memref<614400x128xf32, #tpu.memory_space<hbm>> -> memref<256x128xf32, #tpu.memory_space<hbm>>
      %dma_start3A_227 = arith.constant 0 : i32
      %dma_start3A_228 = tpu.memref_slice %arg4[%mul3A_224, %dma_start3A_227] : memref<614400x128xf32, #tpu.memory_space<hbm>> -> memref<256x128xf32, #tpu.memory_space<hbm>>
      tpu.enqueue_dma source(%arg9 : memref<256x128xf32, #tpu.memory_space<vmem>>) target(%dma_start3A_228 : memref<256x128xf32, #tpu.memory_space<hbm>>) target_semaphore(%arg15 : memref<!tpu.dma_semaphore, #tpu.memory_space<semaphore_mem>>)
      %mul3A_229 = arith.constant 3 : i32
      %mul3A_230 = arith.muli %scan3A_54, %mul3A_229 : i32
      %add3A_231 = arith.constant 2 : i32
      %add3A_232 = arith.addi %mul3A_230, %add3A_231 : i32
      %dma_wait3A_233 = arith.constant 0 : i32
      %dma_wait3A_234 = arith.constant 0 : i32
      %dma_wait3A_235 = arith.constant 0 : i32
      %dma_wait3A_236 = tpu.memref_slice %arg10[%dma_wait3A_234, %dma_wait3A_235] : memref<256x128xf32, #tpu.memory_space<vmem>> -> memref<128x128xf32, #tpu.memory_space<vmem>>
      %dma_wait3A_237 = arith.constant 0 : i32
      %dma_wait3A_238 = tpu.memref_slice %arg7[%dma_wait3A_233, %dma_wait3A_237] : memref<2x128xi32, #tpu.memory_space<vmem>> -> memref<1x128xi32, #tpu.memory_space<vmem>>
      %dma_wait3A_239 = tpu.memref_squeeze %dma_wait3A_238 : memref<1x128xi32, #tpu.memory_space<vmem>> -> memref<128xi32, #tpu.memory_space<vmem>>
      %dma_wait3A_240 = arith.constant 0 : i32
      %dma_wait3A_241 = arith.constant 0 : i32
      %dma_wait3A_242 = tpu.memref_slice %arg2[%dma_wait3A_240, %dma_wait3A_241] : memref<50000x128xf32, #tpu.memory_space<hbm>> -> memref<50000x128xf32, #tpu.memory_space<hbm>>
      tpu.wait_indirect_dma semaphore(%arg13 : memref<!tpu.dma_semaphore, #tpu.memory_space<semaphore_mem>>) src(%dma_wait3A_242 : memref<50000x128xf32, #tpu.memory_space<hbm>>) dst(%dma_wait3A_236 : memref<128x128xf32, #tpu.memory_space<vmem>>)
      %dma_wait3A_243 = arith.constant 1 : i32
      %dma_wait3A_244 = arith.constant 128 : i32
      %dma_wait3A_245 = arith.constant 0 : i32
      %dma_wait3A_246 = tpu.memref_slice %arg10[%dma_wait3A_244, %dma_wait3A_245] : memref<256x128xf32, #tpu.memory_space<vmem>> -> memref<128x128xf32, #tpu.memory_space<vmem>>
      %dma_wait3A_247 = arith.constant 0 : i32
      %dma_wait3A_248 = tpu.memref_slice %arg7[%dma_wait3A_243, %dma_wait3A_247] : memref<2x128xi32, #tpu.memory_space<vmem>> -> memref<1x128xi32, #tpu.memory_space<vmem>>
      %dma_wait3A_249 = tpu.memref_squeeze %dma_wait3A_248 : memref<1x128xi32, #tpu.memory_space<vmem>> -> memref<128xi32, #tpu.memory_space<vmem>>
      %dma_wait3A_250 = arith.constant 0 : i32
      %dma_wait3A_251 = arith.constant 0 : i32
      %dma_wait3A_252 = tpu.memref_slice %arg2[%dma_wait3A_250, %dma_wait3A_251] : memref<50000x128xf32, #tpu.memory_space<hbm>> -> memref<50000x128xf32, #tpu.memory_space<hbm>>
      tpu.wait_indirect_dma semaphore(%arg13 : memref<!tpu.dma_semaphore, #tpu.memory_space<semaphore_mem>>) src(%dma_wait3A_252 : memref<50000x128xf32, #tpu.memory_space<hbm>>) dst(%dma_wait3A_246 : memref<128x128xf32, #tpu.memory_space<vmem>>)
      %mul3A_253 = arith.constant 2 : i32
      %mul3A_254 = arith.muli %add3A_232, %mul3A_253 : i32
      %add3A_255 = arith.addi %mul3A_2, %mul3A_254 : i32
      %mul3A_256 = arith.constant 128 : i32
      %mul3A_257 = arith.muli %add3A_255, %mul3A_256 : i32
      %dma_start3A_258 = arith.constant 0 : i32
      %dma_start3A_259 = tpu.memref_slice %arg4[%mul3A_257, %dma_start3A_258] : memref<614400x128xf32, #tpu.memory_space<hbm>> -> memref<256x128xf32, #tpu.memory_space<hbm>>
      %dma_start3A_260 = arith.constant 0 : i32
      %dma_start3A_261 = tpu.memref_slice %arg4[%mul3A_257, %dma_start3A_260] : memref<614400x128xf32, #tpu.memory_space<hbm>> -> memref<256x128xf32, #tpu.memory_space<hbm>>
      tpu.enqueue_dma source(%arg10 : memref<256x128xf32, #tpu.memory_space<vmem>>) target(%dma_start3A_261 : memref<256x128xf32, #tpu.memory_space<hbm>>) target_semaphore(%arg16 : memref<!tpu.dma_semaphore, #tpu.memory_space<semaphore_mem>>)
    }
    %scan3A_30 = arith.constant 25 : i32
    %add3A_31 = arith.constant 0 : i32
    %add3A_32 = arith.addi %mul3A_2, %add3A_31 : i32
    %mul3A_33 = arith.constant 128 : i32
    %mul3A_34 = arith.muli %add3A_32, %mul3A_33 : i32
    %dma_wait3A = arith.constant 0 : i32
    %dma_wait3A_35 = tpu.memref_slice %arg4[%mul3A_34, %dma_wait3A] : memref<614400x128xf32, #tpu.memory_space<hbm>> -> memref<256x128xf32, #tpu.memory_space<hbm>>
    %dma_wait3A_36 = arith.constant 0 : i32
    %dma_wait3A_37 = tpu.memref_slice %arg4[%mul3A_34, %dma_wait3A_36] : memref<614400x128xf32, #tpu.memory_space<hbm>> -> memref<256x128xf32, #tpu.memory_space<hbm>>
    tpu.wait_dma2 semaphore(%arg14 : memref<!tpu.dma_semaphore, #tpu.memory_space<semaphore_mem>>) src(%arg8 : memref<256x128xf32, #tpu.memory_space<vmem>>) dst(%dma_wait3A_37 : memref<256x128xf32, #tpu.memory_space<hbm>>)
    %add3A_38 = arith.constant 2 : i32
    %add3A_39 = arith.addi %mul3A_2, %add3A_38 : i32
    %mul3A_40 = arith.constant 128 : i32
    %mul3A_41 = arith.muli %add3A_39, %mul3A_40 : i32
    %dma_wait3A_42 = arith.constant 0 : i32
    %dma_wait3A_43 = tpu.memref_slice %arg4[%mul3A_41, %dma_wait3A_42] : memref<614400x128xf32, #tpu.memory_space<hbm>> -> memref<256x128xf32, #tpu.memory_space<hbm>>
    %dma_wait3A_44 = arith.constant 0 : i32
    %dma_wait3A_45 = tpu.memref_slice %arg4[%mul3A_41, %dma_wait3A_44] : memref<614400x128xf32, #tpu.memory_space<hbm>> -> memref<256x128xf32, #tpu.memory_space<hbm>>
    tpu.wait_dma2 semaphore(%arg15 : memref<!tpu.dma_semaphore, #tpu.memory_space<semaphore_mem>>) src(%arg9 : memref<256x128xf32, #tpu.memory_space<vmem>>) dst(%dma_wait3A_45 : memref<256x128xf32, #tpu.memory_space<hbm>>)
    %add3A_46 = arith.constant 4 : i32
    %add3A_47 = arith.addi %mul3A_2, %add3A_46 : i32
    %mul3A_48 = arith.constant 128 : i32
    %mul3A_49 = arith.muli %add3A_47, %mul3A_48 : i32
    %dma_wait3A_50 = arith.constant 0 : i32
    %dma_wait3A_51 = tpu.memref_slice %arg4[%mul3A_49, %dma_wait3A_50] : memref<614400x128xf32, #tpu.memory_space<hbm>> -> memref<256x128xf32, #tpu.memory_space<hbm>>
    %dma_wait3A_52 = arith.constant 0 : i32
    %dma_wait3A_53 = tpu.memref_slice %arg4[%mul3A_49, %dma_wait3A_52] : memref<614400x128xf32, #tpu.memory_space<hbm>> -> memref<256x128xf32, #tpu.memory_space<hbm>>
    tpu.wait_dma2 semaphore(%arg16 : memref<!tpu.dma_semaphore, #tpu.memory_space<semaphore_mem>>) src(%arg10 : memref<256x128xf32, #tpu.memory_space<vmem>>) dst(%dma_wait3A_53 : memref<256x128xf32, #tpu.memory_space<hbm>>)
    return
  }
}

#map = affine_map<(d0, d1) -> (0, 0)>
module attributes {stable_mosaic.version = 14 : i64} {
  func.func @k(%arg0: i32, %arg1: i32, %arg2: memref<50000x128xf32, #tpu.memory_space<hbm>>, %arg3: memref<4800x128xi32, #tpu.memory_space<hbm>>, %arg4: memref<614400x128xf32, #tpu.memory_space<hbm>>, %arg5: memref<2x128xi32, #tpu.memory_space<vmem>>, %arg6: memref<2x128xi32, #tpu.memory_space<vmem>>, %arg7: memref<2x128xi32, #tpu.memory_space<vmem>>, %arg8: memref<256x128xf32, #tpu.memory_space<vmem>>, %arg9: memref<256x128xf32, #tpu.memory_space<vmem>>, %arg10: memref<256x128xf32, #tpu.memory_space<vmem>>, %arg11: memref<!tpu.dma_semaphore, #tpu.memory_space<semaphore_mem>>, %arg12: memref<!tpu.dma_semaphore, #tpu.memory_space<semaphore_mem>>, %arg13: memref<!tpu.dma_semaphore, #tpu.memory_space<semaphore_mem>>, %arg14: memref<!tpu.dma_semaphore, #tpu.memory_space<semaphore_mem>>, %arg15: memref<!tpu.dma_semaphore, #tpu.memory_space<semaphore_mem>>, %arg16: memref<!tpu.dma_semaphore, #tpu.memory_space<semaphore_mem>>) attributes {dimension_semantics = [#tpu.dimension_semantics<core_parallel>, #tpu.dimension_semantics<subcore_parallel>], iteration_bounds = array<i64: 2, 16>, scalar_prefetch = 0 : i64, scratch_operands = 12 : i64, tpu.core_type = #tpu.core_type<sc_vector_subcore>, window_params = [{transform_indices = #map}, {transform_indices = #map}, {transform_indices = #map}]} {
    %mul3A = arith.constant 2 : i32
    %mul3A_0 = arith.muli %arg1, %mul3A : i32
    %add3A = arith.addi %mul3A_0, %arg0 : i32
    %mul3A_1 = arith.constant 150 : i32
    %mul3A_2 = arith.muli %add3A, %mul3A_1 : i32
    %add3A_3 = arith.constant 0 : i32
    %add3A_4 = arith.addi %mul3A_2, %add3A_3 : i32
    %mul3A_5 = arith.constant 128 : i32
    %mul3A_6 = arith.muli %add3A_4, %mul3A_5 : i32
    %dma_start3A = arith.constant 0 : i32
    %dma_start3A_7 = tpu.memref_slice %arg4[%mul3A_6, %dma_start3A] : memref<614400x128xf32, #tpu.memory_space<hbm>> -> memref<256x128xf32, #tpu.memory_space<hbm>>
    %dma_start3A_8 = arith.constant 0 : i32
    %dma_start3A_9 = tpu.memref_slice %arg4[%mul3A_6, %dma_start3A_8] : memref<614400x128xf32, #tpu.memory_space<hbm>> -> memref<256x128xf32, #tpu.memory_space<hbm>>
    tpu.enqueue_dma source(%arg8 : memref<256x128xf32, #tpu.memory_space<vmem>>) target(%dma_start3A_9 : memref<256x128xf32, #tpu.memory_space<hbm>>) target_semaphore(%arg14 : memref<!tpu.dma_semaphore, #tpu.memory_space<semaphore_mem>>)
    %add3A_10 = arith.constant 2 : i32
    %add3A_11 = arith.addi %mul3A_2, %add3A_10 : i32
    %mul3A_12 = arith.constant 128 : i32
    %mul3A_13 = arith.muli %add3A_11, %mul3A_12 : i32
    %dma_start3A_14 = arith.constant 0 : i32
    %dma_start3A_15 = tpu.memref_slice %arg4[%mul3A_13, %dma_start3A_14] : memref<614400x128xf32, #tpu.memory_space<hbm>> -> memref<256x128xf32, #tpu.memory_space<hbm>>
    %dma_start3A_16 = arith.constant 0 : i32
    %dma_start3A_17 = tpu.memref_slice %arg4[%mul3A_13, %dma_start3A_16] : memref<614400x128xf32, #tpu.memory_space<hbm>> -> memref<256x128xf32, #tpu.memory_space<hbm>>
    tpu.enqueue_dma source(%arg9 : memref<256x128xf32, #tpu.memory_space<vmem>>) target(%dma_start3A_17 : memref<256x128xf32, #tpu.memory_space<hbm>>) target_semaphore(%arg15 : memref<!tpu.dma_semaphore, #tpu.memory_space<semaphore_mem>>)
    %add3A_18 = arith.constant 4 : i32
    %add3A_19 = arith.addi %mul3A_2, %add3A_18 : i32
    %mul3A_20 = arith.constant 128 : i32
    %mul3A_21 = arith.muli %add3A_19, %mul3A_20 : i32
    %dma_start3A_22 = arith.constant 0 : i32
    %dma_start3A_23 = tpu.memref_slice %arg4[%mul3A_21, %dma_start3A_22] : memref<614400x128xf32, #tpu.memory_space<hbm>> -> memref<256x128xf32, #tpu.memory_space<hbm>>
    %dma_start3A_24 = arith.constant 0 : i32
    %dma_start3A_25 = tpu.memref_slice %arg4[%mul3A_21, %dma_start3A_24] : memref<614400x128xf32, #tpu.memory_space<hbm>> -> memref<256x128xf32, #tpu.memory_space<hbm>>
    tpu.enqueue_dma source(%arg10 : memref<256x128xf32, #tpu.memory_space<vmem>>) target(%dma_start3A_25 : memref<256x128xf32, #tpu.memory_space<hbm>>) target_semaphore(%arg16 : memref<!tpu.dma_semaphore, #tpu.memory_space<semaphore_mem>>)
    %scan3A = arith.constant 0 : i32
    %scan3A_26 = arith.constant 0 : i32
    %scan3A_27 = arith.constant 25 : i32
    %scan3A_28 = arith.addi %scan3A_26, %scan3A_27 : i32
    %scan3A_29 = arith.constant 1 : i32
    scf.for %scan3A_54 = %scan3A_26 to %scan3A_28 step %scan3A_29  : i32 {
      %mul3A_55 = arith.constant 3 : i32
      %mul3A_56 = arith.muli %scan3A_54, %mul3A_55 : i32
      %add3A_57 = arith.constant 0 : i32
      %add3A_58 = arith.addi %mul3A_56, %add3A_57 : i32
      %mul3A_59 = arith.constant 2 : i32
      %mul3A_60 = arith.muli %add3A_58, %mul3A_59 : i32
      %add3A_61 = arith.addi %mul3A_2, %mul3A_60 : i32
      %mul3A_62 = arith.constant 128 : i32
      %mul3A_63 = arith.muli %add3A_61, %mul3A_62 : i32
      %dma_wait3A_64 = arith.constant 0 : i32
      %dma_wait3A_65 = tpu.memref_slice %arg4[%mul3A_63, %dma_wait3A_64] : memref<614400x128xf32, #tpu.memory_space<hbm>> -> memref<256x128xf32, #tpu.memory_space<hbm>>
      %dma_wait3A_66 = arith.constant 0 : i32
      %dma_wait3A_67 = tpu.memref_slice %arg4[%mul3A_63, %dma_wait3A_66] : memref<614400x128xf32, #tpu.memory_space<hbm>> -> memref<256x128xf32, #tpu.memory_space<hbm>>
      tpu.wait_dma2 semaphore(%arg14 : memref<!tpu.dma_semaphore, #tpu.memory_space<semaphore_mem>>) src(%arg8 : memref<256x128xf32, #tpu.memory_space<vmem>>) dst(%dma_wait3A_67 : memref<256x128xf32, #tpu.memory_space<hbm>>)
      %mul3A_68 = arith.constant 2 : i32
      %mul3A_69 = arith.muli %add3A_58, %mul3A_68 : i32
      %add3A_70 = arith.addi %mul3A_2, %mul3A_69 : i32
      "tpu.region"() ({
        %run_scoped3A = tpu.sem_alloc : memref<!tpu.dma_semaphore, #tpu.memory_space<semaphore_mem>>
        %dma_start3A_262 = arith.constant 0 : i32
        %dma_start3A_263 = tpu.memref_slice %arg3[%add3A_70, %dma_start3A_262] : memref<4800x128xi32, #tpu.memory_space<hbm>> -> memref<2x128xi32, #tpu.memory_space<hbm>>
        %dma_start3A_264 = arith.constant 0 : i32
        %dma_start3A_265 = tpu.memref_slice %arg3[%add3A_70, %dma_start3A_264] : memref<4800x128xi32, #tpu.memory_space<hbm>> -> memref<2x128xi32, #tpu.memory_space<hbm>>
        tpu.enqueue_dma source(%dma_start3A_265 : memref<2x128xi32, #tpu.memory_space<hbm>>) target(%arg5 : memref<2x128xi32, #tpu.memory_space<vmem>>) target_semaphore(%run_scoped3A : memref<!tpu.dma_semaphore, #tpu.memory_space<semaphore_mem>>)
        %dma_wait3A_266 = arith.constant 0 : i32
        %dma_wait3A_267 = tpu.memref_slice %arg3[%add3A_70, %dma_wait3A_266] : memref<4800x128xi32, #tpu.memory_space<hbm>> -> memref<2x128xi32, #tpu.memory_space<hbm>>
        %dma_wait3A_268 = arith.constant 0 : i32
        %dma_wait3A_269 = tpu.memref_slice %arg3[%add3A_70, %dma_wait3A_268] : memref<4800x128xi32, #tpu.memory_space<hbm>> -> memref<2x128xi32, #tpu.memory_space<hbm>>
        tpu.wait_dma2 semaphore(%run_scoped3A : memref<!tpu.dma_semaphore, #tpu.memory_space<semaphore_mem>>) src(%dma_wait3A_269 : memref<2x128xi32, #tpu.memory_space<hbm>>) dst(%arg5 : memref<2x128xi32, #tpu.memory_space<vmem>>)
        tpu.yield
      }) : () -> ()
      %dma_start3A_71 = arith.constant 0 : i32
      %dma_start3A_72 = arith.constant 0 : i32
      %dma_start3A_73 = arith.constant 0 : i32
      %dma_start3A_74 = tpu.memref_slice %arg8[%dma_start3A_72, %dma_start3A_73] : memref<256x128xf32, #tpu.memory_space<vmem>> -> memref<128x128xf32, #tpu.memory_space<vmem>>
      %dma_start3A_75 = arith.constant 0 : i32
      %dma_start3A_76 = tpu.memref_slice %arg5[%dma_start3A_71, %dma_start3A_75] : memref<2x128xi32, #tpu.memory_space<vmem>> -> memref<1x128xi32, #tpu.memory_space<vmem>>
      %dma_start3A_77 = tpu.memref_squeeze %dma_start3A_76 : memref<1x128xi32, #tpu.memory_space<vmem>> -> memref<128xi32, #tpu.memory_space<vmem>>
      %dma_start3A_78 = arith.constant 0 : i32
      %dma_start3A_79 = arith.constant 0 : i32
      %dma_start3A_80 = tpu.memref_slice %arg2[%dma_start3A_78, %dma_start3A_79] : memref<50000x128xf32, #tpu.memory_space<hbm>> -> memref<50000x128xf32, #tpu.memory_space<hbm>>
      tpu.enqueue_indirect_dma source(%dma_start3A_80 : memref<50000x128xf32, #tpu.memory_space<hbm>>) target(%dma_start3A_74 : memref<128x128xf32, #tpu.memory_space<vmem>>) offsets(%dma_start3A_77 : memref<128xi32, #tpu.memory_space<vmem>>) semaphore(%arg11 : memref<!tpu.dma_semaphore, #tpu.memory_space<semaphore_mem>>)
      %dma_start3A_81 = arith.constant 1 : i32
      %dma_start3A_82 = arith.constant 128 : i32
      %dma_start3A_83 = arith.constant 0 : i32
      %dma_start3A_84 = tpu.memref_slice %arg8[%dma_start3A_82, %dma_start3A_83] : memref<256x128xf32, #tpu.memory_space<vmem>> -> memref<128x128xf32, #tpu.memory_space<vmem>>
      %dma_start3A_85 = arith.constant 0 : i32
      %dma_start3A_86 = tpu.memref_slice %arg5[%dma_start3A_81, %dma_start3A_85] : memref<2x128xi32, #tpu.memory_space<vmem>> -> memref<1x128xi32, #tpu.memory_space<vmem>>
      %dma_start3A_87 = tpu.memref_squeeze %dma_start3A_86 : memref<1x128xi32, #tpu.memory_space<vmem>> -> memref<128xi32, #tpu.memory_space<vmem>>
      %dma_start3A_88 = arith.constant 0 : i32
      %dma_start3A_89 = arith.constant 0 : i32
      %dma_start3A_90 = tpu.memref_slice %arg2[%dma_start3A_88, %dma_start3A_89] : memref<50000x128xf32, #tpu.memory_space<hbm>> -> memref<50000x128xf32, #tpu.memory_space<hbm>>
      tpu.enqueue_indirect_dma source(%dma_start3A_90 : memref<50000x128xf32, #tpu.memory_space<hbm>>) target(%dma_start3A_84 : memref<128x128xf32, #tpu.memory_space<vmem>>) offsets(%dma_start3A_87 : memref<128xi32, #tpu.memory_space<vmem>>) semaphore(%arg11 : memref<!tpu.dma_semaphore, #tpu.memory_space<semaphore_mem>>)
      %mul3A_91 = arith.constant 3 : i32
      %mul3A_92 = arith.muli %scan3A_54, %mul3A_91 : i32
      %add3A_93 = arith.constant 1 : i32
      %add3A_94 = arith.addi %mul3A_92, %add3A_93 : i32
      %mul3A_95 = arith.constant 2 : i32
      %mul3A_96 = arith.muli %add3A_94, %mul3A_95 : i32
      %add3A_97 = arith.addi %mul3A_2, %mul3A_96 : i32
      %mul3A_98 = arith.constant 128 : i32
      %mul3A_99 = arith.muli %add3A_97, %mul3A_98 : i32
      %dma_wait3A_100 = arith.constant 0 : i32
      %dma_wait3A_101 = tpu.memref_slice %arg4[%mul3A_99, %dma_wait3A_100] : memref<614400x128xf32, #tpu.memory_space<hbm>> -> memref<256x128xf32, #tpu.memory_space<hbm>>
      %dma_wait3A_102 = arith.constant 0 : i32
      %dma_wait3A_103 = tpu.memref_slice %arg4[%mul3A_99, %dma_wait3A_102] : memref<614400x128xf32, #tpu.memory_space<hbm>> -> memref<256x128xf32, #tpu.memory_space<hbm>>
      tpu.wait_dma2 semaphore(%arg15 : memref<!tpu.dma_semaphore, #tpu.memory_space<semaphore_mem>>) src(%arg9 : memref<256x128xf32, #tpu.memory_space<vmem>>) dst(%dma_wait3A_103 : memref<256x128xf32, #tpu.memory_space<hbm>>)
      %mul3A_104 = arith.constant 2 : i32
      %mul3A_105 = arith.muli %add3A_94, %mul3A_104 : i32
      %add3A_106 = arith.addi %mul3A_2, %mul3A_105 : i32
      "tpu.region"() ({
        %run_scoped3A = tpu.sem_alloc : memref<!tpu.dma_semaphore, #tpu.memory_space<semaphore_mem>>
        %dma_start3A_262 = arith.constant 0 : i32
        %dma_start3A_263 = tpu.memref_slice %arg3[%add3A_106, %dma_start3A_262] : memref<4800x128xi32, #tpu.memory_space<hbm>> -> memref<2x128xi32, #tpu.memory_space<hbm>>
        %dma_start3A_264 = arith.constant 0 : i32
        %dma_start3A_265 = tpu.memref_slice %arg3[%add3A_106, %dma_start3A_264] : memref<4800x128xi32, #tpu.memory_space<hbm>> -> memref<2x128xi32, #tpu.memory_space<hbm>>
        tpu.enqueue_dma source(%dma_start3A_265 : memref<2x128xi32, #tpu.memory_space<hbm>>) target(%arg6 : memref<2x128xi32, #tpu.memory_space<vmem>>) target_semaphore(%run_scoped3A : memref<!tpu.dma_semaphore, #tpu.memory_space<semaphore_mem>>)
        %dma_wait3A_266 = arith.constant 0 : i32
        %dma_wait3A_267 = tpu.memref_slice %arg3[%add3A_106, %dma_wait3A_266] : memref<4800x128xi32, #tpu.memory_space<hbm>> -> memref<2x128xi32, #tpu.memory_space<hbm>>
        %dma_wait3A_268 = arith.constant 0 : i32
        %dma_wait3A_269 = tpu.memref_slice %arg3[%add3A_106, %dma_wait3A_268] : memref<4800x128xi32, #tpu.memory_space<hbm>> -> memref<2x128xi32, #tpu.memory_space<hbm>>
        tpu.wait_dma2 semaphore(%run_scoped3A : memref<!tpu.dma_semaphore, #tpu.memory_space<semaphore_mem>>) src(%dma_wait3A_269 : memref<2x128xi32, #tpu.memory_space<hbm>>) dst(%arg6 : memref<2x128xi32, #tpu.memory_space<vmem>>)
        tpu.yield
      }) : () -> ()
      %dma_start3A_107 = arith.constant 0 : i32
      %dma_start3A_108 = arith.constant 0 : i32
      %dma_start3A_109 = arith.constant 0 : i32
      %dma_start3A_110 = tpu.memref_slice %arg9[%dma_start3A_108, %dma_start3A_109] : memref<256x128xf32, #tpu.memory_space<vmem>> -> memref<128x128xf32, #tpu.memory_space<vmem>>
      %dma_start3A_111 = arith.constant 0 : i32
      %dma_start3A_112 = tpu.memref_slice %arg6[%dma_start3A_107, %dma_start3A_111] : memref<2x128xi32, #tpu.memory_space<vmem>> -> memref<1x128xi32, #tpu.memory_space<vmem>>
      %dma_start3A_113 = tpu.memref_squeeze %dma_start3A_112 : memref<1x128xi32, #tpu.memory_space<vmem>> -> memref<128xi32, #tpu.memory_space<vmem>>
      %dma_start3A_114 = arith.constant 0 : i32
      %dma_start3A_115 = arith.constant 0 : i32
      %dma_start3A_116 = tpu.memref_slice %arg2[%dma_start3A_114, %dma_start3A_115] : memref<50000x128xf32, #tpu.memory_space<hbm>> -> memref<50000x128xf32, #tpu.memory_space<hbm>>
      tpu.enqueue_indirect_dma source(%dma_start3A_116 : memref<50000x128xf32, #tpu.memory_space<hbm>>) target(%dma_start3A_110 : memref<128x128xf32, #tpu.memory_space<vmem>>) offsets(%dma_start3A_113 : memref<128xi32, #tpu.memory_space<vmem>>) semaphore(%arg12 : memref<!tpu.dma_semaphore, #tpu.memory_space<semaphore_mem>>)
      %dma_start3A_117 = arith.constant 1 : i32
      %dma_start3A_118 = arith.constant 128 : i32
      %dma_start3A_119 = arith.constant 0 : i32
      %dma_start3A_120 = tpu.memref_slice %arg9[%dma_start3A_118, %dma_start3A_119] : memref<256x128xf32, #tpu.memory_space<vmem>> -> memref<128x128xf32, #tpu.memory_space<vmem>>
      %dma_start3A_121 = arith.constant 0 : i32
      %dma_start3A_122 = tpu.memref_slice %arg6[%dma_start3A_117, %dma_start3A_121] : memref<2x128xi32, #tpu.memory_space<vmem>> -> memref<1x128xi32, #tpu.memory_space<vmem>>
      %dma_start3A_123 = tpu.memref_squeeze %dma_start3A_122 : memref<1x128xi32, #tpu.memory_space<vmem>> -> memref<128xi32, #tpu.memory_space<vmem>>
      %dma_start3A_124 = arith.constant 0 : i32
      %dma_start3A_125 = arith.constant 0 : i32
      %dma_start3A_126 = tpu.memref_slice %arg2[%dma_start3A_124, %dma_start3A_125] : memref<50000x128xf32, #tpu.memory_space<hbm>> -> memref<50000x128xf32, #tpu.memory_space<hbm>>
      tpu.enqueue_indirect_dma source(%dma_start3A_126 : memref<50000x128xf32, #tpu.memory_space<hbm>>) target(%dma_start3A_120 : memref<128x128xf32, #tpu.memory_space<vmem>>) offsets(%dma_start3A_123 : memref<128xi32, #tpu.memory_space<vmem>>) semaphore(%arg12 : memref<!tpu.dma_semaphore, #tpu.memory_space<semaphore_mem>>)
      %mul3A_127 = arith.constant 3 : i32
      %mul3A_128 = arith.muli %scan3A_54, %mul3A_127 : i32
      %add3A_129 = arith.constant 2 : i32
      %add3A_130 = arith.addi %mul3A_128, %add3A_129 : i32
      %mul3A_131 = arith.constant 2 : i32
      %mul3A_132 = arith.muli %add3A_130, %mul3A_131 : i32
      %add3A_133 = arith.addi %mul3A_2, %mul3A_132 : i32
      %mul3A_134 = arith.constant 128 : i32
      %mul3A_135 = arith.muli %add3A_133, %mul3A_134 : i32
      %dma_wait3A_136 = arith.constant 0 : i32
      %dma_wait3A_137 = tpu.memref_slice %arg4[%mul3A_135, %dma_wait3A_136] : memref<614400x128xf32, #tpu.memory_space<hbm>> -> memref<256x128xf32, #tpu.memory_space<hbm>>
      %dma_wait3A_138 = arith.constant 0 : i32
      %dma_wait3A_139 = tpu.memref_slice %arg4[%mul3A_135, %dma_wait3A_138] : memref<614400x128xf32, #tpu.memory_space<hbm>> -> memref<256x128xf32, #tpu.memory_space<hbm>>
      tpu.wait_dma2 semaphore(%arg16 : memref<!tpu.dma_semaphore, #tpu.memory_space<semaphore_mem>>) src(%arg10 : memref<256x128xf32, #tpu.memory_space<vmem>>) dst(%dma_wait3A_139 : memref<256x128xf32, #tpu.memory_space<hbm>>)
      %mul3A_140 = arith.constant 2 : i32
      %mul3A_141 = arith.muli %add3A_130, %mul3A_140 : i32
      %add3A_142 = arith.addi %mul3A_2, %mul3A_141 : i32
      "tpu.region"() ({
        %run_scoped3A = tpu.sem_alloc : memref<!tpu.dma_semaphore, #tpu.memory_space<semaphore_mem>>
        %dma_start3A_262 = arith.constant 0 : i32
        %dma_start3A_263 = tpu.memref_slice %arg3[%add3A_142, %dma_start3A_262] : memref<4800x128xi32, #tpu.memory_space<hbm>> -> memref<2x128xi32, #tpu.memory_space<hbm>>
        %dma_start3A_264 = arith.constant 0 : i32
        %dma_start3A_265 = tpu.memref_slice %arg3[%add3A_142, %dma_start3A_264] : memref<4800x128xi32, #tpu.memory_space<hbm>> -> memref<2x128xi32, #tpu.memory_space<hbm>>
        tpu.enqueue_dma source(%dma_start3A_265 : memref<2x128xi32, #tpu.memory_space<hbm>>) target(%arg7 : memref<2x128xi32, #tpu.memory_space<vmem>>) target_semaphore(%run_scoped3A : memref<!tpu.dma_semaphore, #tpu.memory_space<semaphore_mem>>)
        %dma_wait3A_266 = arith.constant 0 : i32
        %dma_wait3A_267 = tpu.memref_slice %arg3[%add3A_142, %dma_wait3A_266] : memref<4800x128xi32, #tpu.memory_space<hbm>> -> memref<2x128xi32, #tpu.memory_space<hbm>>
        %dma_wait3A_268 = arith.constant 0 : i32
        %dma_wait3A_269 = tpu.memref_slice %arg3[%add3A_142, %dma_wait3A_268] : memref<4800x128xi32, #tpu.memory_space<hbm>> -> memref<2x128xi32, #tpu.memory_space<hbm>>
        tpu.wait_dma2 semaphore(%run_scoped3A : memref<!tpu.dma_semaphore, #tpu.memory_space<semaphore_mem>>) src(%dma_wait3A_269 : memref<2x128xi32, #tpu.memory_space<hbm>>) dst(%arg7 : memref<2x128xi32, #tpu.memory_space<vmem>>)
        tpu.yield
      }) : () -> ()
      %dma_start3A_143 = arith.constant 0 : i32
      %dma_start3A_144 = arith.constant 0 : i32
      %dma_start3A_145 = arith.constant 0 : i32
      %dma_start3A_146 = tpu.memref_slice %arg10[%dma_start3A_144, %dma_start3A_145] : memref<256x128xf32, #tpu.memory_space<vmem>> -> memref<128x128xf32, #tpu.memory_space<vmem>>
      %dma_start3A_147 = arith.constant 0 : i32
      %dma_start3A_148 = tpu.memref_slice %arg7[%dma_start3A_143, %dma_start3A_147] : memref<2x128xi32, #tpu.memory_space<vmem>> -> memref<1x128xi32, #tpu.memory_space<vmem>>
      %dma_start3A_149 = tpu.memref_squeeze %dma_start3A_148 : memref<1x128xi32, #tpu.memory_space<vmem>> -> memref<128xi32, #tpu.memory_space<vmem>>
      %dma_start3A_150 = arith.constant 0 : i32
      %dma_start3A_151 = arith.constant 0 : i32
      %dma_start3A_152 = tpu.memref_slice %arg2[%dma_start3A_150, %dma_start3A_151] : memref<50000x128xf32, #tpu.memory_space<hbm>> -> memref<50000x128xf32, #tpu.memory_space<hbm>>
      tpu.enqueue_indirect_dma source(%dma_start3A_152 : memref<50000x128xf32, #tpu.memory_space<hbm>>) target(%dma_start3A_146 : memref<128x128xf32, #tpu.memory_space<vmem>>) offsets(%dma_start3A_149 : memref<128xi32, #tpu.memory_space<vmem>>) semaphore(%arg13 : memref<!tpu.dma_semaphore, #tpu.memory_space<semaphore_mem>>)
      %dma_start3A_153 = arith.constant 1 : i32
      %dma_start3A_154 = arith.constant 128 : i32
      %dma_start3A_155 = arith.constant 0 : i32
      %dma_start3A_156 = tpu.memref_slice %arg10[%dma_start3A_154, %dma_start3A_155] : memref<256x128xf32, #tpu.memory_space<vmem>> -> memref<128x128xf32, #tpu.memory_space<vmem>>
      %dma_start3A_157 = arith.constant 0 : i32
      %dma_start3A_158 = tpu.memref_slice %arg7[%dma_start3A_153, %dma_start3A_157] : memref<2x128xi32, #tpu.memory_space<vmem>> -> memref<1x128xi32, #tpu.memory_space<vmem>>
      %dma_start3A_159 = tpu.memref_squeeze %dma_start3A_158 : memref<1x128xi32, #tpu.memory_space<vmem>> -> memref<128xi32, #tpu.memory_space<vmem>>
      %dma_start3A_160 = arith.constant 0 : i32
      %dma_start3A_161 = arith.constant 0 : i32
      %dma_start3A_162 = tpu.memref_slice %arg2[%dma_start3A_160, %dma_start3A_161] : memref<50000x128xf32, #tpu.memory_space<hbm>> -> memref<50000x128xf32, #tpu.memory_space<hbm>>
      tpu.enqueue_indirect_dma source(%dma_start3A_162 : memref<50000x128xf32, #tpu.memory_space<hbm>>) target(%dma_start3A_156 : memref<128x128xf32, #tpu.memory_space<vmem>>) offsets(%dma_start3A_159 : memref<128xi32, #tpu.memory_space<vmem>>) semaphore(%arg13 : memref<!tpu.dma_semaphore, #tpu.memory_space<semaphore_mem>>)
      %mul3A_163 = arith.constant 3 : i32
      %mul3A_164 = arith.muli %scan3A_54, %mul3A_163 : i32
      %add3A_165 = arith.constant 0 : i32
      %add3A_166 = arith.addi %mul3A_164, %add3A_165 : i32
      %dma_wait3A_167 = arith.constant 0 : i32
      %dma_wait3A_168 = arith.constant 0 : i32
      %dma_wait3A_169 = arith.constant 0 : i32
      %dma_wait3A_170 = tpu.memref_slice %arg8[%dma_wait3A_168, %dma_wait3A_169] : memref<256x128xf32, #tpu.memory_space<vmem>> -> memref<128x128xf32, #tpu.memory_space<vmem>>
      %dma_wait3A_171 = arith.constant 0 : i32
      %dma_wait3A_172 = tpu.memref_slice %arg5[%dma_wait3A_167, %dma_wait3A_171] : memref<2x128xi32, #tpu.memory_space<vmem>> -> memref<1x128xi32, #tpu.memory_space<vmem>>
      %dma_wait3A_173 = tpu.memref_squeeze %dma_wait3A_172 : memref<1x128xi32, #tpu.memory_space<vmem>> -> memref<128xi32, #tpu.memory_space<vmem>>
      %dma_wait3A_174 = arith.constant 0 : i32
      %dma_wait3A_175 = arith.constant 0 : i32
      %dma_wait3A_176 = tpu.memref_slice %arg2[%dma_wait3A_174, %dma_wait3A_175] : memref<50000x128xf32, #tpu.memory_space<hbm>> -> memref<50000x128xf32, #tpu.memory_space<hbm>>
      tpu.wait_indirect_dma semaphore(%arg11 : memref<!tpu.dma_semaphore, #tpu.memory_space<semaphore_mem>>) src(%dma_wait3A_176 : memref<50000x128xf32, #tpu.memory_space<hbm>>) dst(%dma_wait3A_170 : memref<128x128xf32, #tpu.memory_space<vmem>>)
      %dma_wait3A_177 = arith.constant 1 : i32
      %dma_wait3A_178 = arith.constant 128 : i32
      %dma_wait3A_179 = arith.constant 0 : i32
      %dma_wait3A_180 = tpu.memref_slice %arg8[%dma_wait3A_178, %dma_wait3A_179] : memref<256x128xf32, #tpu.memory_space<vmem>> -> memref<128x128xf32, #tpu.memory_space<vmem>>
      %dma_wait3A_181 = arith.constant 0 : i32
      %dma_wait3A_182 = tpu.memref_slice %arg5[%dma_wait3A_177, %dma_wait3A_181] : memref<2x128xi32, #tpu.memory_space<vmem>> -> memref<1x128xi32, #tpu.memory_space<vmem>>
      %dma_wait3A_183 = tpu.memref_squeeze %dma_wait3A_182 : memref<1x128xi32, #tpu.memory_space<vmem>> -> memref<128xi32, #tpu.memory_space<vmem>>
      %dma_wait3A_184 = arith.constant 0 : i32
      %dma_wait3A_185 = arith.constant 0 : i32
      %dma_wait3A_186 = tpu.memref_slice %arg2[%dma_wait3A_184, %dma_wait3A_185] : memref<50000x128xf32, #tpu.memory_space<hbm>> -> memref<50000x128xf32, #tpu.memory_space<hbm>>
      tpu.wait_indirect_dma semaphore(%arg11 : memref<!tpu.dma_semaphore, #tpu.memory_space<semaphore_mem>>) src(%dma_wait3A_186 : memref<50000x128xf32, #tpu.memory_space<hbm>>) dst(%dma_wait3A_180 : memref<128x128xf32, #tpu.memory_space<vmem>>)
      %mul3A_187 = arith.constant 2 : i32
      %mul3A_188 = arith.muli %add3A_166, %mul3A_187 : i32
      %add3A_189 = arith.addi %mul3A_2, %mul3A_188 : i32
      %mul3A_190 = arith.constant 128 : i32
      %mul3A_191 = arith.muli %add3A_189, %mul3A_190 : i32
      %dma_start3A_192 = arith.constant 0 : i32
      %dma_start3A_193 = tpu.memref_slice %arg4[%mul3A_191, %dma_start3A_192] : memref<614400x128xf32, #tpu.memory_space<hbm>> -> memref<256x128xf32, #tpu.memory_space<hbm>>
      %dma_start3A_194 = arith.constant 0 : i32
      %dma_start3A_195 = tpu.memref_slice %arg4[%mul3A_191, %dma_start3A_194] : memref<614400x128xf32, #tpu.memory_space<hbm>> -> memref<256x128xf32, #tpu.memory_space<hbm>>
      tpu.enqueue_dma source(%arg8 : memref<256x128xf32, #tpu.memory_space<vmem>>) target(%dma_start3A_195 : memref<256x128xf32, #tpu.memory_space<hbm>>) target_semaphore(%arg14 : memref<!tpu.dma_semaphore, #tpu.memory_space<semaphore_mem>>)
      %mul3A_196 = arith.constant 3 : i32
      %mul3A_197 = arith.muli %scan3A_54, %mul3A_196 : i32
      %add3A_198 = arith.constant 1 : i32
      %add3A_199 = arith.addi %mul3A_197, %add3A_198 : i32
      %dma_wait3A_200 = arith.constant 0 : i32
      %dma_wait3A_201 = arith.constant 0 : i32
      %dma_wait3A_202 = arith.constant 0 : i32
      %dma_wait3A_203 = tpu.memref_slice %arg9[%dma_wait3A_201, %dma_wait3A_202] : memref<256x128xf32, #tpu.memory_space<vmem>> -> memref<128x128xf32, #tpu.memory_space<vmem>>
      %dma_wait3A_204 = arith.constant 0 : i32
      %dma_wait3A_205 = tpu.memref_slice %arg6[%dma_wait3A_200, %dma_wait3A_204] : memref<2x128xi32, #tpu.memory_space<vmem>> -> memref<1x128xi32, #tpu.memory_space<vmem>>
      %dma_wait3A_206 = tpu.memref_squeeze %dma_wait3A_205 : memref<1x128xi32, #tpu.memory_space<vmem>> -> memref<128xi32, #tpu.memory_space<vmem>>
      %dma_wait3A_207 = arith.constant 0 : i32
      %dma_wait3A_208 = arith.constant 0 : i32
      %dma_wait3A_209 = tpu.memref_slice %arg2[%dma_wait3A_207, %dma_wait3A_208] : memref<50000x128xf32, #tpu.memory_space<hbm>> -> memref<50000x128xf32, #tpu.memory_space<hbm>>
      tpu.wait_indirect_dma semaphore(%arg12 : memref<!tpu.dma_semaphore, #tpu.memory_space<semaphore_mem>>) src(%dma_wait3A_209 : memref<50000x128xf32, #tpu.memory_space<hbm>>) dst(%dma_wait3A_203 : memref<128x128xf32, #tpu.memory_space<vmem>>)
      %dma_wait3A_210 = arith.constant 1 : i32
      %dma_wait3A_211 = arith.constant 128 : i32
      %dma_wait3A_212 = arith.constant 0 : i32
      %dma_wait3A_213 = tpu.memref_slice %arg9[%dma_wait3A_211, %dma_wait3A_212] : memref<256x128xf32, #tpu.memory_space<vmem>> -> memref<128x128xf32, #tpu.memory_space<vmem>>
      %dma_wait3A_214 = arith.constant 0 : i32
      %dma_wait3A_215 = tpu.memref_slice %arg6[%dma_wait3A_210, %dma_wait3A_214] : memref<2x128xi32, #tpu.memory_space<vmem>> -> memref<1x128xi32, #tpu.memory_space<vmem>>
      %dma_wait3A_216 = tpu.memref_squeeze %dma_wait3A_215 : memref<1x128xi32, #tpu.memory_space<vmem>> -> memref<128xi32, #tpu.memory_space<vmem>>
      %dma_wait3A_217 = arith.constant 0 : i32
      %dma_wait3A_218 = arith.constant 0 : i32
      %dma_wait3A_219 = tpu.memref_slice %arg2[%dma_wait3A_217, %dma_wait3A_218] : memref<50000x128xf32, #tpu.memory_space<hbm>> -> memref<50000x128xf32, #tpu.memory_space<hbm>>
      tpu.wait_indirect_dma semaphore(%arg12 : memref<!tpu.dma_semaphore, #tpu.memory_space<semaphore_mem>>) src(%dma_wait3A_219 : memref<50000x128xf32, #tpu.memory_space<hbm>>) dst(%dma_wait3A_213 : memref<128x128xf32, #tpu.memory_space<vmem>>)
      %mul3A_220 = arith.constant 2 : i32
      %mul3A_221 = arith.muli %add3A_199, %mul3A_220 : i32
      %add3A_222 = arith.addi %mul3A_2, %mul3A_221 : i32
      %mul3A_223 = arith.constant 128 : i32
      %mul3A_224 = arith.muli %add3A_222, %mul3A_223 : i32
      %dma_start3A_225 = arith.constant 0 : i32
      %dma_start3A_226 = tpu.memref_slice %arg4[%mul3A_224, %dma_start3A_225] : memref<614400x128xf32, #tpu.memory_space<hbm>> -> memref<256x128xf32, #tpu.memory_space<hbm>>
      %dma_start3A_227 = arith.constant 0 : i32
      %dma_start3A_228 = tpu.memref_slice %arg4[%mul3A_224, %dma_start3A_227] : memref<614400x128xf32, #tpu.memory_space<hbm>> -> memref<256x128xf32, #tpu.memory_space<hbm>>
      tpu.enqueue_dma source(%arg9 : memref<256x128xf32, #tpu.memory_space<vmem>>) target(%dma_start3A_228 : memref<256x128xf32, #tpu.memory_space<hbm>>) target_semaphore(%arg15 : memref<!tpu.dma_semaphore, #tpu.memory_space<semaphore_mem>>)
      %mul3A_229 = arith.constant 3 : i32
      %mul3A_230 = arith.muli %scan3A_54, %mul3A_229 : i32
      %add3A_231 = arith.constant 2 : i32
      %add3A_232 = arith.addi %mul3A_230, %add3A_231 : i32
      %dma_wait3A_233 = arith.constant 0 : i32
      %dma_wait3A_234 = arith.constant 0 : i32
      %dma_wait3A_235 = arith.constant 0 : i32
      %dma_wait3A_236 = tpu.memref_slice %arg10[%dma_wait3A_234, %dma_wait3A_235] : memref<256x128xf32, #tpu.memory_space<vmem>> -> memref<128x128xf32, #tpu.memory_space<vmem>>
      %dma_wait3A_237 = arith.constant 0 : i32
      %dma_wait3A_238 = tpu.memref_slice %arg7[%dma_wait3A_233, %dma_wait3A_237] : memref<2x128xi32, #tpu.memory_space<vmem>> -> memref<1x128xi32, #tpu.memory_space<vmem>>
      %dma_wait3A_239 = tpu.memref_squeeze %dma_wait3A_238 : memref<1x128xi32, #tpu.memory_space<vmem>> -> memref<128xi32, #tpu.memory_space<vmem>>
      %dma_wait3A_240 = arith.constant 0 : i32
      %dma_wait3A_241 = arith.constant 0 : i32
      %dma_wait3A_242 = tpu.memref_slice %arg2[%dma_wait3A_240, %dma_wait3A_241] : memref<50000x128xf32, #tpu.memory_space<hbm>> -> memref<50000x128xf32, #tpu.memory_space<hbm>>
      tpu.wait_indirect_dma semaphore(%arg13 : memref<!tpu.dma_semaphore, #tpu.memory_space<semaphore_mem>>) src(%dma_wait3A_242 : memref<50000x128xf32, #tpu.memory_space<hbm>>) dst(%dma_wait3A_236 : memref<128x128xf32, #tpu.memory_space<vmem>>)
      %dma_wait3A_243 = arith.constant 1 : i32
      %dma_wait3A_244 = arith.constant 128 : i32
      %dma_wait3A_245 = arith.constant 0 : i32
      %dma_wait3A_246 = tpu.memref_slice %arg10[%dma_wait3A_244, %dma_wait3A_245] : memref<256x128xf32, #tpu.memory_space<vmem>> -> memref<128x128xf32, #tpu.memory_space<vmem>>
      %dma_wait3A_247 = arith.constant 0 : i32
      %dma_wait3A_248 = tpu.memref_slice %arg7[%dma_wait3A_243, %dma_wait3A_247] : memref<2x128xi32, #tpu.memory_space<vmem>> -> memref<1x128xi32, #tpu.memory_space<vmem>>
      %dma_wait3A_249 = tpu.memref_squeeze %dma_wait3A_248 : memref<1x128xi32, #tpu.memory_space<vmem>> -> memref<128xi32, #tpu.memory_space<vmem>>
      %dma_wait3A_250 = arith.constant 0 : i32
      %dma_wait3A_251 = arith.constant 0 : i32
      %dma_wait3A_252 = tpu.memref_slice %arg2[%dma_wait3A_250, %dma_wait3A_251] : memref<50000x128xf32, #tpu.memory_space<hbm>> -> memref<50000x128xf32, #tpu.memory_space<hbm>>
      tpu.wait_indirect_dma semaphore(%arg13 : memref<!tpu.dma_semaphore, #tpu.memory_space<semaphore_mem>>) src(%dma_wait3A_252 : memref<50000x128xf32, #tpu.memory_space<hbm>>) dst(%dma_wait3A_246 : memref<128x128xf32, #tpu.memory_space<vmem>>)
      %mul3A_253 = arith.constant 2 : i32
      %mul3A_254 = arith.muli %add3A_232, %mul3A_253 : i32
      %add3A_255 = arith.addi %mul3A_2, %mul3A_254 : i32
      %mul3A_256 = arith.constant 128 : i32
      %mul3A_257 = arith.muli %add3A_255, %mul3A_256 : i32
      %dma_start3A_258 = arith.constant 0 : i32
      %dma_start3A_259 = tpu.memref_slice %arg4[%mul3A_257, %dma_start3A_258] : memref<614400x128xf32, #tpu.memory_space<hbm>> -> memref<256x128xf32, #tpu.memory_space<hbm>>
      %dma_start3A_260 = arith.constant 0 : i32
      %dma_start3A_261 = tpu.memref_slice %arg4[%mul3A_257, %dma_start3A_260] : memref<614400x128xf32, #tpu.memory_space<hbm>> -> memref<256x128xf32, #tpu.memory_space<hbm>>
      tpu.enqueue_dma source(%arg10 : memref<256x128xf32, #tpu.memory_space<vmem>>) target(%dma_start3A_261 : memref<256x128xf32, #tpu.memory_space<hbm>>) target_semaphore(%arg16 : memref<!tpu.dma_semaphore, #tpu.memory_space<semaphore_mem>>)
    }
    %scan3A_30 = arith.constant 25 : i32
    %add3A_31 = arith.constant 0 : i32
    %add3A_32 = arith.addi %mul3A_2, %add3A_31 : i32
    %mul3A_33 = arith.constant 128 : i32
    %mul3A_34 = arith.muli %add3A_32, %mul3A_33 : i32
    %dma_wait3A = arith.constant 0 : i32
    %dma_wait3A_35 = tpu.memref_slice %arg4[%mul3A_34, %dma_wait3A] : memref<614400x128xf32, #tpu.memory_space<hbm>> -> memref<256x128xf32, #tpu.memory_space<hbm>>
    %dma_wait3A_36 = arith.constant 0 : i32
    %dma_wait3A_37 = tpu.memref_slice %arg4[%mul3A_34, %dma_wait3A_36] : memref<614400x128xf32, #tpu.memory_space<hbm>> -> memref<256x128xf32, #tpu.memory_space<hbm>>
    tpu.wait_dma2 semaphore(%arg14 : memref<!tpu.dma_semaphore, #tpu.memory_space<semaphore_mem>>) src(%arg8 : memref<256x128xf32, #tpu.memory_space<vmem>>) dst(%dma_wait3A_37 : memref<256x128xf32, #tpu.memory_space<hbm>>)
    %add3A_38 = arith.constant 2 : i32
    %add3A_39 = arith.addi %mul3A_2, %add3A_38 : i32
    %mul3A_40 = arith.constant 128 : i32
    %mul3A_41 = arith.muli %add3A_39, %mul3A_40 : i32
    %dma_wait3A_42 = arith.constant 0 : i32
    %dma_wait3A_43 = tpu.memref_slice %arg4[%mul3A_41, %dma_wait3A_42] : memref<614400x128xf32, #tpu.memory_space<hbm>> -> memref<256x128xf32, #tpu.memory_space<hbm>>
    %dma_wait3A_44 = arith.constant 0 : i32
    %dma_wait3A_45 = tpu.memref_slice %arg4[%mul3A_41, %dma_wait3A_44] : memref<614400x128xf32, #tpu.memory_space<hbm>> -> memref<256x128xf32, #tpu.memory_space<hbm>>
    tpu.wait_dma2 semaphore(%arg15 : memref<!tpu.dma_semaphore, #tpu.memory_space<semaphore_mem>>) src(%arg9 : memref<256x128xf32, #tpu.memory_space<vmem>>) dst(%dma_wait3A_45 : memref<256x128xf32, #tpu.memory_space<hbm>>)
    %add3A_46 = arith.constant 4 : i32
    %add3A_47 = arith.addi %mul3A_2, %add3A_46 : i32
    %mul3A_48 = arith.constant 128 : i32
    %mul3A_49 = arith.muli %add3A_47, %mul3A_48 : i32
    %dma_wait3A_50 = arith.constant 0 : i32
    %dma_wait3A_51 = tpu.memref_slice %arg4[%mul3A_49, %dma_wait3A_50] : memref<614400x128xf32, #tpu.memory_space<hbm>> -> memref<256x128xf32, #tpu.memory_space<hbm>>
    %dma_wait3A_52 = arith.constant 0 : i32
    %dma_wait3A_53 = tpu.memref_slice %arg4[%mul3A_49, %dma_wait3A_52] : memref<614400x128xf32, #tpu.memory_space<hbm>> -> memref<256x128xf32, #tpu.memory_space<hbm>>
    tpu.wait_dma2 semaphore(%arg16 : memref<!tpu.dma_semaphore, #tpu.memory_space<semaphore_mem>>) src(%arg10 : memref<256x128xf32, #tpu.memory_space<vmem>>) dst(%dma_wait3A_53 : memref<256x128xf32, #tpu.memory_space<hbm>>)
    return
  }
}

#map = affine_map<(d0, d1) -> (0, 0)>
module attributes {stable_mosaic.version = 14 : i64} {
  func.func @k(%arg0: i32, %arg1: i32, %arg2: memref<50000x128xf32, #tpu.memory_space<hbm>>, %arg3: memref<4800x128xi32, #tpu.memory_space<hbm>>, %arg4: memref<614400x128xf32, #tpu.memory_space<hbm>>, %arg5: memref<2x128xi32, #tpu.memory_space<vmem>>, %arg6: memref<2x128xi32, #tpu.memory_space<vmem>>, %arg7: memref<2x128xi32, #tpu.memory_space<vmem>>, %arg8: memref<256x128xf32, #tpu.memory_space<vmem>>, %arg9: memref<256x128xf32, #tpu.memory_space<vmem>>, %arg10: memref<256x128xf32, #tpu.memory_space<vmem>>, %arg11: memref<!tpu.dma_semaphore, #tpu.memory_space<semaphore_mem>>, %arg12: memref<!tpu.dma_semaphore, #tpu.memory_space<semaphore_mem>>, %arg13: memref<!tpu.dma_semaphore, #tpu.memory_space<semaphore_mem>>, %arg14: memref<!tpu.dma_semaphore, #tpu.memory_space<semaphore_mem>>, %arg15: memref<!tpu.dma_semaphore, #tpu.memory_space<semaphore_mem>>, %arg16: memref<!tpu.dma_semaphore, #tpu.memory_space<semaphore_mem>>) attributes {dimension_semantics = [#tpu.dimension_semantics<core_parallel>, #tpu.dimension_semantics<subcore_parallel>], iteration_bounds = array<i64: 2, 16>, scalar_prefetch = 0 : i64, scratch_operands = 12 : i64, tpu.core_type = #tpu.core_type<sc_vector_subcore>, window_params = [{transform_indices = #map}, {transform_indices = #map}, {transform_indices = #map}]} {
    %mul3A = arith.constant 2 : i32
    %mul3A_0 = arith.muli %arg1, %mul3A : i32
    %add3A = arith.addi %mul3A_0, %arg0 : i32
    %mul3A_1 = arith.constant 150 : i32
    %mul3A_2 = arith.muli %add3A, %mul3A_1 : i32
    %add3A_3 = arith.constant 0 : i32
    %add3A_4 = arith.addi %mul3A_2, %add3A_3 : i32
    %mul3A_5 = arith.constant 128 : i32
    %mul3A_6 = arith.muli %add3A_4, %mul3A_5 : i32
    %dma_start3A = arith.constant 0 : i32
    %dma_start3A_7 = tpu.memref_slice %arg4[%mul3A_6, %dma_start3A] : memref<614400x128xf32, #tpu.memory_space<hbm>> -> memref<256x128xf32, #tpu.memory_space<hbm>>
    %dma_start3A_8 = arith.constant 0 : i32
    %dma_start3A_9 = tpu.memref_slice %arg4[%mul3A_6, %dma_start3A_8] : memref<614400x128xf32, #tpu.memory_space<hbm>> -> memref<256x128xf32, #tpu.memory_space<hbm>>
    tpu.enqueue_dma source(%arg8 : memref<256x128xf32, #tpu.memory_space<vmem>>) target(%dma_start3A_9 : memref<256x128xf32, #tpu.memory_space<hbm>>) target_semaphore(%arg14 : memref<!tpu.dma_semaphore, #tpu.memory_space<semaphore_mem>>)
    %add3A_10 = arith.constant 2 : i32
    %add3A_11 = arith.addi %mul3A_2, %add3A_10 : i32
    %mul3A_12 = arith.constant 128 : i32
    %mul3A_13 = arith.muli %add3A_11, %mul3A_12 : i32
    %dma_start3A_14 = arith.constant 0 : i32
    %dma_start3A_15 = tpu.memref_slice %arg4[%mul3A_13, %dma_start3A_14] : memref<614400x128xf32, #tpu.memory_space<hbm>> -> memref<256x128xf32, #tpu.memory_space<hbm>>
    %dma_start3A_16 = arith.constant 0 : i32
    %dma_start3A_17 = tpu.memref_slice %arg4[%mul3A_13, %dma_start3A_16] : memref<614400x128xf32, #tpu.memory_space<hbm>> -> memref<256x128xf32, #tpu.memory_space<hbm>>
    tpu.enqueue_dma source(%arg9 : memref<256x128xf32, #tpu.memory_space<vmem>>) target(%dma_start3A_17 : memref<256x128xf32, #tpu.memory_space<hbm>>) target_semaphore(%arg15 : memref<!tpu.dma_semaphore, #tpu.memory_space<semaphore_mem>>)
    %add3A_18 = arith.constant 4 : i32
    %add3A_19 = arith.addi %mul3A_2, %add3A_18 : i32
    %mul3A_20 = arith.constant 128 : i32
    %mul3A_21 = arith.muli %add3A_19, %mul3A_20 : i32
    %dma_start3A_22 = arith.constant 0 : i32
    %dma_start3A_23 = tpu.memref_slice %arg4[%mul3A_21, %dma_start3A_22] : memref<614400x128xf32, #tpu.memory_space<hbm>> -> memref<256x128xf32, #tpu.memory_space<hbm>>
    %dma_start3A_24 = arith.constant 0 : i32
    %dma_start3A_25 = tpu.memref_slice %arg4[%mul3A_21, %dma_start3A_24] : memref<614400x128xf32, #tpu.memory_space<hbm>> -> memref<256x128xf32, #tpu.memory_space<hbm>>
    tpu.enqueue_dma source(%arg10 : memref<256x128xf32, #tpu.memory_space<vmem>>) target(%dma_start3A_25 : memref<256x128xf32, #tpu.memory_space<hbm>>) target_semaphore(%arg16 : memref<!tpu.dma_semaphore, #tpu.memory_space<semaphore_mem>>)
    %scan3A = arith.constant 0 : i32
    %scan3A_26 = arith.constant 0 : i32
    %scan3A_27 = arith.constant 25 : i32
    %scan3A_28 = arith.addi %scan3A_26, %scan3A_27 : i32
    %scan3A_29 = arith.constant 1 : i32
    scf.for %scan3A_54 = %scan3A_26 to %scan3A_28 step %scan3A_29  : i32 {
      %mul3A_55 = arith.constant 3 : i32
      %mul3A_56 = arith.muli %scan3A_54, %mul3A_55 : i32
      %add3A_57 = arith.constant 0 : i32
      %add3A_58 = arith.addi %mul3A_56, %add3A_57 : i32
      %mul3A_59 = arith.constant 2 : i32
      %mul3A_60 = arith.muli %add3A_58, %mul3A_59 : i32
      %add3A_61 = arith.addi %mul3A_2, %mul3A_60 : i32
      %mul3A_62 = arith.constant 128 : i32
      %mul3A_63 = arith.muli %add3A_61, %mul3A_62 : i32
      %dma_wait3A_64 = arith.constant 0 : i32
      %dma_wait3A_65 = tpu.memref_slice %arg4[%mul3A_63, %dma_wait3A_64] : memref<614400x128xf32, #tpu.memory_space<hbm>> -> memref<256x128xf32, #tpu.memory_space<hbm>>
      %dma_wait3A_66 = arith.constant 0 : i32
      %dma_wait3A_67 = tpu.memref_slice %arg4[%mul3A_63, %dma_wait3A_66] : memref<614400x128xf32, #tpu.memory_space<hbm>> -> memref<256x128xf32, #tpu.memory_space<hbm>>
      tpu.wait_dma2 semaphore(%arg14 : memref<!tpu.dma_semaphore, #tpu.memory_space<semaphore_mem>>) src(%arg8 : memref<256x128xf32, #tpu.memory_space<vmem>>) dst(%dma_wait3A_67 : memref<256x128xf32, #tpu.memory_space<hbm>>)
      %mul3A_68 = arith.constant 2 : i32
      %mul3A_69 = arith.muli %add3A_58, %mul3A_68 : i32
      %add3A_70 = arith.addi %mul3A_2, %mul3A_69 : i32
      "tpu.region"() ({
        %run_scoped3A = tpu.sem_alloc : memref<!tpu.dma_semaphore, #tpu.memory_space<semaphore_mem>>
        %dma_start3A_262 = arith.constant 0 : i32
        %dma_start3A_263 = tpu.memref_slice %arg3[%add3A_70, %dma_start3A_262] : memref<4800x128xi32, #tpu.memory_space<hbm>> -> memref<2x128xi32, #tpu.memory_space<hbm>>
        %dma_start3A_264 = arith.constant 0 : i32
        %dma_start3A_265 = tpu.memref_slice %arg3[%add3A_70, %dma_start3A_264] : memref<4800x128xi32, #tpu.memory_space<hbm>> -> memref<2x128xi32, #tpu.memory_space<hbm>>
        tpu.enqueue_dma source(%dma_start3A_265 : memref<2x128xi32, #tpu.memory_space<hbm>>) target(%arg5 : memref<2x128xi32, #tpu.memory_space<vmem>>) target_semaphore(%run_scoped3A : memref<!tpu.dma_semaphore, #tpu.memory_space<semaphore_mem>>)
        %dma_wait3A_266 = arith.constant 0 : i32
        %dma_wait3A_267 = tpu.memref_slice %arg3[%add3A_70, %dma_wait3A_266] : memref<4800x128xi32, #tpu.memory_space<hbm>> -> memref<2x128xi32, #tpu.memory_space<hbm>>
        %dma_wait3A_268 = arith.constant 0 : i32
        %dma_wait3A_269 = tpu.memref_slice %arg3[%add3A_70, %dma_wait3A_268] : memref<4800x128xi32, #tpu.memory_space<hbm>> -> memref<2x128xi32, #tpu.memory_space<hbm>>
        tpu.wait_dma2 semaphore(%run_scoped3A : memref<!tpu.dma_semaphore, #tpu.memory_space<semaphore_mem>>) src(%dma_wait3A_269 : memref<2x128xi32, #tpu.memory_space<hbm>>) dst(%arg5 : memref<2x128xi32, #tpu.memory_space<vmem>>)
        tpu.yield
      }) : () -> ()
      %dma_start3A_71 = arith.constant 0 : i32
      %dma_start3A_72 = arith.constant 0 : i32
      %dma_start3A_73 = arith.constant 0 : i32
      %dma_start3A_74 = tpu.memref_slice %arg8[%dma_start3A_72, %dma_start3A_73] : memref<256x128xf32, #tpu.memory_space<vmem>> -> memref<128x128xf32, #tpu.memory_space<vmem>>
      %dma_start3A_75 = arith.constant 0 : i32
      %dma_start3A_76 = tpu.memref_slice %arg5[%dma_start3A_71, %dma_start3A_75] : memref<2x128xi32, #tpu.memory_space<vmem>> -> memref<1x128xi32, #tpu.memory_space<vmem>>
      %dma_start3A_77 = tpu.memref_squeeze %dma_start3A_76 : memref<1x128xi32, #tpu.memory_space<vmem>> -> memref<128xi32, #tpu.memory_space<vmem>>
      %dma_start3A_78 = arith.constant 0 : i32
      %dma_start3A_79 = arith.constant 0 : i32
      %dma_start3A_80 = tpu.memref_slice %arg2[%dma_start3A_78, %dma_start3A_79] : memref<50000x128xf32, #tpu.memory_space<hbm>> -> memref<50000x128xf32, #tpu.memory_space<hbm>>
      tpu.enqueue_indirect_dma source(%dma_start3A_80 : memref<50000x128xf32, #tpu.memory_space<hbm>>) target(%dma_start3A_74 : memref<128x128xf32, #tpu.memory_space<vmem>>) offsets(%dma_start3A_77 : memref<128xi32, #tpu.memory_space<vmem>>) semaphore(%arg11 : memref<!tpu.dma_semaphore, #tpu.memory_space<semaphore_mem>>)
      %dma_start3A_81 = arith.constant 1 : i32
      %dma_start3A_82 = arith.constant 128 : i32
      %dma_start3A_83 = arith.constant 0 : i32
      %dma_start3A_84 = tpu.memref_slice %arg8[%dma_start3A_82, %dma_start3A_83] : memref<256x128xf32, #tpu.memory_space<vmem>> -> memref<128x128xf32, #tpu.memory_space<vmem>>
      %dma_start3A_85 = arith.constant 0 : i32
      %dma_start3A_86 = tpu.memref_slice %arg5[%dma_start3A_81, %dma_start3A_85] : memref<2x128xi32, #tpu.memory_space<vmem>> -> memref<1x128xi32, #tpu.memory_space<vmem>>
      %dma_start3A_87 = tpu.memref_squeeze %dma_start3A_86 : memref<1x128xi32, #tpu.memory_space<vmem>> -> memref<128xi32, #tpu.memory_space<vmem>>
      %dma_start3A_88 = arith.constant 0 : i32
      %dma_start3A_89 = arith.constant 0 : i32
      %dma_start3A_90 = tpu.memref_slice %arg2[%dma_start3A_88, %dma_start3A_89] : memref<50000x128xf32, #tpu.memory_space<hbm>> -> memref<50000x128xf32, #tpu.memory_space<hbm>>
      tpu.enqueue_indirect_dma source(%dma_start3A_90 : memref<50000x128xf32, #tpu.memory_space<hbm>>) target(%dma_start3A_84 : memref<128x128xf32, #tpu.memory_space<vmem>>) offsets(%dma_start3A_87 : memref<128xi32, #tpu.memory_space<vmem>>) semaphore(%arg11 : memref<!tpu.dma_semaphore, #tpu.memory_space<semaphore_mem>>)
      %mul3A_91 = arith.constant 3 : i32
      %mul3A_92 = arith.muli %scan3A_54, %mul3A_91 : i32
      %add3A_93 = arith.constant 1 : i32
      %add3A_94 = arith.addi %mul3A_92, %add3A_93 : i32
      %mul3A_95 = arith.constant 2 : i32
      %mul3A_96 = arith.muli %add3A_94, %mul3A_95 : i32
      %add3A_97 = arith.addi %mul3A_2, %mul3A_96 : i32
      %mul3A_98 = arith.constant 128 : i32
      %mul3A_99 = arith.muli %add3A_97, %mul3A_98 : i32
      %dma_wait3A_100 = arith.constant 0 : i32
      %dma_wait3A_101 = tpu.memref_slice %arg4[%mul3A_99, %dma_wait3A_100] : memref<614400x128xf32, #tpu.memory_space<hbm>> -> memref<256x128xf32, #tpu.memory_space<hbm>>
      %dma_wait3A_102 = arith.constant 0 : i32
      %dma_wait3A_103 = tpu.memref_slice %arg4[%mul3A_99, %dma_wait3A_102] : memref<614400x128xf32, #tpu.memory_space<hbm>> -> memref<256x128xf32, #tpu.memory_space<hbm>>
      tpu.wait_dma2 semaphore(%arg15 : memref<!tpu.dma_semaphore, #tpu.memory_space<semaphore_mem>>) src(%arg9 : memref<256x128xf32, #tpu.memory_space<vmem>>) dst(%dma_wait3A_103 : memref<256x128xf32, #tpu.memory_space<hbm>>)
      %mul3A_104 = arith.constant 2 : i32
      %mul3A_105 = arith.muli %add3A_94, %mul3A_104 : i32
      %add3A_106 = arith.addi %mul3A_2, %mul3A_105 : i32
      "tpu.region"() ({
        %run_scoped3A = tpu.sem_alloc : memref<!tpu.dma_semaphore, #tpu.memory_space<semaphore_mem>>
        %dma_start3A_262 = arith.constant 0 : i32
        %dma_start3A_263 = tpu.memref_slice %arg3[%add3A_106, %dma_start3A_262] : memref<4800x128xi32, #tpu.memory_space<hbm>> -> memref<2x128xi32, #tpu.memory_space<hbm>>
        %dma_start3A_264 = arith.constant 0 : i32
        %dma_start3A_265 = tpu.memref_slice %arg3[%add3A_106, %dma_start3A_264] : memref<4800x128xi32, #tpu.memory_space<hbm>> -> memref<2x128xi32, #tpu.memory_space<hbm>>
        tpu.enqueue_dma source(%dma_start3A_265 : memref<2x128xi32, #tpu.memory_space<hbm>>) target(%arg6 : memref<2x128xi32, #tpu.memory_space<vmem>>) target_semaphore(%run_scoped3A : memref<!tpu.dma_semaphore, #tpu.memory_space<semaphore_mem>>)
        %dma_wait3A_266 = arith.constant 0 : i32
        %dma_wait3A_267 = tpu.memref_slice %arg3[%add3A_106, %dma_wait3A_266] : memref<4800x128xi32, #tpu.memory_space<hbm>> -> memref<2x128xi32, #tpu.memory_space<hbm>>
        %dma_wait3A_268 = arith.constant 0 : i32
        %dma_wait3A_269 = tpu.memref_slice %arg3[%add3A_106, %dma_wait3A_268] : memref<4800x128xi32, #tpu.memory_space<hbm>> -> memref<2x128xi32, #tpu.memory_space<hbm>>
        tpu.wait_dma2 semaphore(%run_scoped3A : memref<!tpu.dma_semaphore, #tpu.memory_space<semaphore_mem>>) src(%dma_wait3A_269 : memref<2x128xi32, #tpu.memory_space<hbm>>) dst(%arg6 : memref<2x128xi32, #tpu.memory_space<vmem>>)
        tpu.yield
      }) : () -> ()
      %dma_start3A_107 = arith.constant 0 : i32
      %dma_start3A_108 = arith.constant 0 : i32
      %dma_start3A_109 = arith.constant 0 : i32
      %dma_start3A_110 = tpu.memref_slice %arg9[%dma_start3A_108, %dma_start3A_109] : memref<256x128xf32, #tpu.memory_space<vmem>> -> memref<128x128xf32, #tpu.memory_space<vmem>>
      %dma_start3A_111 = arith.constant 0 : i32
      %dma_start3A_112 = tpu.memref_slice %arg6[%dma_start3A_107, %dma_start3A_111] : memref<2x128xi32, #tpu.memory_space<vmem>> -> memref<1x128xi32, #tpu.memory_space<vmem>>
      %dma_start3A_113 = tpu.memref_squeeze %dma_start3A_112 : memref<1x128xi32, #tpu.memory_space<vmem>> -> memref<128xi32, #tpu.memory_space<vmem>>
      %dma_start3A_114 = arith.constant 0 : i32
      %dma_start3A_115 = arith.constant 0 : i32
      %dma_start3A_116 = tpu.memref_slice %arg2[%dma_start3A_114, %dma_start3A_115] : memref<50000x128xf32, #tpu.memory_space<hbm>> -> memref<50000x128xf32, #tpu.memory_space<hbm>>
      tpu.enqueue_indirect_dma source(%dma_start3A_116 : memref<50000x128xf32, #tpu.memory_space<hbm>>) target(%dma_start3A_110 : memref<128x128xf32, #tpu.memory_space<vmem>>) offsets(%dma_start3A_113 : memref<128xi32, #tpu.memory_space<vmem>>) semaphore(%arg12 : memref<!tpu.dma_semaphore, #tpu.memory_space<semaphore_mem>>)
      %dma_start3A_117 = arith.constant 1 : i32
      %dma_start3A_118 = arith.constant 128 : i32
      %dma_start3A_119 = arith.constant 0 : i32
      %dma_start3A_120 = tpu.memref_slice %arg9[%dma_start3A_118, %dma_start3A_119] : memref<256x128xf32, #tpu.memory_space<vmem>> -> memref<128x128xf32, #tpu.memory_space<vmem>>
      %dma_start3A_121 = arith.constant 0 : i32
      %dma_start3A_122 = tpu.memref_slice %arg6[%dma_start3A_117, %dma_start3A_121] : memref<2x128xi32, #tpu.memory_space<vmem>> -> memref<1x128xi32, #tpu.memory_space<vmem>>
      %dma_start3A_123 = tpu.memref_squeeze %dma_start3A_122 : memref<1x128xi32, #tpu.memory_space<vmem>> -> memref<128xi32, #tpu.memory_space<vmem>>
      %dma_start3A_124 = arith.constant 0 : i32
      %dma_start3A_125 = arith.constant 0 : i32
      %dma_start3A_126 = tpu.memref_slice %arg2[%dma_start3A_124, %dma_start3A_125] : memref<50000x128xf32, #tpu.memory_space<hbm>> -> memref<50000x128xf32, #tpu.memory_space<hbm>>
      tpu.enqueue_indirect_dma source(%dma_start3A_126 : memref<50000x128xf32, #tpu.memory_space<hbm>>) target(%dma_start3A_120 : memref<128x128xf32, #tpu.memory_space<vmem>>) offsets(%dma_start3A_123 : memref<128xi32, #tpu.memory_space<vmem>>) semaphore(%arg12 : memref<!tpu.dma_semaphore, #tpu.memory_space<semaphore_mem>>)
      %mul3A_127 = arith.constant 3 : i32
      %mul3A_128 = arith.muli %scan3A_54, %mul3A_127 : i32
      %add3A_129 = arith.constant 2 : i32
      %add3A_130 = arith.addi %mul3A_128, %add3A_129 : i32
      %mul3A_131 = arith.constant 2 : i32
      %mul3A_132 = arith.muli %add3A_130, %mul3A_131 : i32
      %add3A_133 = arith.addi %mul3A_2, %mul3A_132 : i32
      %mul3A_134 = arith.constant 128 : i32
      %mul3A_135 = arith.muli %add3A_133, %mul3A_134 : i32
      %dma_wait3A_136 = arith.constant 0 : i32
      %dma_wait3A_137 = tpu.memref_slice %arg4[%mul3A_135, %dma_wait3A_136] : memref<614400x128xf32, #tpu.memory_space<hbm>> -> memref<256x128xf32, #tpu.memory_space<hbm>>
      %dma_wait3A_138 = arith.constant 0 : i32
      %dma_wait3A_139 = tpu.memref_slice %arg4[%mul3A_135, %dma_wait3A_138] : memref<614400x128xf32, #tpu.memory_space<hbm>> -> memref<256x128xf32, #tpu.memory_space<hbm>>
      tpu.wait_dma2 semaphore(%arg16 : memref<!tpu.dma_semaphore, #tpu.memory_space<semaphore_mem>>) src(%arg10 : memref<256x128xf32, #tpu.memory_space<vmem>>) dst(%dma_wait3A_139 : memref<256x128xf32, #tpu.memory_space<hbm>>)
      %mul3A_140 = arith.constant 2 : i32
      %mul3A_141 = arith.muli %add3A_130, %mul3A_140 : i32
      %add3A_142 = arith.addi %mul3A_2, %mul3A_141 : i32
      "tpu.region"() ({
        %run_scoped3A = tpu.sem_alloc : memref<!tpu.dma_semaphore, #tpu.memory_space<semaphore_mem>>
        %dma_start3A_262 = arith.constant 0 : i32
        %dma_start3A_263 = tpu.memref_slice %arg3[%add3A_142, %dma_start3A_262] : memref<4800x128xi32, #tpu.memory_space<hbm>> -> memref<2x128xi32, #tpu.memory_space<hbm>>
        %dma_start3A_264 = arith.constant 0 : i32
        %dma_start3A_265 = tpu.memref_slice %arg3[%add3A_142, %dma_start3A_264] : memref<4800x128xi32, #tpu.memory_space<hbm>> -> memref<2x128xi32, #tpu.memory_space<hbm>>
        tpu.enqueue_dma source(%dma_start3A_265 : memref<2x128xi32, #tpu.memory_space<hbm>>) target(%arg7 : memref<2x128xi32, #tpu.memory_space<vmem>>) target_semaphore(%run_scoped3A : memref<!tpu.dma_semaphore, #tpu.memory_space<semaphore_mem>>)
        %dma_wait3A_266 = arith.constant 0 : i32
        %dma_wait3A_267 = tpu.memref_slice %arg3[%add3A_142, %dma_wait3A_266] : memref<4800x128xi32, #tpu.memory_space<hbm>> -> memref<2x128xi32, #tpu.memory_space<hbm>>
        %dma_wait3A_268 = arith.constant 0 : i32
        %dma_wait3A_269 = tpu.memref_slice %arg3[%add3A_142, %dma_wait3A_268] : memref<4800x128xi32, #tpu.memory_space<hbm>> -> memref<2x128xi32, #tpu.memory_space<hbm>>
        tpu.wait_dma2 semaphore(%run_scoped3A : memref<!tpu.dma_semaphore, #tpu.memory_space<semaphore_mem>>) src(%dma_wait3A_269 : memref<2x128xi32, #tpu.memory_space<hbm>>) dst(%arg7 : memref<2x128xi32, #tpu.memory_space<vmem>>)
        tpu.yield
      }) : () -> ()
      %dma_start3A_143 = arith.constant 0 : i32
      %dma_start3A_144 = arith.constant 0 : i32
      %dma_start3A_145 = arith.constant 0 : i32
      %dma_start3A_146 = tpu.memref_slice %arg10[%dma_start3A_144, %dma_start3A_145] : memref<256x128xf32, #tpu.memory_space<vmem>> -> memref<128x128xf32, #tpu.memory_space<vmem>>
      %dma_start3A_147 = arith.constant 0 : i32
      %dma_start3A_148 = tpu.memref_slice %arg7[%dma_start3A_143, %dma_start3A_147] : memref<2x128xi32, #tpu.memory_space<vmem>> -> memref<1x128xi32, #tpu.memory_space<vmem>>
      %dma_start3A_149 = tpu.memref_squeeze %dma_start3A_148 : memref<1x128xi32, #tpu.memory_space<vmem>> -> memref<128xi32, #tpu.memory_space<vmem>>
      %dma_start3A_150 = arith.constant 0 : i32
      %dma_start3A_151 = arith.constant 0 : i32
      %dma_start3A_152 = tpu.memref_slice %arg2[%dma_start3A_150, %dma_start3A_151] : memref<50000x128xf32, #tpu.memory_space<hbm>> -> memref<50000x128xf32, #tpu.memory_space<hbm>>
      tpu.enqueue_indirect_dma source(%dma_start3A_152 : memref<50000x128xf32, #tpu.memory_space<hbm>>) target(%dma_start3A_146 : memref<128x128xf32, #tpu.memory_space<vmem>>) offsets(%dma_start3A_149 : memref<128xi32, #tpu.memory_space<vmem>>) semaphore(%arg13 : memref<!tpu.dma_semaphore, #tpu.memory_space<semaphore_mem>>)
      %dma_start3A_153 = arith.constant 1 : i32
      %dma_start3A_154 = arith.constant 128 : i32
      %dma_start3A_155 = arith.constant 0 : i32
      %dma_start3A_156 = tpu.memref_slice %arg10[%dma_start3A_154, %dma_start3A_155] : memref<256x128xf32, #tpu.memory_space<vmem>> -> memref<128x128xf32, #tpu.memory_space<vmem>>
      %dma_start3A_157 = arith.constant 0 : i32
      %dma_start3A_158 = tpu.memref_slice %arg7[%dma_start3A_153, %dma_start3A_157] : memref<2x128xi32, #tpu.memory_space<vmem>> -> memref<1x128xi32, #tpu.memory_space<vmem>>
      %dma_start3A_159 = tpu.memref_squeeze %dma_start3A_158 : memref<1x128xi32, #tpu.memory_space<vmem>> -> memref<128xi32, #tpu.memory_space<vmem>>
      %dma_start3A_160 = arith.constant 0 : i32
      %dma_start3A_161 = arith.constant 0 : i32
      %dma_start3A_162 = tpu.memref_slice %arg2[%dma_start3A_160, %dma_start3A_161] : memref<50000x128xf32, #tpu.memory_space<hbm>> -> memref<50000x128xf32, #tpu.memory_space<hbm>>
      tpu.enqueue_indirect_dma source(%dma_start3A_162 : memref<50000x128xf32, #tpu.memory_space<hbm>>) target(%dma_start3A_156 : memref<128x128xf32, #tpu.memory_space<vmem>>) offsets(%dma_start3A_159 : memref<128xi32, #tpu.memory_space<vmem>>) semaphore(%arg13 : memref<!tpu.dma_semaphore, #tpu.memory_space<semaphore_mem>>)
      %mul3A_163 = arith.constant 3 : i32
      %mul3A_164 = arith.muli %scan3A_54, %mul3A_163 : i32
      %add3A_165 = arith.constant 0 : i32
      %add3A_166 = arith.addi %mul3A_164, %add3A_165 : i32
      %dma_wait3A_167 = arith.constant 0 : i32
      %dma_wait3A_168 = arith.constant 0 : i32
      %dma_wait3A_169 = arith.constant 0 : i32
      %dma_wait3A_170 = tpu.memref_slice %arg8[%dma_wait3A_168, %dma_wait3A_169] : memref<256x128xf32, #tpu.memory_space<vmem>> -> memref<128x128xf32, #tpu.memory_space<vmem>>
      %dma_wait3A_171 = arith.constant 0 : i32
      %dma_wait3A_172 = tpu.memref_slice %arg5[%dma_wait3A_167, %dma_wait3A_171] : memref<2x128xi32, #tpu.memory_space<vmem>> -> memref<1x128xi32, #tpu.memory_space<vmem>>
      %dma_wait3A_173 = tpu.memref_squeeze %dma_wait3A_172 : memref<1x128xi32, #tpu.memory_space<vmem>> -> memref<128xi32, #tpu.memory_space<vmem>>
      %dma_wait3A_174 = arith.constant 0 : i32
      %dma_wait3A_175 = arith.constant 0 : i32
      %dma_wait3A_176 = tpu.memref_slice %arg2[%dma_wait3A_174, %dma_wait3A_175] : memref<50000x128xf32, #tpu.memory_space<hbm>> -> memref<50000x128xf32, #tpu.memory_space<hbm>>
      tpu.wait_indirect_dma semaphore(%arg11 : memref<!tpu.dma_semaphore, #tpu.memory_space<semaphore_mem>>) src(%dma_wait3A_176 : memref<50000x128xf32, #tpu.memory_space<hbm>>) dst(%dma_wait3A_170 : memref<128x128xf32, #tpu.memory_space<vmem>>)
      %dma_wait3A_177 = arith.constant 1 : i32
      %dma_wait3A_178 = arith.constant 128 : i32
      %dma_wait3A_179 = arith.constant 0 : i32
      %dma_wait3A_180 = tpu.memref_slice %arg8[%dma_wait3A_178, %dma_wait3A_179] : memref<256x128xf32, #tpu.memory_space<vmem>> -> memref<128x128xf32, #tpu.memory_space<vmem>>
      %dma_wait3A_181 = arith.constant 0 : i32
      %dma_wait3A_182 = tpu.memref_slice %arg5[%dma_wait3A_177, %dma_wait3A_181] : memref<2x128xi32, #tpu.memory_space<vmem>> -> memref<1x128xi32, #tpu.memory_space<vmem>>
      %dma_wait3A_183 = tpu.memref_squeeze %dma_wait3A_182 : memref<1x128xi32, #tpu.memory_space<vmem>> -> memref<128xi32, #tpu.memory_space<vmem>>
      %dma_wait3A_184 = arith.constant 0 : i32
      %dma_wait3A_185 = arith.constant 0 : i32
      %dma_wait3A_186 = tpu.memref_slice %arg2[%dma_wait3A_184, %dma_wait3A_185] : memref<50000x128xf32, #tpu.memory_space<hbm>> -> memref<50000x128xf32, #tpu.memory_space<hbm>>
      tpu.wait_indirect_dma semaphore(%arg11 : memref<!tpu.dma_semaphore, #tpu.memory_space<semaphore_mem>>) src(%dma_wait3A_186 : memref<50000x128xf32, #tpu.memory_space<hbm>>) dst(%dma_wait3A_180 : memref<128x128xf32, #tpu.memory_space<vmem>>)
      %mul3A_187 = arith.constant 2 : i32
      %mul3A_188 = arith.muli %add3A_166, %mul3A_187 : i32
      %add3A_189 = arith.addi %mul3A_2, %mul3A_188 : i32
      %mul3A_190 = arith.constant 128 : i32
      %mul3A_191 = arith.muli %add3A_189, %mul3A_190 : i32
      %dma_start3A_192 = arith.constant 0 : i32
      %dma_start3A_193 = tpu.memref_slice %arg4[%mul3A_191, %dma_start3A_192] : memref<614400x128xf32, #tpu.memory_space<hbm>> -> memref<256x128xf32, #tpu.memory_space<hbm>>
      %dma_start3A_194 = arith.constant 0 : i32
      %dma_start3A_195 = tpu.memref_slice %arg4[%mul3A_191, %dma_start3A_194] : memref<614400x128xf32, #tpu.memory_space<hbm>> -> memref<256x128xf32, #tpu.memory_space<hbm>>
      tpu.enqueue_dma source(%arg8 : memref<256x128xf32, #tpu.memory_space<vmem>>) target(%dma_start3A_195 : memref<256x128xf32, #tpu.memory_space<hbm>>) target_semaphore(%arg14 : memref<!tpu.dma_semaphore, #tpu.memory_space<semaphore_mem>>)
      %mul3A_196 = arith.constant 3 : i32
      %mul3A_197 = arith.muli %scan3A_54, %mul3A_196 : i32
      %add3A_198 = arith.constant 1 : i32
      %add3A_199 = arith.addi %mul3A_197, %add3A_198 : i32
      %dma_wait3A_200 = arith.constant 0 : i32
      %dma_wait3A_201 = arith.constant 0 : i32
      %dma_wait3A_202 = arith.constant 0 : i32
      %dma_wait3A_203 = tpu.memref_slice %arg9[%dma_wait3A_201, %dma_wait3A_202] : memref<256x128xf32, #tpu.memory_space<vmem>> -> memref<128x128xf32, #tpu.memory_space<vmem>>
      %dma_wait3A_204 = arith.constant 0 : i32
      %dma_wait3A_205 = tpu.memref_slice %arg6[%dma_wait3A_200, %dma_wait3A_204] : memref<2x128xi32, #tpu.memory_space<vmem>> -> memref<1x128xi32, #tpu.memory_space<vmem>>
      %dma_wait3A_206 = tpu.memref_squeeze %dma_wait3A_205 : memref<1x128xi32, #tpu.memory_space<vmem>> -> memref<128xi32, #tpu.memory_space<vmem>>
      %dma_wait3A_207 = arith.constant 0 : i32
      %dma_wait3A_208 = arith.constant 0 : i32
      %dma_wait3A_209 = tpu.memref_slice %arg2[%dma_wait3A_207, %dma_wait3A_208] : memref<50000x128xf32, #tpu.memory_space<hbm>> -> memref<50000x128xf32, #tpu.memory_space<hbm>>
      tpu.wait_indirect_dma semaphore(%arg12 : memref<!tpu.dma_semaphore, #tpu.memory_space<semaphore_mem>>) src(%dma_wait3A_209 : memref<50000x128xf32, #tpu.memory_space<hbm>>) dst(%dma_wait3A_203 : memref<128x128xf32, #tpu.memory_space<vmem>>)
      %dma_wait3A_210 = arith.constant 1 : i32
      %dma_wait3A_211 = arith.constant 128 : i32
      %dma_wait3A_212 = arith.constant 0 : i32
      %dma_wait3A_213 = tpu.memref_slice %arg9[%dma_wait3A_211, %dma_wait3A_212] : memref<256x128xf32, #tpu.memory_space<vmem>> -> memref<128x128xf32, #tpu.memory_space<vmem>>
      %dma_wait3A_214 = arith.constant 0 : i32
      %dma_wait3A_215 = tpu.memref_slice %arg6[%dma_wait3A_210, %dma_wait3A_214] : memref<2x128xi32, #tpu.memory_space<vmem>> -> memref<1x128xi32, #tpu.memory_space<vmem>>
      %dma_wait3A_216 = tpu.memref_squeeze %dma_wait3A_215 : memref<1x128xi32, #tpu.memory_space<vmem>> -> memref<128xi32, #tpu.memory_space<vmem>>
      %dma_wait3A_217 = arith.constant 0 : i32
      %dma_wait3A_218 = arith.constant 0 : i32
      %dma_wait3A_219 = tpu.memref_slice %arg2[%dma_wait3A_217, %dma_wait3A_218] : memref<50000x128xf32, #tpu.memory_space<hbm>> -> memref<50000x128xf32, #tpu.memory_space<hbm>>
      tpu.wait_indirect_dma semaphore(%arg12 : memref<!tpu.dma_semaphore, #tpu.memory_space<semaphore_mem>>) src(%dma_wait3A_219 : memref<50000x128xf32, #tpu.memory_space<hbm>>) dst(%dma_wait3A_213 : memref<128x128xf32, #tpu.memory_space<vmem>>)
      %mul3A_220 = arith.constant 2 : i32
      %mul3A_221 = arith.muli %add3A_199, %mul3A_220 : i32
      %add3A_222 = arith.addi %mul3A_2, %mul3A_221 : i32
      %mul3A_223 = arith.constant 128 : i32
      %mul3A_224 = arith.muli %add3A_222, %mul3A_223 : i32
      %dma_start3A_225 = arith.constant 0 : i32
      %dma_start3A_226 = tpu.memref_slice %arg4[%mul3A_224, %dma_start3A_225] : memref<614400x128xf32, #tpu.memory_space<hbm>> -> memref<256x128xf32, #tpu.memory_space<hbm>>
      %dma_start3A_227 = arith.constant 0 : i32
      %dma_start3A_228 = tpu.memref_slice %arg4[%mul3A_224, %dma_start3A_227] : memref<614400x128xf32, #tpu.memory_space<hbm>> -> memref<256x128xf32, #tpu.memory_space<hbm>>
      tpu.enqueue_dma source(%arg9 : memref<256x128xf32, #tpu.memory_space<vmem>>) target(%dma_start3A_228 : memref<256x128xf32, #tpu.memory_space<hbm>>) target_semaphore(%arg15 : memref<!tpu.dma_semaphore, #tpu.memory_space<semaphore_mem>>)
      %mul3A_229 = arith.constant 3 : i32
      %mul3A_230 = arith.muli %scan3A_54, %mul3A_229 : i32
      %add3A_231 = arith.constant 2 : i32
      %add3A_232 = arith.addi %mul3A_230, %add3A_231 : i32
      %dma_wait3A_233 = arith.constant 0 : i32
      %dma_wait3A_234 = arith.constant 0 : i32
      %dma_wait3A_235 = arith.constant 0 : i32
      %dma_wait3A_236 = tpu.memref_slice %arg10[%dma_wait3A_234, %dma_wait3A_235] : memref<256x128xf32, #tpu.memory_space<vmem>> -> memref<128x128xf32, #tpu.memory_space<vmem>>
      %dma_wait3A_237 = arith.constant 0 : i32
      %dma_wait3A_238 = tpu.memref_slice %arg7[%dma_wait3A_233, %dma_wait3A_237] : memref<2x128xi32, #tpu.memory_space<vmem>> -> memref<1x128xi32, #tpu.memory_space<vmem>>
      %dma_wait3A_239 = tpu.memref_squeeze %dma_wait3A_238 : memref<1x128xi32, #tpu.memory_space<vmem>> -> memref<128xi32, #tpu.memory_space<vmem>>
      %dma_wait3A_240 = arith.constant 0 : i32
      %dma_wait3A_241 = arith.constant 0 : i32
      %dma_wait3A_242 = tpu.memref_slice %arg2[%dma_wait3A_240, %dma_wait3A_241] : memref<50000x128xf32, #tpu.memory_space<hbm>> -> memref<50000x128xf32, #tpu.memory_space<hbm>>
      tpu.wait_indirect_dma semaphore(%arg13 : memref<!tpu.dma_semaphore, #tpu.memory_space<semaphore_mem>>) src(%dma_wait3A_242 : memref<50000x128xf32, #tpu.memory_space<hbm>>) dst(%dma_wait3A_236 : memref<128x128xf32, #tpu.memory_space<vmem>>)
      %dma_wait3A_243 = arith.constant 1 : i32
      %dma_wait3A_244 = arith.constant 128 : i32
      %dma_wait3A_245 = arith.constant 0 : i32
      %dma_wait3A_246 = tpu.memref_slice %arg10[%dma_wait3A_244, %dma_wait3A_245] : memref<256x128xf32, #tpu.memory_space<vmem>> -> memref<128x128xf32, #tpu.memory_space<vmem>>
      %dma_wait3A_247 = arith.constant 0 : i32
      %dma_wait3A_248 = tpu.memref_slice %arg7[%dma_wait3A_243, %dma_wait3A_247] : memref<2x128xi32, #tpu.memory_space<vmem>> -> memref<1x128xi32, #tpu.memory_space<vmem>>
      %dma_wait3A_249 = tpu.memref_squeeze %dma_wait3A_248 : memref<1x128xi32, #tpu.memory_space<vmem>> -> memref<128xi32, #tpu.memory_space<vmem>>
      %dma_wait3A_250 = arith.constant 0 : i32
      %dma_wait3A_251 = arith.constant 0 : i32
      %dma_wait3A_252 = tpu.memref_slice %arg2[%dma_wait3A_250, %dma_wait3A_251] : memref<50000x128xf32, #tpu.memory_space<hbm>> -> memref<50000x128xf32, #tpu.memory_space<hbm>>
      tpu.wait_indirect_dma semaphore(%arg13 : memref<!tpu.dma_semaphore, #tpu.memory_space<semaphore_mem>>) src(%dma_wait3A_252 : memref<50000x128xf32, #tpu.memory_space<hbm>>) dst(%dma_wait3A_246 : memref<128x128xf32, #tpu.memory_space<vmem>>)
      %mul3A_253 = arith.constant 2 : i32
      %mul3A_254 = arith.muli %add3A_232, %mul3A_253 : i32
      %add3A_255 = arith.addi %mul3A_2, %mul3A_254 : i32
      %mul3A_256 = arith.constant 128 : i32
      %mul3A_257 = arith.muli %add3A_255, %mul3A_256 : i32
      %dma_start3A_258 = arith.constant 0 : i32
      %dma_start3A_259 = tpu.memref_slice %arg4[%mul3A_257, %dma_start3A_258] : memref<614400x128xf32, #tpu.memory_space<hbm>> -> memref<256x128xf32, #tpu.memory_space<hbm>>
      %dma_start3A_260 = arith.constant 0 : i32
      %dma_start3A_261 = tpu.memref_slice %arg4[%mul3A_257, %dma_start3A_260] : memref<614400x128xf32, #tpu.memory_space<hbm>> -> memref<256x128xf32, #tpu.memory_space<hbm>>
      tpu.enqueue_dma source(%arg10 : memref<256x128xf32, #tpu.memory_space<vmem>>) target(%dma_start3A_261 : memref<256x128xf32, #tpu.memory_space<hbm>>) target_semaphore(%arg16 : memref<!tpu.dma_semaphore, #tpu.memory_space<semaphore_mem>>)
    }
    %scan3A_30 = arith.constant 25 : i32
    %add3A_31 = arith.constant 0 : i32
    %add3A_32 = arith.addi %mul3A_2, %add3A_31 : i32
    %mul3A_33 = arith.constant 128 : i32
    %mul3A_34 = arith.muli %add3A_32, %mul3A_33 : i32
    %dma_wait3A = arith.constant 0 : i32
    %dma_wait3A_35 = tpu.memref_slice %arg4[%mul3A_34, %dma_wait3A] : memref<614400x128xf32, #tpu.memory_space<hbm>> -> memref<256x128xf32, #tpu.memory_space<hbm>>
    %dma_wait3A_36 = arith.constant 0 : i32
    %dma_wait3A_37 = tpu.memref_slice %arg4[%mul3A_34, %dma_wait3A_36] : memref<614400x128xf32, #tpu.memory_space<hbm>> -> memref<256x128xf32, #tpu.memory_space<hbm>>
    tpu.wait_dma2 semaphore(%arg14 : memref<!tpu.dma_semaphore, #tpu.memory_space<semaphore_mem>>) src(%arg8 : memref<256x128xf32, #tpu.memory_space<vmem>>) dst(%dma_wait3A_37 : memref<256x128xf32, #tpu.memory_space<hbm>>)
    %add3A_38 = arith.constant 2 : i32
    %add3A_39 = arith.addi %mul3A_2, %add3A_38 : i32
    %mul3A_40 = arith.constant 128 : i32
    %mul3A_41 = arith.muli %add3A_39, %mul3A_40 : i32
    %dma_wait3A_42 = arith.constant 0 : i32
    %dma_wait3A_43 = tpu.memref_slice %arg4[%mul3A_41, %dma_wait3A_42] : memref<614400x128xf32, #tpu.memory_space<hbm>> -> memref<256x128xf32, #tpu.memory_space<hbm>>
    %dma_wait3A_44 = arith.constant 0 : i32
    %dma_wait3A_45 = tpu.memref_slice %arg4[%mul3A_41, %dma_wait3A_44] : memref<614400x128xf32, #tpu.memory_space<hbm>> -> memref<256x128xf32, #tpu.memory_space<hbm>>
    tpu.wait_dma2 semaphore(%arg15 : memref<!tpu.dma_semaphore, #tpu.memory_space<semaphore_mem>>) src(%arg9 : memref<256x128xf32, #tpu.memory_space<vmem>>) dst(%dma_wait3A_45 : memref<256x128xf32, #tpu.memory_space<hbm>>)
    %add3A_46 = arith.constant 4 : i32
    %add3A_47 = arith.addi %mul3A_2, %add3A_46 : i32
    %mul3A_48 = arith.constant 128 : i32
    %mul3A_49 = arith.muli %add3A_47, %mul3A_48 : i32
    %dma_wait3A_50 = arith.constant 0 : i32
    %dma_wait3A_51 = tpu.memref_slice %arg4[%mul3A_49, %dma_wait3A_50] : memref<614400x128xf32, #tpu.memory_space<hbm>> -> memref<256x128xf32, #tpu.memory_space<hbm>>
    %dma_wait3A_52 = arith.constant 0 : i32
    %dma_wait3A_53 = tpu.memref_slice %arg4[%mul3A_49, %dma_wait3A_52] : memref<614400x128xf32, #tpu.memory_space<hbm>> -> memref<256x128xf32, #tpu.memory_space<hbm>>
    tpu.wait_dma2 semaphore(%arg16 : memref<!tpu.dma_semaphore, #tpu.memory_space<semaphore_mem>>) src(%arg10 : memref<256x128xf32, #tpu.memory_space<vmem>>) dst(%dma_wait3A_53 : memref<256x128xf32, #tpu.memory_space<hbm>>)
    return
  }
}

module attributes {stable_mosaic.version = 14 : i64} {
  func.func @_vn_body(%arg0: i32, %arg1: memref<2000x64xf32, #tpu.memory_space<vmem>>, %arg2: memref<64x128xf32, #tpu.memory_space<vmem>>, %arg3: memref<2000x128xf32, #tpu.memory_space<vmem>>) attributes {dimension_semantics = [#tpu.dimension_semantics<arbitrary>], iteration_bounds = array<i64: 25>, scalar_prefetch = 0 : i64, scratch_operands = 0 : i64, tpu.core_type = #tpu.core_type<tc>, window_params = [{transform_indices = @transform_0, window_bounds = array<i64: 2000, 64>}, {pipeline_mode = #tpu.pipeline_mode<synchronous>, transform_indices = @transform_1, window_bounds = array<i64: 64, 128>}, {transform_indices = @transform_2, window_bounds = array<i64: 2000, 128>}]} {
    %get3A = arith.constant 0 : index
    %get3A_0 = arith.constant 0 : index
    %get3A_1 = vector.load %arg1[%get3A, %get3A_0] : memref<2000x64xf32, #tpu.memory_space<vmem>>, vector<2000x64xf32>
    %get3A_2 = arith.constant 0 : index
    %get3A_3 = arith.constant 0 : index
    %get3A_4 = vector.load %arg2[%get3A_2, %get3A_3] : memref<64x128xf32, #tpu.memory_space<vmem>>, vector<64x128xf32>
    %dot_general3A = arith.constant dense<0.000000e+00> : vector<2000x128xf32>
    %dot_general3A_5 = tpu.matmul %get3A_1, %get3A_4, %dot_general3A {dimension_numbers = #tpu.dot_dimension_numbers<[1], [0], [0], [1], [0, 0, 1, 1], [], []>, transpose_lhs_hint = false} : vector<2000x64xf32>, vector<64x128xf32>, vector<2000x128xf32> -> vector<2000x128xf32>
    %swap3A = arith.constant 0 : index
    %swap3A_6 = arith.constant 0 : index
    %swap3A_7 = vector.load %arg3[%swap3A, %swap3A_6] : memref<2000x128xf32, #tpu.memory_space<vmem>>, vector<2000x128xf32>
    tpu.vector_store %arg3[%swap3A, %swap3A_6], %dot_general3A_5 {strides = array<i32>} : memref<2000x128xf32, #tpu.memory_space<vmem>>, vector<2000x128xf32>,
    return
  }
  func.func @transform_0(%arg0: i32) -> (i32, i32) {
    %c0_i32 = arith.constant 0 : i32
    %c0_i32_0 = arith.constant 0 : i32
    return %arg0, %c0_i32 : i32, i32
  }
  func.func @transform_1(%arg0: i32) -> (i32, i32) {
    %c0_i32 = arith.constant 0 : i32
    %c0_i32_0 = arith.constant 0 : i32
    %c0_i32_1 = arith.constant 0 : i32
    return %c0_i32, %c0_i32_0 : i32, i32
  }
  func.func @transform_2(%arg0: i32) -> (i32, i32) {
    %c0_i32 = arith.constant 0 : i32
    %c0_i32_0 = arith.constant 0 : i32
    return %arg0, %c0_i32 : i32, i32
  }
}

module attributes {stable_mosaic.version = 14 : i64} {
  func.func @_embed_body(%arg0: i32, %arg1: memref<2000x92xf32, #tpu.memory_space<vmem>>, %arg2: memref<92x64xf32, #tpu.memory_space<vmem>>, %arg3: memref<1x64xf32, #tpu.memory_space<vmem>>, %arg4: memref<2000x64xf32, #tpu.memory_space<vmem>>) attributes {dimension_semantics = [#tpu.dimension_semantics<arbitrary>], iteration_bounds = array<i64: 25>, scalar_prefetch = 0 : i64, scratch_operands = 0 : i64, tpu.core_type = #tpu.core_type<tc>, window_params = [{transform_indices = @transform_0, window_bounds = array<i64: 2000, 92>}, {pipeline_mode = #tpu.pipeline_mode<synchronous>, transform_indices = @transform_1, window_bounds = array<i64: 92, 64>}, {pipeline_mode = #tpu.pipeline_mode<synchronous>, transform_indices = @transform_2, window_bounds = array<i64: 1, 64>}, {transform_indices = @transform_3, window_bounds = array<i64: 2000, 64>}]} {
    %get3A = arith.constant 0 : index
    %get3A_0 = arith.constant 0 : index
    %get3A_1 = vector.load %arg1[%get3A, %get3A_0] : memref<2000x92xf32, #tpu.memory_space<vmem>>, vector<2000x92xf32>
    %get3A_2 = arith.constant 0 : index
    %get3A_3 = arith.constant 0 : index
    %get3A_4 = vector.load %arg2[%get3A_2, %get3A_3] : memref<92x64xf32, #tpu.memory_space<vmem>>, vector<92x64xf32>
    %dot_general3A = arith.constant dense<0.000000e+00> : vector<2000x64xf32>
    %dot_general3A_5 = tpu.matmul %get3A_1, %get3A_4, %dot_general3A {dimension_numbers = #tpu.dot_dimension_numbers<[1], [0], [0], [1], [0, 0, 1, 1], [], []>, transpose_lhs_hint = false} : vector<2000x92xf32>, vector<92x64xf32>, vector<2000x64xf32> -> vector<2000x64xf32>
    %get3A_6 = arith.constant 0 : index
    %get3A_7 = arith.constant 0 : index
    %get3A_8 = vector.load %arg3[%get3A_6, %get3A_7] : memref<1x64xf32, #tpu.memory_space<vmem>>, vector<1x64xf32>
    %add3A = vector.broadcast %get3A_8 : vector<1x64xf32> to vector<2000x64xf32>
    %add3A_9 = arith.addf %dot_general3A_5, %add3A : vector<2000x64xf32>
    %swap3A = arith.constant 0 : index
    %swap3A_10 = arith.constant 0 : index
    %swap3A_11 = vector.load %arg4[%swap3A, %swap3A_10] : memref<2000x64xf32, #tpu.memory_space<vmem>>, vector<2000x64xf32>
    tpu.vector_store %arg4[%swap3A, %swap3A_10], %add3A_9 {strides = array<i32>} : memref<2000x64xf32, #tpu.memory_space<vmem>>, vector<2000x64xf32>,
    return
  }
  func.func @transform_0(%arg0: i32) -> (i32, i32) {
    %c0_i32 = arith.constant 0 : i32
    %c0_i32_0 = arith.constant 0 : i32
    return %arg0, %c0_i32 : i32, i32
  }
  func.func @transform_1(%arg0: i32) -> (i32, i32) {
    %c0_i32 = arith.constant 0 : i32
    %c0_i32_0 = arith.constant 0 : i32
    %c0_i32_1 = arith.constant 0 : i32
    return %c0_i32, %c0_i32_0 : i32, i32
  }
  func.func @transform_2(%arg0: i32) -> (i32, i32) {
    %c0_i32 = arith.constant 0 : i32
    %c0_i32_0 = arith.constant 0 : i32
    %c0_i32_1 = arith.constant 0 : i32
    return %c0_i32, %c0_i32_0 : i32, i32
  }
  func.func @transform_3(%arg0: i32) -> (i32, i32) {
    %c0_i32 = arith.constant 0 : i32
    %c0_i32_0 = arith.constant 0 : i32
    return %arg0, %c0_i32 : i32, i32
  }
}

module attributes {stable_mosaic.version = 14 : i64} {
  func.func @_passA_body(%arg0: i32, %arg1: memref<400x64xf32, #tpu.memory_space<vmem>>, %arg2: memref<4800x128xf32, #tpu.memory_space<vmem>>, %arg3: memref<400x12x41xf32, #tpu.memory_space<vmem>>, %arg4: memref<64x128xf32, #tpu.memory_space<vmem>>, %arg5: memref<41x128xf32, #tpu.memory_space<vmem>>, %arg6: memref<1x128xf32, #tpu.memory_space<vmem>>, %arg7: memref<8x128xf32, #tpu.memory_space<vmem>>) attributes {dimension_semantics = [#tpu.dimension_semantics<arbitrary>], iteration_bounds = array<i64: 125>, scalar_prefetch = 0 : i64, scratch_operands = 0 : i64, tpu.core_type = #tpu.core_type<tc>, window_params = [{transform_indices = @transform_0, window_bounds = array<i64: 400, 64>}, {transform_indices = @transform_1, window_bounds = array<i64: 4800, 128>}, {transform_indices = @transform_2, window_bounds = array<i64: 400, 12, 41>}, {pipeline_mode = #tpu.pipeline_mode<synchronous>, transform_indices = @transform_3, window_bounds = array<i64: 64, 128>}, {pipeline_mode = #tpu.pipeline_mode<synchronous>, transform_indices = @transform_4, window_bounds = array<i64: 41, 128>}, {pipeline_mode = #tpu.pipeline_mode<synchronous>, transform_indices = @transform_5, window_bounds = array<i64: 1, 128>}, {pipeline_mode = #tpu.pipeline_mode<synchronous>, transform_indices = @transform_6, window_bounds = array<i64: 8, 128>}]} {
    %eq3A = arith.constant 0 : i32
    %eq3A_0 = arith.cmpi eq, %arg0, %eq3A : i32
    %convert_element_type3A = arith.extui %eq3A_0 : i1 to i32
    %cond3A = arith.constant 0 : i32
    %cond3A_1 = arith.cmpi ne, %convert_element_type3A, %cond3A : i32
    scf.if %cond3A_1 {
      %broadcast_in_dim3A_47 = arith.constant 0.000000e+00 : f32
      %broadcast_in_dim3A_48 = vector.broadcast %broadcast_in_dim3A_47 : f32 to vector<8x128xf32>
      %swap3A_49 = arith.constant 0 : index
      %swap3A_50 = arith.constant 0 : index
      %swap3A_51 = vector.load %arg7[%swap3A_49, %swap3A_50] : memref<8x128xf32, #tpu.memory_space<vmem>>, vector<8x128xf32>
      tpu.vector_store %arg7[%swap3A_49, %swap3A_50], %broadcast_in_dim3A_48 {strides = array<i32>} : memref<8x128xf32, #tpu.memory_space<vmem>>, vector<8x128xf32>,
    } else {
    }
    %get3A = arith.constant 0 : index
    %get3A_2 = arith.constant 0 : index
    %get3A_3 = vector.load %arg1[%get3A, %get3A_2] : memref<400x64xf32, #tpu.memory_space<vmem>>, vector<400x64xf32>
    %get3A_4 = arith.constant 0 : index
    %get3A_5 = arith.constant 0 : index
    %get3A_6 = vector.load %arg4[%get3A_4, %get3A_5] : memref<64x128xf32, #tpu.memory_space<vmem>>, vector<64x128xf32>
    %dot_general3A = arith.constant dense<0.000000e+00> : vector<400x128xf32>
    %dot_general3A_7 = tpu.matmul %get3A_3, %get3A_6, %dot_general3A {dimension_numbers = #tpu.dot_dimension_numbers<[1], [0], [0], [1], [0, 0, 1, 1], [], []>, transpose_lhs_hint = false} : vector<400x64xf32>, vector<64x128xf32>, vector<400x128xf32> -> vector<400x128xf32>
    %broadcast_in_dim3A = vector.shape_cast %dot_general3A_7 : vector<400x128xf32> to vector<400x1x128xf32>
    %broadcast_in_dim3A_8 = vector.shape_cast %broadcast_in_dim3A : vector<400x1x128xf32> to vector<400x1x128xf32>
    %broadcast_in_dim3A_9 = vector.broadcast %broadcast_in_dim3A_8 : vector<400x1x128xf32> to vector<400x12x128xf32>
    %reshape3A = vector.shape_cast %broadcast_in_dim3A_9 : vector<400x12x128xf32> to vector<4800x128xf32>
    %get3A_10 = arith.constant 0 : index
    %get3A_11 = arith.constant 0 : index
    %get3A_12 = vector.load %arg2[%get3A_10, %get3A_11] : memref<4800x128xf32, #tpu.memory_space<vmem>>, vector<4800x128xf32>
    %add3A = arith.addf %reshape3A, %get3A_12 : vector<4800x128xf32>
    %get3A_13 = arith.constant 0 : index
    %get3A_14 = arith.constant 0 : index
    %get3A_15 = arith.constant 0 : index
    %get3A_16 = vector.load %arg3[%get3A_13, %get3A_14, %get3A_15] : memref<400x12x41xf32, #tpu.memory_space<vmem>>, vector<400x12x41xf32>
    %reshape3A_17 = vector.shape_cast %get3A_16 : vector<400x12x41xf32> to vector<4800x41xf32>
    %get3A_18 = arith.constant 0 : index
    %get3A_19 = arith.constant 0 : index
    %get3A_20 = vector.load %arg5[%get3A_18, %get3A_19] : memref<41x128xf32, #tpu.memory_space<vmem>>, vector<41x128xf32>
    %dot_general3A_21 = arith.constant dense<0.000000e+00> : vector<4800x128xf32>
    %dot_general3A_22 = tpu.matmul %reshape3A_17, %get3A_20, %dot_general3A_21 {dimension_numbers = #tpu.dot_dimension_numbers<[1], [0], [0], [1], [0, 0, 1, 1], [], []>, transpose_lhs_hint = false} : vector<4800x41xf32>, vector<41x128xf32>, vector<4800x128xf32> -> vector<4800x128xf32>
    %add3A_23 = arith.addf %add3A, %dot_general3A_22 : vector<4800x128xf32>
    %get3A_24 = arith.constant 0 : index
    %get3A_25 = arith.constant 0 : index
    %get3A_26 = vector.load %arg6[%get3A_24, %get3A_25] : memref<1x128xf32, #tpu.memory_space<vmem>>, vector<1x128xf32>
    %add3A_27 = vector.broadcast %get3A_26 : vector<1x128xf32> to vector<4800x128xf32>
    %add3A_28 = arith.addf %add3A_23, %add3A_27 : vector<4800x128xf32>
    %get3A_29 = arith.constant 0 : index
    %get3A_30 = arith.constant 0 : index
    %get3A_31 = vector.load %arg7[%get3A_29, %get3A_30] : memref<8x128xf32, #tpu.memory_space<vmem>>, vector<1x128xf32>
    %reduce_sum3A = arith.constant dense<0.000000e+00> : vector<128xf32>
    %reduce_sum3A_32 = vector.multi_reduction <add>, %add3A_28, %reduce_sum3A [0] : vector<4800x128xf32> to vector<128xf32>
    %broadcast_in_dim3A_33 = vector.shape_cast %reduce_sum3A_32 : vector<128xf32> to vector<1x128xf32>
    %add3A_34 = arith.addf %get3A_31, %broadcast_in_dim3A_33 : vector<1x128xf32>
    %swap3A = arith.constant 0 : index
    %swap3A_35 = arith.constant 0 : index
    %swap3A_36 = vector.load %arg7[%swap3A, %swap3A_35] : memref<8x128xf32, #tpu.memory_space<vmem>>, vector<1x128xf32>
    tpu.vector_store %arg7[%swap3A, %swap3A_35], %add3A_34 {strides = array<i32>} : memref<8x128xf32, #tpu.memory_space<vmem>>, vector<1x128xf32>,
    %get3A_37 = arith.constant 1 : index
    %get3A_38 = arith.constant 0 : index
    %get3A_39 = vector.load %arg7[%get3A_37, %get3A_38] : memref<8x128xf32, #tpu.memory_space<vmem>>, vector<1x128xf32>
    %mul3A = arith.mulf %add3A_28, %add3A_28 : vector<4800x128xf32>
    %reduce_sum3A_40 = arith.constant dense<0.000000e+00> : vector<128xf32>
    %reduce_sum3A_41 = vector.multi_reduction <add>, %mul3A, %reduce_sum3A_40 [0] : vector<4800x128xf32> to vector<128xf32>
    %broadcast_in_dim3A_42 = vector.shape_cast %reduce_sum3A_41 : vector<128xf32> to vector<1x128xf32>
    %add3A_43 = arith.addf %get3A_39, %broadcast_in_dim3A_42 : vector<1x128xf32>
    %swap3A_44 = arith.constant 1 : index
    %swap3A_45 = arith.constant 0 : index
    %swap3A_46 = vector.load %arg7[%swap3A_44, %swap3A_45] : memref<8x128xf32, #tpu.memory_space<vmem>>, vector<1x128xf32>
    tpu.vector_store %arg7[%swap3A_44, %swap3A_45], %add3A_43 {strides = array<i32>} : memref<8x128xf32, #tpu.memory_space<vmem>>, vector<1x128xf32>,
    return
  }
  func.func @transform_0(%arg0: i32) -> (i32, i32) {
    %c0_i32 = arith.constant 0 : i32
    %c0_i32_0 = arith.constant 0 : i32
    return %arg0, %c0_i32 : i32, i32
  }
  func.func @transform_1(%arg0: i32) -> (i32, i32) {
    %c0_i32 = arith.constant 0 : i32
    %c0_i32_0 = arith.constant 0 : i32
    return %arg0, %c0_i32 : i32, i32
  }
  func.func @transform_2(%arg0: i32) -> (i32, i32, i32) {
    %c0_i32 = arith.constant 0 : i32
    %c0_i32_0 = arith.constant 0 : i32
    %c0_i32_1 = arith.constant 0 : i32
    return %arg0, %c0_i32, %c0_i32_0 : i32, i32, i32
  }
  func.func @transform_3(%arg0: i32) -> (i32, i32) {
    %c0_i32 = arith.constant 0 : i32
    %c0_i32_0 = arith.constant 0 : i32
    %c0_i32_1 = arith.constant 0 : i32
    return %c0_i32, %c0_i32_0 : i32, i32
  }
  func.func @transform_4(%arg0: i32) -> (i32, i32) {
    %c0_i32 = arith.constant 0 : i32
    %c0_i32_0 = arith.constant 0 : i32
    %c0_i32_1 = arith.constant 0 : i32
    return %c0_i32, %c0_i32_0 : i32, i32
  }
  func.func @transform_5(%arg0: i32) -> (i32, i32) {
    %c0_i32 = arith.constant 0 : i32
    %c0_i32_0 = arith.constant 0 : i32
    %c0_i32_1 = arith.constant 0 : i32
    return %c0_i32, %c0_i32_0 : i32, i32
  }
  func.func @transform_6(%arg0: i32) -> (i32, i32) {
    %c0_i32 = arith.constant 0 : i32
    %c0_i32_0 = arith.constant 0 : i32
    %c0_i32_1 = arith.constant 0 : i32
    return %c0_i32, %c0_i32_0 : i32, i32
  }
}

module attributes {stable_mosaic.version = 14 : i64} {
  func.func @_passB_body(%arg0: i32, %arg1: memref<400x64xf32, #tpu.memory_space<vmem>>, %arg2: memref<4800x128xf32, #tpu.memory_space<vmem>>, %arg3: memref<400x12x41xf32, #tpu.memory_space<vmem>>, %arg4: memref<64x128xf32, #tpu.memory_space<vmem>>, %arg5: memref<41x128xf32, #tpu.memory_space<vmem>>, %arg6: memref<1x128xf32, #tpu.memory_space<vmem>>, %arg7: memref<8x128xf32, #tpu.memory_space<vmem>>, %arg8: memref<1x128xf32, #tpu.memory_space<vmem>>, %arg9: memref<1x128xf32, #tpu.memory_space<vmem>>, %arg10: memref<400x64xf32, #tpu.memory_space<vmem>>, %arg11: memref<8x128xf32, #tpu.memory_space<vmem>>) attributes {dimension_semantics = [#tpu.dimension_semantics<arbitrary>], iteration_bounds = array<i64: 125>, scalar_prefetch = 0 : i64, scratch_operands = 0 : i64, tpu.core_type = #tpu.core_type<tc>, window_params = [{transform_indices = @transform_0, window_bounds = array<i64: 400, 64>}, {transform_indices = @transform_1, window_bounds = array<i64: 4800, 128>}, {transform_indices = @transform_2, window_bounds = array<i64: 400, 12, 41>}, {pipeline_mode = #tpu.pipeline_mode<synchronous>, transform_indices = @transform_3, window_bounds = array<i64: 64, 128>}, {pipeline_mode = #tpu.pipeline_mode<synchronous>, transform_indices = @transform_4, window_bounds = array<i64: 41, 128>}, {pipeline_mode = #tpu.pipeline_mode<synchronous>, transform_indices = @transform_5, window_bounds = array<i64: 1, 128>}, {pipeline_mode = #tpu.pipeline_mode<synchronous>, transform_indices = @transform_6, window_bounds = array<i64: 8, 128>}, {pipeline_mode = #tpu.pipeline_mode<synchronous>, transform_indices = @transform_7, window_bounds = array<i64: 1, 128>}, {pipeline_mode = #tpu.pipeline_mode<synchronous>, transform_indices = @transform_8, window_bounds = array<i64: 1, 128>}, {transform_indices = @transform_9, window_bounds = array<i64: 400, 64>}, {pipeline_mode = #tpu.pipeline_mode<synchronous>, transform_indices = @transform_10, window_bounds = array<i64: 8, 128>}]} {
    %eq3A = arith.constant 0 : i32
    %eq3A_0 = arith.cmpi eq, %arg0, %eq3A : i32
    %convert_element_type3A = arith.extui %eq3A_0 : i1 to i32
    %cond3A = arith.constant 0 : i32
    %cond3A_1 = arith.cmpi ne, %convert_element_type3A, %cond3A : i32
    scf.if %cond3A_1 {
      %broadcast_in_dim3A_90 = arith.constant 0.000000e+00 : f32
      %broadcast_in_dim3A_91 = vector.broadcast %broadcast_in_dim3A_90 : f32 to vector<8x128xf32>
      %swap3A_92 = arith.constant 0 : index
      %swap3A_93 = arith.constant 0 : index
      %swap3A_94 = vector.load %arg11[%swap3A_92, %swap3A_93] : memref<8x128xf32, #tpu.memory_space<vmem>>, vector<8x128xf32>
      tpu.vector_store %arg11[%swap3A_92, %swap3A_93], %broadcast_in_dim3A_91 {strides = array<i32>} : memref<8x128xf32, #tpu.memory_space<vmem>>, vector<8x128xf32>,
    } else {
    }
    %get3A = arith.constant 0 : index
    %get3A_2 = arith.constant 0 : index
    %get3A_3 = vector.load %arg7[%get3A, %get3A_2] : memref<8x128xf32, #tpu.memory_space<vmem>>, vector<1x128xf32>
    %mul3A = arith.constant 1.66666666E-6 : f32
    %mul3A_4 = vector.broadcast %mul3A : f32 to vector<1x128xf32>
    %mul3A_5 = arith.mulf %get3A_3, %mul3A_4 : vector<1x128xf32>
    %get3A_6 = arith.constant 1 : index
    %get3A_7 = arith.constant 0 : index
    %get3A_8 = vector.load %arg7[%get3A_6, %get3A_7] : memref<8x128xf32, #tpu.memory_space<vmem>>, vector<1x128xf32>
    %mul3A_9 = arith.constant 1.66666666E-6 : f32
    %mul3A_10 = vector.broadcast %mul3A_9 : f32 to vector<1x128xf32>
    %mul3A_11 = arith.mulf %get3A_8, %mul3A_10 : vector<1x128xf32>
    %mul3A_12 = arith.mulf %mul3A_5, %mul3A_5 : vector<1x128xf32>
    %sub3A = arith.subf %mul3A_11, %mul3A_12 : vector<1x128xf32>
    %get3A_13 = arith.constant 0 : index
    %get3A_14 = arith.constant 0 : index
    %get3A_15 = vector.load %arg8[%get3A_13, %get3A_14] : memref<1x128xf32, #tpu.memory_space<vmem>>, vector<1x128xf32>
    %add3A = arith.constant 9.99999974E-6 : f32
    %add3A_16 = vector.broadcast %add3A : f32 to vector<1x128xf32>
    %add3A_17 = arith.addf %sub3A, %add3A_16 : vector<1x128xf32>
    %rsqrt3A = math.rsqrt %add3A_17 : vector<1x128xf32>
    %mul3A_18 = arith.mulf %get3A_15, %rsqrt3A : vector<1x128xf32>
    %get3A_19 = arith.constant 0 : index
    %get3A_20 = arith.constant 0 : index
    %get3A_21 = vector.load %arg9[%get3A_19, %get3A_20] : memref<1x128xf32, #tpu.memory_space<vmem>>, vector<1x128xf32>
    %mul3A_22 = arith.mulf %mul3A_5, %mul3A_18 : vector<1x128xf32>
    %sub3A_23 = arith.subf %get3A_21, %mul3A_22 : vector<1x128xf32>
    %get3A_24 = arith.constant 0 : index
    %get3A_25 = arith.constant 0 : index
    %get3A_26 = vector.load %arg1[%get3A_24, %get3A_25] : memref<400x64xf32, #tpu.memory_space<vmem>>, vector<400x64xf32>
    %get3A_27 = arith.constant 0 : index
    %get3A_28 = arith.constant 0 : index
    %get3A_29 = vector.load %arg4[%get3A_27, %get3A_28] : memref<64x128xf32, #tpu.memory_space<vmem>>, vector<64x128xf32>
    %dot_general3A = arith.constant dense<0.000000e+00> : vector<400x128xf32>
    %dot_general3A_30 = tpu.matmul %get3A_26, %get3A_29, %dot_general3A {dimension_numbers = #tpu.dot_dimension_numbers<[1], [0], [0], [1], [0, 0, 1, 1], [], []>, transpose_lhs_hint = false} : vector<400x64xf32>, vector<64x128xf32>, vector<400x128xf32> -> vector<400x128xf32>
    %broadcast_in_dim3A = vector.shape_cast %dot_general3A_30 : vector<400x128xf32> to vector<400x1x128xf32>
    %broadcast_in_dim3A_31 = vector.shape_cast %broadcast_in_dim3A : vector<400x1x128xf32> to vector<400x1x128xf32>
    %broadcast_in_dim3A_32 = vector.broadcast %broadcast_in_dim3A_31 : vector<400x1x128xf32> to vector<400x12x128xf32>
    %reshape3A = vector.shape_cast %broadcast_in_dim3A_32 : vector<400x12x128xf32> to vector<4800x128xf32>
    %get3A_33 = arith.constant 0 : index
    %get3A_34 = arith.constant 0 : index
    %get3A_35 = vector.load %arg2[%get3A_33, %get3A_34] : memref<4800x128xf32, #tpu.memory_space<vmem>>, vector<4800x128xf32>
    %add3A_36 = arith.addf %reshape3A, %get3A_35 : vector<4800x128xf32>
    %get3A_37 = arith.constant 0 : index
    %get3A_38 = arith.constant 0 : index
    %get3A_39 = arith.constant 0 : index
    %get3A_40 = vector.load %arg3[%get3A_37, %get3A_38, %get3A_39] : memref<400x12x41xf32, #tpu.memory_space<vmem>>, vector<400x12x41xf32>
    %reshape3A_41 = vector.shape_cast %get3A_40 : vector<400x12x41xf32> to vector<4800x41xf32>
    %get3A_42 = arith.constant 0 : index
    %get3A_43 = arith.constant 0 : index
    %get3A_44 = vector.load %arg5[%get3A_42, %get3A_43] : memref<41x128xf32, #tpu.memory_space<vmem>>, vector<41x128xf32>
    %dot_general3A_45 = arith.constant dense<0.000000e+00> : vector<4800x128xf32>
    %dot_general3A_46 = tpu.matmul %reshape3A_41, %get3A_44, %dot_general3A_45 {dimension_numbers = #tpu.dot_dimension_numbers<[1], [0], [0], [1], [0, 0, 1, 1], [], []>, transpose_lhs_hint = false} : vector<4800x41xf32>, vector<41x128xf32>, vector<4800x128xf32> -> vector<4800x128xf32>
    %add3A_47 = arith.addf %add3A_36, %dot_general3A_46 : vector<4800x128xf32>
    %get3A_48 = arith.constant 0 : index
    %get3A_49 = arith.constant 0 : index
    %get3A_50 = vector.load %arg6[%get3A_48, %get3A_49] : memref<1x128xf32, #tpu.memory_space<vmem>>, vector<1x128xf32>
    %add3A_51 = vector.broadcast %get3A_50 : vector<1x128xf32> to vector<4800x128xf32>
    %add3A_52 = arith.addf %add3A_47, %add3A_51 : vector<4800x128xf32>
    %mul3A_53 = vector.broadcast %mul3A_18 : vector<1x128xf32> to vector<4800x128xf32>
    %mul3A_54 = arith.mulf %add3A_52, %mul3A_53 : vector<4800x128xf32>
    %add3A_55 = vector.broadcast %sub3A_23 : vector<1x128xf32> to vector<4800x128xf32>
    %add3A_56 = arith.addf %mul3A_54, %add3A_55 : vector<4800x128xf32>
    %slice3A = vector.extract_strided_slice %add3A_56 {offsets = [0, 0], sizes = [4800, 64], strides = [1, 1]} : vector<4800x128xf32> to vector<4800x64xf32>
    %logistic3A = arith.negf %slice3A : vector<4800x64xf32>
    %logistic3A_57 = math.exp %logistic3A : vector<4800x64xf32>
    %logistic3A_58 = arith.constant 1.000000e+00 : f32
    %logistic3A_59 = vector.broadcast %logistic3A_58 : f32 to vector<4800x64xf32>
    %logistic3A_60 = arith.addf %logistic3A_59, %logistic3A_57 : vector<4800x64xf32>
    %logistic3A_61 = arith.divf %logistic3A_59, %logistic3A_60 : vector<4800x64xf32>
    %slice3A_62 = vector.extract_strided_slice %add3A_56 {offsets = [0, 64], sizes = [4800, 64], strides = [1, 1]} : vector<4800x128xf32> to vector<4800x64xf32>
    %custom_jvp_call3A = arith.constant 0.000000e+00 : f32
    %max3A = vector.broadcast %custom_jvp_call3A : f32 to vector<4800x64xf32>
    %max3A_63 = arith.maximumf %slice3A_62, %max3A : vector<4800x64xf32>
    %sub3A_64 = vector.broadcast %custom_jvp_call3A : f32 to vector<4800x64xf32>
    %sub3A_65 = arith.subf %slice3A_62, %sub3A_64 : vector<4800x64xf32>
    %ne3A = arith.cmpf one, %sub3A_65, %sub3A_65 : vector<4800x64xf32>
    %add3A_66 = vector.broadcast %custom_jvp_call3A : f32 to vector<4800x64xf32>
    %add3A_67 = arith.addf %slice3A_62, %add3A_66 : vector<4800x64xf32>
    %abs3A = math.absf %sub3A_65 : vector<4800x64xf32>
    %neg3A = arith.constant 0.000000e+00 : f32
    %neg3A_68 = vector.broadcast %neg3A : f32 to vector<4800x64xf32>
    %neg3A_69 = arith.subf %neg3A_68, %abs3A : vector<4800x64xf32>
    %exp3A = math.exp %neg3A_69 : vector<4800x64xf32>
    %log1p3A = math.log1p %exp3A : vector<4800x64xf32>
    %add3A_70 = arith.addf %max3A_63, %log1p3A : vector<4800x64xf32>
    %select_n3A = arith.select %ne3A, %add3A_67, %add3A_70 : vector<4800x64xi1>, vector<4800x64xf32>
    %mul3A_71 = arith.mulf %logistic3A_61, %select_n3A : vector<4800x64xf32>
    %reshape3A_72 = vector.shape_cast %mul3A_71 : vector<4800x64xf32> to vector<400x12x64xf32>
    %reduce_sum3A = arith.constant dense<0.000000e+00> : vector<400x64xf32>
    %reduce_sum3A_73 = vector.multi_reduction <add>, %reshape3A_72, %reduce_sum3A [1] : vector<400x12x64xf32> to vector<400x64xf32>
    %swap3A = arith.constant 0 : index
    %swap3A_74 = arith.constant 0 : index
    %swap3A_75 = vector.load %arg10[%swap3A, %swap3A_74] : memref<400x64xf32, #tpu.memory_space<vmem>>, vector<400x64xf32>
    tpu.vector_store %arg10[%swap3A, %swap3A_74], %reduce_sum3A_73 {strides = array<i32>} : memref<400x64xf32, #tpu.memory_space<vmem>>, vector<400x64xf32>,
    %reduce_sum3A_76 = arith.constant dense<0.000000e+00> : vector<64xf32>
    %reduce_sum3A_77 = vector.multi_reduction <add>, %reduce_sum3A_73, %reduce_sum3A_76 [0] : vector<400x64xf32> to vector<64xf32>
    %broadcast_in_dim3A_78 = vector.shape_cast %reduce_sum3A_77 : vector<64xf32> to vector<1x64xf32>
    %mul3A_79 = arith.mulf %reduce_sum3A_73, %reduce_sum3A_73 : vector<400x64xf32>
    %reduce_sum3A_80 = arith.constant dense<0.000000e+00> : vector<64xf32>
    %reduce_sum3A_81 = vector.multi_reduction <add>, %mul3A_79, %reduce_sum3A_80 [0] : vector<400x64xf32> to vector<64xf32>
    %broadcast_in_dim3A_82 = vector.shape_cast %reduce_sum3A_81 : vector<64xf32> to vector<1x64xf32>
    %concatenate3A = tpu.concatenate %broadcast_in_dim3A_78, %broadcast_in_dim3A_82 in 1 : vector<1x64xf32>, vector<1x64xf32> -> vector<1x128xf32>
    %get3A_83 = arith.constant 0 : index
    %get3A_84 = arith.constant 0 : index
    %get3A_85 = vector.load %arg11[%get3A_83, %get3A_84] : memref<8x128xf32, #tpu.memory_space<vmem>>, vector<1x128xf32>
    %add3A_86 = arith.addf %get3A_85, %concatenate3A : vector<1x128xf32>
    %swap3A_87 = arith.constant 0 : index
    %swap3A_88 = arith.constant 0 : index
    %swap3A_89 = vector.load %arg11[%swap3A_87, %swap3A_88] : memref<8x128xf32, #tpu.memory_space<vmem>>, vector<1x128xf32>
    tpu.vector_store %arg11[%swap3A_87, %swap3A_88], %add3A_86 {strides = array<i32>} : memref<8x128xf32, #tpu.memory_space<vmem>>, vector<1x128xf32>,
    return
  }
  func.func @transform_0(%arg0: i32) -> (i32, i32) {
    %c0_i32 = arith.constant 0 : i32
    %c0_i32_0 = arith.constant 0 : i32
    return %arg0, %c0_i32 : i32, i32
  }
  func.func @transform_1(%arg0: i32) -> (i32, i32) {
    %c0_i32 = arith.constant 0 : i32
    %c0_i32_0 = arith.constant 0 : i32
    return %arg0, %c0_i32 : i32, i32
  }
  func.func @transform_2(%arg0: i32) -> (i32, i32, i32) {
    %c0_i32 = arith.constant 0 : i32
    %c0_i32_0 = arith.constant 0 : i32
    %c0_i32_1 = arith.constant 0 : i32
    return %arg0, %c0_i32, %c0_i32_0 : i32, i32, i32
  }
  func.func @transform_3(%arg0: i32) -> (i32, i32) {
    %c0_i32 = arith.constant 0 : i32
    %c0_i32_0 = arith.constant 0 : i32
    %c0_i32_1 = arith.constant 0 : i32
    return %c0_i32, %c0_i32_0 : i32, i32
  }
  func.func @transform_4(%arg0: i32) -> (i32, i32) {
    %c0_i32 = arith.constant 0 : i32
    %c0_i32_0 = arith.constant 0 : i32
    %c0_i32_1 = arith.constant 0 : i32
    return %c0_i32, %c0_i32_0 : i32, i32
  }
  func.func @transform_5(%arg0: i32) -> (i32, i32) {
    %c0_i32 = arith.constant 0 : i32
    %c0_i32_0 = arith.constant 0 : i32
    %c0_i32_1 = arith.constant 0 : i32
    return %c0_i32, %c0_i32_0 : i32, i32
  }
  func.func @transform_6(%arg0: i32) -> (i32, i32) {
    %c0_i32 = arith.constant 0 : i32
    %c0_i32_0 = arith.constant 0 : i32
    %c0_i32_1 = arith.constant 0 : i32
    return %c0_i32, %c0_i32_0 : i32, i32
  }
  func.func @transform_7(%arg0: i32) -> (i32, i32) {
    %c0_i32 = arith.constant 0 : i32
    %c0_i32_0 = arith.constant 0 : i32
    %c0_i32_1 = arith.constant 0 : i32
    return %c0_i32, %c0_i32_0 : i32, i32
  }
  func.func @transform_8(%arg0: i32) -> (i32, i32) {
    %c0_i32 = arith.constant 0 : i32
    %c0_i32_0 = arith.constant 0 : i32
    %c0_i32_1 = arith.constant 0 : i32
    return %c0_i32, %c0_i32_0 : i32, i32
  }
  func.func @transform_9(%arg0: i32) -> (i32, i32) {
    %c0_i32 = arith.constant 0 : i32
    %c0_i32_0 = arith.constant 0 : i32
    return %arg0, %c0_i32 : i32, i32
  }
  func.func @transform_10(%arg0: i32) -> (i32, i32) {
    %c0_i32 = arith.constant 0 : i32
    %c0_i32_0 = arith.constant 0 : i32
    %c0_i32_1 = arith.constant 0 : i32
    return %c0_i32, %c0_i32_0 : i32, i32
  }
}

module attributes {stable_mosaic.version = 14 : i64} {
  func.func @_passC_body(%arg0: i32, %arg1: memref<2000x64xf32, #tpu.memory_space<vmem>>, %arg2: memref<2000x64xf32, #tpu.memory_space<vmem>>, %arg3: memref<8x128xf32, #tpu.memory_space<vmem>>, %arg4: memref<1x64xf32, #tpu.memory_space<vmem>>, %arg5: memref<1x64xf32, #tpu.memory_space<vmem>>, %arg6: memref<2000x64xf32, #tpu.memory_space<vmem>>) attributes {dimension_semantics = [#tpu.dimension_semantics<arbitrary>], iteration_bounds = array<i64: 25>, scalar_prefetch = 0 : i64, scratch_operands = 0 : i64, tpu.core_type = #tpu.core_type<tc>, window_params = [{transform_indices = @transform_0, window_bounds = array<i64: 2000, 64>}, {transform_indices = @transform_1, window_bounds = array<i64: 2000, 64>}, {pipeline_mode = #tpu.pipeline_mode<synchronous>, transform_indices = @transform_2, window_bounds = array<i64: 8, 128>}, {pipeline_mode = #tpu.pipeline_mode<synchronous>, transform_indices = @transform_3, window_bounds = array<i64: 1, 64>}, {pipeline_mode = #tpu.pipeline_mode<synchronous>, transform_indices = @transform_4, window_bounds = array<i64: 1, 64>}, {transform_indices = @transform_5, window_bounds = array<i64: 2000, 64>}]} {
    %get3A = arith.constant 0 : index
    %get3A_0 = arith.constant 0 : index
    %get3A_1 = vector.load %arg3[%get3A, %get3A_0] : memref<8x128xf32, #tpu.memory_space<vmem>>, vector<1x64xf32>
    %mul3A = arith.constant 2.000000e-05 : f32
    %mul3A_2 = vector.broadcast %mul3A : f32 to vector<1x64xf32>
    %mul3A_3 = arith.mulf %get3A_1, %mul3A_2 : vector<1x64xf32>
    %get3A_4 = arith.constant 0 : index
    %get3A_5 = arith.constant 64 : index
    %get3A_6 = vector.load %arg3[%get3A_4, %get3A_5] : memref<8x128xf32, #tpu.memory_space<vmem>>, vector<1x64xf32>
    %mul3A_7 = arith.constant 2.000000e-05 : f32
    %mul3A_8 = vector.broadcast %mul3A_7 : f32 to vector<1x64xf32>
    %mul3A_9 = arith.mulf %get3A_6, %mul3A_8 : vector<1x64xf32>
    %mul3A_10 = arith.mulf %mul3A_3, %mul3A_3 : vector<1x64xf32>
    %sub3A = arith.subf %mul3A_9, %mul3A_10 : vector<1x64xf32>
    %get3A_11 = arith.constant 0 : index
    %get3A_12 = arith.constant 0 : index
    %get3A_13 = vector.load %arg4[%get3A_11, %get3A_12] : memref<1x64xf32, #tpu.memory_space<vmem>>, vector<1x64xf32>
    %add3A = arith.constant 9.99999974E-6 : f32
    %add3A_14 = vector.broadcast %add3A : f32 to vector<1x64xf32>
    %add3A_15 = arith.addf %sub3A, %add3A_14 : vector<1x64xf32>
    %rsqrt3A = math.rsqrt %add3A_15 : vector<1x64xf32>
    %mul3A_16 = arith.mulf %get3A_13, %rsqrt3A : vector<1x64xf32>
    %get3A_17 = arith.constant 0 : index
    %get3A_18 = arith.constant 0 : index
    %get3A_19 = vector.load %arg5[%get3A_17, %get3A_18] : memref<1x64xf32, #tpu.memory_space<vmem>>, vector<1x64xf32>
    %mul3A_20 = arith.mulf %mul3A_3, %mul3A_16 : vector<1x64xf32>
    %sub3A_21 = arith.subf %get3A_19, %mul3A_20 : vector<1x64xf32>
    %get3A_22 = arith.constant 0 : index
    %get3A_23 = arith.constant 0 : index
    %get3A_24 = vector.load %arg1[%get3A_22, %get3A_23] : memref<2000x64xf32, #tpu.memory_space<vmem>>, vector<2000x64xf32>
    %get3A_25 = arith.constant 0 : index
    %get3A_26 = arith.constant 0 : index
    %get3A_27 = vector.load %arg2[%get3A_25, %get3A_26] : memref<2000x64xf32, #tpu.memory_space<vmem>>, vector<2000x64xf32>
    %mul3A_28 = vector.broadcast %mul3A_16 : vector<1x64xf32> to vector<2000x64xf32>
    %mul3A_29 = arith.mulf %get3A_27, %mul3A_28 : vector<2000x64xf32>
    %add3A_30 = arith.addf %get3A_24, %mul3A_29 : vector<2000x64xf32>
    %add3A_31 = vector.broadcast %sub3A_21 : vector<1x64xf32> to vector<2000x64xf32>
    %add3A_32 = arith.addf %add3A_30, %add3A_31 : vector<2000x64xf32>
    %custom_jvp_call3A = arith.constant 0.000000e+00 : f32
    %max3A = vector.broadcast %custom_jvp_call3A : f32 to vector<2000x64xf32>
    %max3A_33 = arith.maximumf %add3A_32, %max3A : vector<2000x64xf32>
    %sub3A_34 = vector.broadcast %custom_jvp_call3A : f32 to vector<2000x64xf32>
    %sub3A_35 = arith.subf %add3A_32, %sub3A_34 : vector<2000x64xf32>
    %ne3A = arith.cmpf one, %sub3A_35, %sub3A_35 : vector<2000x64xf32>
    %add3A_36 = vector.broadcast %custom_jvp_call3A : f32 to vector<2000x64xf32>
    %add3A_37 = arith.addf %add3A_32, %add3A_36 : vector<2000x64xf32>
    %abs3A = math.absf %sub3A_35 : vector<2000x64xf32>
    %neg3A = arith.constant 0.000000e+00 : f32
    %neg3A_38 = vector.broadcast %neg3A : f32 to vector<2000x64xf32>
    %neg3A_39 = arith.subf %neg3A_38, %abs3A : vector<2000x64xf32>
    %exp3A = math.exp %neg3A_39 : vector<2000x64xf32>
    %log1p3A = math.log1p %exp3A : vector<2000x64xf32>
    %add3A_40 = arith.addf %max3A_33, %log1p3A : vector<2000x64xf32>
    %select_n3A = arith.select %ne3A, %add3A_37, %add3A_40 : vector<2000x64xi1>, vector<2000x64xf32>
    %swap3A = arith.constant 0 : index
    %swap3A_41 = arith.constant 0 : index
    %swap3A_42 = vector.load %arg6[%swap3A, %swap3A_41] : memref<2000x64xf32, #tpu.memory_space<vmem>>, vector<2000x64xf32>
    tpu.vector_store %arg6[%swap3A, %swap3A_41], %select_n3A {strides = array<i32>} : memref<2000x64xf32, #tpu.memory_space<vmem>>, vector<2000x64xf32>,
    return
  }
  func.func @transform_0(%arg0: i32) -> (i32, i32) {
    %c0_i32 = arith.constant 0 : i32
    %c0_i32_0 = arith.constant 0 : i32
    return %arg0, %c0_i32 : i32, i32
  }
  func.func @transform_1(%arg0: i32) -> (i32, i32) {
    %c0_i32 = arith.constant 0 : i32
    %c0_i32_0 = arith.constant 0 : i32
    return %arg0, %c0_i32 : i32, i32
  }
  func.func @transform_2(%arg0: i32) -> (i32, i32) {
    %c0_i32 = arith.constant 0 : i32
    %c0_i32_0 = arith.constant 0 : i32
    %c0_i32_1 = arith.constant 0 : i32
    return %c0_i32, %c0_i32_0 : i32, i32
  }
  func.func @transform_3(%arg0: i32) -> (i32, i32) {
    %c0_i32 = arith.constant 0 : i32
    %c0_i32_0 = arith.constant 0 : i32
    %c0_i32_1 = arith.constant 0 : i32
    return %c0_i32, %c0_i32_0 : i32, i32
  }
  func.func @transform_4(%arg0: i32) -> (i32, i32) {
    %c0_i32 = arith.constant 0 : i32
    %c0_i32_0 = arith.constant 0 : i32
    %c0_i32_1 = arith.constant 0 : i32
    return %c0_i32, %c0_i32_0 : i32, i32
  }
  func.func @transform_5(%arg0: i32) -> (i32, i32) {
    %c0_i32 = arith.constant 0 : i32
    %c0_i32_0 = arith.constant 0 : i32
    return %arg0, %c0_i32 : i32, i32
  }
}

module attributes {stable_mosaic.version = 14 : i64} {
  func.func @_pool_body(%arg0: i32, %arg1: memref<1x1x400xi32, #tpu.memory_space<vmem>>, %arg2: memref<400x64xf32, #tpu.memory_space<vmem>>, %arg3: memref<512x128xf32, #tpu.memory_space<vmem>>) attributes {dimension_semantics = [#tpu.dimension_semantics<arbitrary>], iteration_bounds = array<i64: 125>, scalar_prefetch = 0 : i64, scratch_operands = 0 : i64, tpu.core_type = #tpu.core_type<tc>, window_params = [{transform_indices = @transform_0, window_bounds = array<i64: 1, 1, 400>}, {transform_indices = @transform_1, window_bounds = array<i64: 400, 64>}, {pipeline_mode = #tpu.pipeline_mode<synchronous>, transform_indices = @transform_2, window_bounds = array<i64: 512, 128>}]} {
    %eq3A = arith.constant 0 : i32
    %eq3A_0 = arith.cmpi eq, %arg0, %eq3A : i32
    %convert_element_type3A = arith.extui %eq3A_0 : i1 to i32
    %cond3A = arith.constant 0 : i32
    %cond3A_1 = arith.cmpi ne, %convert_element_type3A, %cond3A : i32
    scf.if %cond3A_1 {
      %broadcast_in_dim3A_21 = arith.constant 0.000000e+00 : f32
      %broadcast_in_dim3A_22 = vector.broadcast %broadcast_in_dim3A_21 : f32 to vector<512x128xf32>
      %swap3A_23 = arith.constant 0 : index
      %swap3A_24 = arith.constant 0 : index
      %swap3A_25 = vector.load %arg3[%swap3A_23, %swap3A_24] : memref<512x128xf32, #tpu.memory_space<vmem>>, vector<512x128xf32>
      tpu.vector_store %arg3[%swap3A_23, %swap3A_24], %broadcast_in_dim3A_22 {strides = array<i32>} : memref<512x128xf32, #tpu.memory_space<vmem>>, vector<512x128xf32>,
    } else {
    }
    %get3A = arith.constant 0 : index
    %get3A_2 = arith.constant 0 : index
    %get3A_3 = arith.constant 0 : index
    %get3A_4 = vector.load %arg1[%get3A, %get3A_2, %get3A_3] : memref<1x1x400xi32, #tpu.memory_space<vmem>>, vector<1x1x400xi32>
    %get3A_5 = vector.shape_cast %get3A_4 : vector<1x1x400xi32> to vector<400xi32>
    %iota3A = tpu.iota {dimensions = array<i32: 0>} : vector<512x400xi32>
    %broadcast_in_dim3A = vector.shape_cast %get3A_5 : vector<400xi32> to vector<1x400xi32>
    %eq3A_6 = vector.broadcast %broadcast_in_dim3A : vector<1x400xi32> to vector<512x400xi32>
    %eq3A_7 = arith.cmpi eq, %iota3A, %eq3A_6 : vector<512x400xi32>
    %convert_element_type3A_8 = arith.extui %eq3A_7 : vector<512x400xi1> to vector<512x400xi32>
    %convert_element_type3A_9 = arith.sitofp %convert_element_type3A_8 : vector<512x400xi32> to vector<512x400xf32>
    %get3A_10 = arith.constant 0 : index
    %get3A_11 = arith.constant 0 : index
    %get3A_12 = vector.load %arg2[%get3A_10, %get3A_11] : memref<400x64xf32, #tpu.memory_space<vmem>>, vector<400x64xf32>
    %broadcast_in_dim3A_13 = arith.constant 1.000000e+00 : f32
    %broadcast_in_dim3A_14 = vector.broadcast %broadcast_in_dim3A_13 : f32 to vector<400x64xf32>
    %concatenate3A = tpu.concatenate %get3A_12, %broadcast_in_dim3A_14 in 1 : vector<400x64xf32>, vector<400x64xf32> -> vector<400x128xf32>
    %get3A_15 = arith.constant 0 : index
    %get3A_16 = arith.constant 0 : index
    %get3A_17 = vector.load %arg3[%get3A_15, %get3A_16] : memref<512x128xf32, #tpu.memory_space<vmem>>, vector<512x128xf32>
    %dot_general3A = arith.constant dense<0.000000e+00> : vector<512x128xf32>
    %dot_general3A_18 = tpu.matmul %convert_element_type3A_9, %concatenate3A, %dot_general3A {dimension_numbers = #tpu.dot_dimension_numbers<[1], [0], [0], [1], [0, 0, 1, 1], [], []>, transpose_lhs_hint = false} : vector<512x400xf32>, vector<400x128xf32>, vector<512x128xf32> -> vector<512x128xf32>
    %add3A = arith.addf %get3A_17, %dot_general3A_18 : vector<512x128xf32>
    %swap3A = arith.constant 0 : index
    %swap3A_19 = arith.constant 0 : index
    %swap3A_20 = vector.load %arg3[%swap3A, %swap3A_19] : memref<512x128xf32, #tpu.memory_space<vmem>>, vector<512x128xf32>
    tpu.vector_store %arg3[%swap3A, %swap3A_19], %add3A {strides = array<i32>} : memref<512x128xf32, #tpu.memory_space<vmem>>, vector<512x128xf32>,
    return
  }
  func.func @transform_0(%arg0: i32) -> (i32, i32, i32) {
    %c0_i32 = arith.constant 0 : i32
    %c0_i32_0 = arith.constant 0 : i32
    %c0_i32_1 = arith.constant 0 : i32
    return %arg0, %c0_i32, %c0_i32_0 : i32, i32, i32
  }
  func.func @transform_1(%arg0: i32) -> (i32, i32) {
    %c0_i32 = arith.constant 0 : i32
    %c0_i32_0 = arith.constant 0 : i32
    return %arg0, %c0_i32 : i32, i32
  }
  func.func @transform_2(%arg0: i32) -> (i32, i32) {
    %c0_i32 = arith.constant 0 : i32
    %c0_i32_0 = arith.constant 0 : i32
    %c0_i32_1 = arith.constant 0 : i32
    return %c0_i32, %c0_i32_0 : i32, i32
  }
}

module attributes {stable_mosaic.version = 14 : i64} {
  func.func @_head_body(%arg0: memref<512x128xf32, #tpu.memory_space<vmem>>, %arg1: memref<64x64xf32, #tpu.memory_space<vmem>>, %arg2: memref<1x64xf32, #tpu.memory_space<vmem>>, %arg3: memref<64x64xf32, #tpu.memory_space<vmem>>, %arg4: memref<1x64xf32, #tpu.memory_space<vmem>>, %arg5: memref<512x64xf32, #tpu.memory_space<vmem>>) attributes {dimension_semantics = [], scalar_prefetch = 0 : i64, scratch_operands = 0 : i64, tpu.core_type = #tpu.core_type<tc>} {
    %get3A = arith.constant 0 : index
    %get3A_0 = arith.constant 0 : index
    %get3A_1 = vector.load %arg0[%get3A, %get3A_0] : memref<512x128xf32, #tpu.memory_space<vmem>>, vector<512x64xf32>
    %get3A_2 = arith.constant 0 : index
    %get3A_3 = arith.constant 64 : index
    %get3A_4 = vector.load %arg0[%get3A_2, %get3A_3] : memref<512x128xf32, #tpu.memory_space<vmem>>, vector<512x64xf32>
    %max3A = arith.constant 1.000000e+00 : f32
    %max3A_5 = vector.broadcast %max3A : f32 to vector<512x64xf32>
    %max3A_6 = arith.maximumf %get3A_4, %max3A_5 : vector<512x64xf32>
    %div3A = arith.divf %get3A_1, %max3A_6 : vector<512x64xf32>
    %get3A_7 = arith.constant 0 : index
    %get3A_8 = arith.constant 0 : index
    %get3A_9 = vector.load %arg1[%get3A_7, %get3A_8] : memref<64x64xf32, #tpu.memory_space<vmem>>, vector<64x64xf32>
    %dot_general3A = arith.constant dense<0.000000e+00> : vector<512x64xf32>
    %dot_general3A_10 = tpu.matmul %div3A, %get3A_9, %dot_general3A {dimension_numbers = #tpu.dot_dimension_numbers<[1], [0], [0], [1], [0, 0, 1, 1], [], []>, transpose_lhs_hint = false} : vector<512x64xf32>, vector<64x64xf32>, vector<512x64xf32> -> vector<512x64xf32>
    %get3A_11 = arith.constant 0 : index
    %get3A_12 = arith.constant 0 : index
    %get3A_13 = vector.load %arg2[%get3A_11, %get3A_12] : memref<1x64xf32, #tpu.memory_space<vmem>>, vector<1x64xf32>
    %add3A = vector.broadcast %get3A_13 : vector<1x64xf32> to vector<512x64xf32>
    %add3A_14 = arith.addf %dot_general3A_10, %add3A : vector<512x64xf32>
    %max3A_15 = arith.constant 0.000000e+00 : f32
    %max3A_16 = vector.broadcast %max3A_15 : f32 to vector<512x64xf32>
    %max3A_17 = arith.maximumf %add3A_14, %max3A_16 : vector<512x64xf32>
    %get3A_18 = arith.constant 0 : index
    %get3A_19 = arith.constant 0 : index
    %get3A_20 = vector.load %arg3[%get3A_18, %get3A_19] : memref<64x64xf32, #tpu.memory_space<vmem>>, vector<64x64xf32>
    %dot_general3A_21 = arith.constant dense<0.000000e+00> : vector<512x64xf32>
    %dot_general3A_22 = tpu.matmul %max3A_17, %get3A_20, %dot_general3A_21 {dimension_numbers = #tpu.dot_dimension_numbers<[1], [0], [0], [1], [0, 0, 1, 1], [], []>, transpose_lhs_hint = false} : vector<512x64xf32>, vector<64x64xf32>, vector<512x64xf32> -> vector<512x64xf32>
    %get3A_23 = arith.constant 0 : index
    %get3A_24 = arith.constant 0 : index
    %get3A_25 = vector.load %arg4[%get3A_23, %get3A_24] : memref<1x64xf32, #tpu.memory_space<vmem>>, vector<1x64xf32>
    %add3A_26 = vector.broadcast %get3A_25 : vector<1x64xf32> to vector<512x64xf32>
    %add3A_27 = arith.addf %dot_general3A_22, %add3A_26 : vector<512x64xf32>
    %swap3A = arith.constant 0 : index
    %swap3A_28 = arith.constant 0 : index
    %swap3A_29 = vector.load %arg5[%swap3A, %swap3A_28] : memref<512x64xf32, #tpu.memory_space<vmem>>, vector<512x64xf32>
    tpu.vector_store %arg5[%swap3A, %swap3A_28], %add3A_27 {strides = array<i32>} : memref<512x64xf32, #tpu.memory_space<vmem>>, vector<512x64xf32>,
    return
  }
}

</mosaic_0001>

<sc_bundles>
// kernel: kernel.20.cloned.1.call-start
scs
__scs_entry_jumppad:
0x0: {  	(pc) =	sbr.rel $0x88, $3  }
0x1: {  	(tag) =	ssettag $0x0;
	lr =	simm.s32 $0x1  }
0x2: {  	[smem:$0x3F85] =	sst lr;
	_ =	strace $0xD0000000  }
0x3: {  	_ = 	snop  }
0x4: {  	_ = 	snop  }
0x5: {  	_ = 	snop  }
0x6: {  	_ = 	snop  }
0x7: {  	_ = 	snop  }
__scs_overlays_trampoline_lowered:
0x8: {  	[smem:$0x3F94] =	sst s0  }
0x9: {  	[smem:$0x3F95] =	sst s1  }
0xa: {  	[smem:$0x3F96] =	sst s2  }
0xb: {  	[smem:$0x3F97] =	sst s3  }
0xc: {  	[smem:$0x3F98] =	sst s4  }
0xd: {  	[smem:$0x3F99] =	sst s5  }
0xe: {  	[smem:$0x3F9A] =	sst s6  }
0xf: {  	[smem:$0x3F9B] =	sst s7  }
0x10: {  	[smem:$0x3F9C] =	sst s8  }
0x11: {  	[smem:$0x3F9D] =	sst s9;
	s0 =	simm.s32 @!p0 $0x0  }
0x12: {  	s1 =	sld [smem:$0x3F83];
	s0 =	simm.s32 @p0 $0x1  }
0x13: {  	[smem:$0x3F9E] =	sst s0;
	s0 =	simm.s32 @!p1 $0x0  }
0x14: {  	s2 =	sld [smem:$0x3F82];
	s0 =	simm.s32 @p1 $0x1  }
0x15: {  	[smem:$0x3F9F] =	sst s0;
	s0 =	simm.s32 @!p2 $0x0  }
0x16: {  	s3 =	sld [smem:$0x3FDB];
	s0 =	simm.s32 @p2 $0x1  }
0x17: {  	s4 =	simm.s32 $0x1BF5;
	[smem:$0x3FA1] =	sst s0  }
0x18: {  	s0 =	sld [smem:$0x3F84];
	_ =	swait.ge [sflag:s4], $0x0  }
0x19: {  	s7 =	sld [smem:$0x3F85]  }
0x1a: {  	s8 =	sadd.s32 $0xFFFFE003, lr  }
0x1b: {  	s9 =	sadd.s32 $0xFFFFFEF7, lr;
	s5 =	simm.s32 $0xFFFFFFFF;
	p2 =	slt.u32 s8, $0xFFFFF086  }
0x1c: {  	p1 =	slt.u32 s9, $0xF7A;
	s5 =	simm.s32 @!p2 $0x0  }
0x1d: {  	s5 =	simm.s32 @p1 $0x1;
	p0 =	seq.s32 s7, s2  }
0x1e: {  	s7 =	smul.u32 @!p0 $0xF7A, s2;
	p2 =	seq.s32 @!p0 s5, $0x0  }
0x1f: {  	s9 =	smul.u32 $0xF7A, s1;
	s8 =	simm.s32 @!p0 $0x1BF5;
	p2 =	por !p2, p0  }
0x20: {  	[sflag:s8] =	ssyncset.s32 @!p0 $0xFFFFF086;
	s6 =	sadd.s32 @!p0 s3, s7;
	s7 =	simm.s32 @!p0 $0x108  }
0x21: {  	s3 =	sadd.s32 s3, s9;
	s6 =	sadd.s32 @!p0 $0x88, s6;
	s7 =	simm.s32 @p2 $0x1082  }
0x22: {  	[simem:s7], [sflag:s8] =	dma.local @!p0 [hbm:s6], $0xF7A  }
0x23: {  	s9 =	sor.u32 $0xD0000000, s2;
	s6 =	simm.s32 $0x108;
	_ =	swait.ge @!p0 [sflag:s8], $0x0  }
0x24: {  	s3 =	sadd.s32 $0x88, s3;
	s6 =	simm.s32 @!p1 $0x1082;
	[sflag:s4] =	ssyncset.s32 $0xFFFFF086  }
0x25: {  	[simem:s6], [sflag:s4] =	dma.local [hbm:s3], $0xF7A  }
0x26: {  	[smem:$0x3F85] =	sst s1;
	(tag) =	ssettag s2;
	_ =	strace s9  }
0x27: {  	s1 =	sld [smem:$0x3F95]  }
0x28: {  	s2 =	sld [smem:$0x3F96]  }
0x29: {  	s4 =	sld [smem:$0x3F98]  }
0x2a: {  	p0 =	seq.s32 s5, $0x0;
	s5 =	sld [smem:$0x3F99]  }
0x2b: {  	s6 =	sld [smem:$0x3F9A]  }
0x2c: {  	s7 =	sld [smem:$0x3F9B]  }
0x2d: {  	s3 =	simm.s32 $0x108;
	s8 =	sld [smem:$0x3F9C]  }
0x2e: {  	s3 =	simm.s32 @!p0 $0x1082;
	s9 =	sld [smem:$0x3F9D]  }
0x2f: {  	lr =	sadd.s32 s0, s3;
	s0 =	sld [smem:$0x3F94]  }
0x30: {  	s3 =	sld [smem:$0x3F97]  }
0x31: {  	[smem:$0x3FA0] =	sst s10  }
0x32: {  	s10 =	sld [smem:$0x3F9E];
	_ =	sdelay $0x3  }
0x33: {  	p0 =	seq.s32 s10, $0x1;
	s10 =	sld [smem:$0x3FA0];
	_ =	sdelay $0x3  }
0x34: {  	[smem:$0x3FA0] =	sst s10  }
0x35: {  	s10 =	sld [smem:$0x3F9F];
	_ =	sdelay $0x3  }
0x36: {  	p1 =	seq.s32 s10, $0x1;
	s10 =	sld [smem:$0x3FA0];
	_ =	sdelay $0x3  }
0x37: {  	[smem:$0x3FA0] =	sst s10  }
0x38: {  	s10 =	sld [smem:$0x3FA1]  }
0x39: {  	_ = 	snop;
	(pc) =	sbr.ind lr, $3  }
0x3a: {  	_ = 	snop  }
0x3b: {  	_ = 	snop  }
0x3c: {  	p2 =	seq.s32 s10, $0x1;
	s10 =	sld [smem:$0x3FA0]  }
0x3d: {  	_ =	shalt  }
0x3e: {  	_ =	shalt  }
0x3f: {  	_ =	shalt  }
0x40: {  	_ =	shalt  }
0x41: {  	_ =	shalt  }
0x42: {  	_ =	shalt  }
0x43: {  	_ =	shalt  }
0x44: {  	_ =	shalt  }
0x45: {  	_ =	shalt  }
0x46: {  	_ =	shalt  }
0x47: {  	_ =	shalt  }
0x48: {  	_ =	shalt  }
0x49: {  	_ =	shalt  }
0x4a: {  	_ =	shalt  }
0x4b: {  	_ =	shalt  }
0x4c: {  	_ =	shalt  }
0x4d: {  	_ =	shalt  }
0x4e: {  	_ =	shalt  }
0x4f: {  	_ =	shalt  }
0x50: {  	_ =	shalt  }
0x51: {  	_ =	shalt  }
0x52: {  	_ =	shalt  }
0x53: {  	_ =	shalt  }
0x54: {  	_ =	shalt  }
0x55: {  	_ =	shalt  }
0x56: {  	_ =	shalt  }
0x57: {  	_ =	shalt  }
0x58: {  	_ =	shalt  }
0x59: {  	_ =	shalt  }
0x5a: {  	_ =	shalt  }
0x5b: {  	_ =	shalt  }
0x5c: {  	_ =	shalt  }
0x5d: {  	_ =	shalt  }
0x5e: {  	_ =	shalt  }
0x5f: {  	_ =	shalt  }
0x60: {  	_ =	shalt  }
0x61: {  	_ =	shalt  }
0x62: {  	_ =	shalt  }
0x63: {  	_ =	shalt  }
0x64: {  	_ =	shalt  }
0x65: {  	_ =	shalt  }
0x66: {  	_ =	shalt  }
0x67: {  	_ =	shalt  }
0x68: {  	_ =	shalt  }
0x69: {  	_ =	shalt  }
0x6a: {  	_ =	shalt  }
0x6b: {  	_ =	shalt  }
0x6c: {  	_ =	shalt  }
0x6d: {  	_ =	shalt  }
0x6e: {  	_ =	shalt  }
0x6f: {  	_ =	shalt  }
0x70: {  	_ =	shalt  }
0x71: {  	_ =	shalt  }
0x72: {  	_ =	shalt  }
0x73: {  	_ =	shalt  }
0x74: {  	_ =	shalt  }
0x75: {  	_ =	shalt  }
0x76: {  	_ =	shalt  }
0x77: {  	_ =	shalt  }
0x78: {  	_ =	shalt  }
0x79: {  	_ =	shalt  }
0x7a: {  	_ =	shalt  }
0x7b: {  	_ =	shalt  }
0x7c: {  	_ =	shalt  }
0x7d: {  	_ =	shalt  }
0x7e: {  	_ =	shalt  }
0x7f: {  	_ =	shalt  }
0x80: {  	_ =	shalt  }
0x81: {  	_ =	shalt  }
0x82: {  	_ =	shalt  }
0x83: {  	_ =	shalt  }
0x84: {  	_ =	shalt  }
0x85: {  	_ =	shalt  }
0x86: {  	_ =	shalt  }
0x87: {  	_ =	shalt  }
.Lfunc_end0:
.L_simem_size_0:
called_computation_lowered:
.L_overlay_start_0:
0x88: {  	s2 =	sld [smem:$0x3FD9]  }
0x89: {  	s3 =	sld [smem:$0x3FFE];
	_ =	sdelay $0x1  }
0x8a: {  	s1 =	srdreg.scid  }
0x8b: {  	s0 =	sand.u32 $0x1, s1  }
0x8c: {  	s16 =	sshll.u32 s0, $0xA;
	s2 =	sadd.s32 s3, s2  }
0x8d: {  	s2 =	sadd.s32 s2, s16  }
0x8e: {  	[smem:$0x3FAC] =	sst s2  }
0x8f: {  	_ = 	snop  }
0x90: {  	(tm) =	ssettm $0x1  }
0x91: {  	s17 =	sld [smem:$0x3FFB];
	_ =	sdelay $0x3  }
0x92: {  	_ =	strace s17  }
0x93: {  	s2 =	sld [smem:$0x3FFC];
	_ =	sdelay $0x3  }
0x94: {  	_ =	strace s2  }
0x95: {  	s2 =	sld [smem:$0x3FFD];
	_ =	sdelay $0x3  }
0x96: {  	_ =	strace s2  }
0x97: {  	_ =	strace $0x8FFFFFFF  }
0x98: {  	s18 =	sld [smem:$0x3FDB];
	_ =	sdelay $0x1  }
0x99: {  	s19 =	simm.s32 $_scs_section_size  }
0x9a: {  	s4 =	simm.s32 $_size__tile_overlayer_lowered;
	s5 =	simm.s32 $_tile_overlayer_lowered  }
0x9b: {  	s22 =	simm.s32 $0x1BFF;
	s21 =	sshll.u32 s5, $0x1;
	s2 =	sadd.s32 s19, s18  }
0x9c: {  	s6 =	simm.s32 $0x0;
	s20 =	sshll.u32 s4, $0x1;
	s4 =	sadd.s32 s21, s2  }
0x9d: {  	[timem:s6], [sflag:s22] =	dma.local [hbm:s4], s20  }
0x9e: {  	_ =	swait.ge [sflag:s22], s20  }
0x9f: {  	s3 =	ssub.s32 $0x0, s20;
	[sflag:s22] =	ssyncset.done $0x0  }
0xa0: {  	[sflag:s22] =	ssyncadd.s32 s3;
	_ =	sdelay $0x1  }
0xa1: {  	s23 =	simm.s32 $0x1B8B  }
0xa2: {  	_ =	swait.ge [sflag:s23], $0x1  }
0xa3: {  	[sflag:s23] =	ssyncset.done $0x0  }
0xa4: {  	s25 =	simm.s32 $0x1B8E;
	s24 =	sld [smem:$0x3FFE];
	[sflag:s23] =	ssyncadd.s32 $0xFFFFFFFF  }
0xa5: {  	s26 =	simm.s32 $execute0_lowered;
	[smem:$0x3FD2] =	sst s25  }
0xa6: {  	s4 =	sshll.u32 s26, $0x1;
	_ =	strace $0x80000046;
	[dreg:$0x1] =	wrdreg $0xFFFFFFFF  }
0xa7: {  	s28 =	simm.s32 $_size_execute0_lowered;
	s2 =	sadd.s32 s2, s4;
	[dreg:$0x0] =	wrdreg $0x0  }
0xa8: {  	s4 =	sshll.u32 s28, $0x1;
	[dreg:$0x2] =	wrdreg s2  }
0xa9: {  	[dreg:$0x3] =	wrdreg s4  }
0xaa: {  	[dreg:$0x4] =	wrdreg $0xC0  }
0xab: {  	_ =	task [dreg:s6], $0x5FFFF  }
0xac: {  	[dreg:$0x1] =	wrdreg $0xFFFFFFFF  }
0xad: {  	[dreg:$0x0] =	wrdreg $0x60  }
0xae: {  	[dreg:$0x2] =	wrdreg s24  }
0xaf: {  	[dreg:$0x3] =	wrdreg $0x9  }
0xb0: {  	_ =	task.clear_ibuf [dreg:s6], $0x4FFFF;
	_ =	strace $0x90000046  }
0xb1: {  	s29 =	simm.s32 $0x9;
	_ =	strace $0x80000048  }
0xb2: {  	_ =	swait.ge [sflag:s29], $0x1  }
0xb3: {  	[sflag:s29] =	ssyncadd.s32 $0xFFFFFFFF  }
0xb4: {  	_ =	strace $0x90000048  }
0xb5: {  	_ =	sfence  }
0xb6: {  	s30 =	sld [smem:$0x0];
	_ =	sdelay $0x2  }
0xb7: {  	s31 =	sshll.u32 s1, $0xD;
	s1 =	sshrl.u32 s1, $0x2  }
0xb8: {  	s3 =	sand.u32 $0x4000, s31;
	s1 =	sadd.s32 s1, s30  }
0xb9: {  	s0 =	sor.u32 s3, s0;
	s1 =	sshll.u32 s1, $0x11  }
0xba: {  	s0 =	sor.u32 s1, s0  }
0xbb: {  	s0 =	sadd.s32 $0x8F2B, s0  }
0xbc: {  	[sflag:s0] =	ssyncadd.remote.s32 $0x1  }
0xbd: {  	_ =	sfence.sel $0xFFFF  }
0xbe: {  	[dreg:$0x0] =	wrdreg $0xFFFFFFFF;
	(pc) =	sbr.abs _section_cstart, $3  }
0xbf: {  	[dreg:$0x1] =	wrdreg $0xFFFFFFFF  }
0xc0: {  	_ =	task.clear_ibuf [dreg:s6], $0x2FFFF;
	_ =	strace $0x9FFFFFFF  }
0xc1: {  	(tm) =	ssettm $0x7FFFFFFF  }
tec
execute0_lowered:
.L_overlay_start_1:
0x0: {  	(tag) =	ssettag $0x1  }
0x1: {  	s0 =	rddreg [dreg:$0x0];
	s1 =	simm.s32 $0x0  }
0x2: {  	s2 =	srdreg.scid;
	s11 =	stileid.u32;
	s12 =	simm.s32 $0x300  }
0x3: {  	s13 =	simm.s32 $0x8300;
	s14 =	simm.s32 $0x10300;
	s5 =	smul.u32 $0x12C, s11  }
0x4: {  	s28 =	simm.s32 $0x1;
	s29 =	simm.s32 $0x2;
	s23 =	smul.u32 $0x96000, s11  }
0x5: {  	s2 =	sand.u32 $0x1, s2;
	s4 =	sshll.u32 s11, $0x1;
	s11 =	smul.u32 $0x12C0, s11  }
0x6: {  	s30 =	simm.s32 $0x3;
	s31 =	simm.s32 $0x0;
	s7 =	smul.u32 $0x96, s2  }
0x7: {  	[smem:$0x7FF] =	sst s1;
	s3 =	sadd.s32 $0x5800, s0;
	s25 =	smul.u32 $0x4B000, s2  }
0x8: {  	s4 =	sor.u32 s2, s4;
	s8 =	ssub.s32 $0x2, s2;
	s2 =	smul.u32 $0x960, s2  }
0x9: {  	s6 =	sadd.s32 $0xC8E00, s0;
	s0 =	sadd.s32 $0x19F000, s0;
	s9 =	smul.u32 $0x258000, s4  }
0xa: {  	_ =	strace $0x80000047;
	s10 =	sshrl.u32 s8, $0x1;
	s4 =	smul.u32 $0x4B000, s4  }
0xb: {  	s26 =	sadd.s32 s11, s6;
	s5 =	sadd.s32 s7, s5;
	s15 =	ssub.s32 s8, s10  }
0xc: {  	s11 =	sadd.s32 s2, s26;
	s26 =	simm.s32 $0x14300;
	s16 =	sshrl.u32 s9, $0x3  }
0xd: {  	s17 =	sadd.s32 $0x4, s5;
	s4 =	sadd.s32 s0, s4;
	s7 =	smax.u32 s15, $0x1  }
0xe: {  	s5 =	sadd.s32 $0x2, s5;
	s15 =	simm.s32 $0x4;
	[dreg:$0x4] =	wrdreg s4  }
0xf: {  	s18 =	sadd.s32 s0, s16;
	s19 =	sshrl.u32 s17, $0x1;
	[dreg:$0x7] =	wrdreg s7  }
0x10: {  	s22 =	sshrl.u32 s5, $0x1;
	s16 =	simm.s32 $0x7;
	s17 =	simm.s32 $0x80  }
0x11: {  	s20 =	sadd.s32 $0x1000, s18;
	s4 =	sadd.s32 $0x2000, s18;
	s21 =	sshll.u32 s19, $0xC  }
0x12: {  	s8 =	sshll.u32 s19, $0x5;
	s24 =	sshll.u32 s22, $0xC;
	[dreg:$0x5] =	wrdreg s20  }
0x13: {  	s18 =	simm.s32 $0x4300;
	s19 =	simm.s32 $0x5;
	[dreg:$0x6] =	wrdreg s4  }
0x14: {  	s4 =	sadd.s32 s21, s0;
	s8 =	sadd.s32 s8, s6;
	s9 =	sadd.s32 s24, s0  }
0x15: {  	s0 =	sadd.s32 s23, s0;
	s20 =	simm.s32 $0x100;
	s21 =	simm.s32 $0x180  }
0x16: {  	s23 =	simm.s32 $0x6;
	s24 =	simm.s32 $0x200;
	[dreg:$0x2] =	wrdreg s4  }
0x17: {  	[dreg:$0x3] =	wrdreg s9;
	s4 =	sshll.u32 s22, $0x5;
	s10 =	sadd.s32 s25, s0  }
0x18: {  	s22 =	simm.s32 $0xC300;
	s25 =	simm.s32 $0x280;
	s9 =	sadd.s32 s4, s6  }
.LBB2_1:
0x19: {  	s0 =	rddreg [dreg:$0x4]  }
0x1a: {  	[hbm4b:s0+s1] =	stream.linear.scatter [tilespmem:s12], [sflag:$0x4], $0x8000, $0x38;
	[tilespmem:$0x18300] =	vst v63  }
0x1b: {  	s4 =	rddreg [dreg:$0x5]  }
0x1c: {  	[hbm4b:s4+s1] =	stream.linear.scatter [tilespmem:s13], [sflag:$0x5], $0x8000, $0x38;
	[tilespmem:$0x18300] =	vst v63  }
0x1d: {  	s5 =	rddreg [dreg:$0x6]  }
0x1e: {  	[hbm4b:s5+s1] =	stream.linear.scatter [tilespmem:s14], [sflag:$0x6], $0x8000, $0x38;
	[tilespmem:$0x18300] =	vst v63  }
0x1f: {  	_ =	swait.ge [sflag:s15], $0x8000  }
0x20: {  	[sflag:s15] =	ssyncset.done $0x0  }
0x21: {  	[sflag:s15] =	ssyncadd.s32 $0xFFFF8000  }
0x22: {  	[tilespmem:s1], [sflag:$0x7] =	stream.linear.gather [hbm4b:s11+s1], $0x100, $0x38;
	[tilespmem:$0x18300] =	vst v63  }
0x23: {  	_ =	swait.ge [sflag:s16], $0x100  }
0x24: {  	[sflag:s16] =	ssyncset.done $0x0  }
0x25: {  	[sflag:s16] =	ssyncadd.s32 $0xFFFFFF00  }
0x26: {  	[tilespmem:s12], [sflag:$0x1] =	stream.indirect.gather [hbm4b:s3+s17], $0x80, s1, s17, $0xb8;
	[tilespmem:$0x18300] =	vst v63  }
0x27: {  	_ = 	snop  }
0x28: {  	[tilespmem:s18], [sflag:$0x1] =	stream.indirect.gather [hbm4b:s3+s17], $0x80, s17, s17, $0xb8;
	[tilespmem:$0x18300] =	vst v63  }
0x29: {  	_ =	swait.ge [sflag:s19], $0x8000  }
0x2a: {  	[sflag:s19] =	ssyncset.done $0x0  }
0x2b: {  	[sflag:s19] =	ssyncadd.s32 $0xFFFF8000  }
0x2c: {  	[tilespmem:s20], [sflag:$0x7] =	stream.linear.gather [hbm4b:s9+s1], $0x100, $0x38;
	[tilespmem:$0x18300] =	vst v63  }
0x2d: {  	_ =	swait.ge [sflag:s16], $0x100  }
0x2e: {  	[sflag:s16] =	ssyncset.done $0x0  }
0x2f: {  	[sflag:s16] =	ssyncadd.s32 $0xFFFFFF00  }
0x30: {  	[tilespmem:s13], [sflag:$0x2] =	stream.indirect.gather [hbm4b:s3+s17], $0x80, s20, s17, $0xb8;
	[tilespmem:$0x18300] =	vst v63  }
0x31: {  	_ = 	snop  }
0x32: {  	[tilespmem:s22], [sflag:$0x2] =	stream.indirect.gather [hbm4b:s3+s17], $0x80, s21, s17, $0xb8;
	[tilespmem:$0x18300] =	vst v63  }
0x33: {  	_ =	swait.ge [sflag:s23], $0x8000  }
0x34: {  	[sflag:s23] =	ssyncset.done $0x0  }
0x35: {  	[sflag:s23] =	ssyncadd.s32 $0xFFFF8000  }
0x36: {  	[tilespmem:s24], [sflag:$0x7] =	stream.linear.gather [hbm4b:s8+s1], $0x100, $0x38;
	[tilespmem:$0x18300] =	vst v63  }
0x37: {  	_ =	swait.ge [sflag:s16], $0x100  }
0x38: {  	[sflag:s16] =	ssyncset.done $0x0  }
0x39: {  	[sflag:s16] =	ssyncadd.s32 $0xFFFFFF00  }
0x3a: {  	[tilespmem:s14], [sflag:$0x3] =	stream.indirect.gather [hbm4b:s3+s17], $0x80, s24, s17, $0xb8;
	[tilespmem:$0x18300] =	vst v63  }
0x3b: {  	_ = 	snop  }
0x3c: {  	[tilespmem:s26], [sflag:$0x3] =	stream.indirect.gather [hbm4b:s3+s17], $0x80, s25, s17, $0xb8;
	[tilespmem:$0x18300] =	vst v63  }
0x3d: {  	_ =	swait.ge [sflag:s28], $0x4000  }
0x3e: {  	[sflag:s28] =	ssyncset.done $0x0  }
0x3f: {  	[sflag:s28] =	ssyncadd.s32 $0xFFFFC000  }
0x40: {  	_ =	swait.ge [sflag:s28], $0x4000  }
0x41: {  	[sflag:s28] =	ssyncset.done $0x0  }
0x42: {  	s6 =	sadd.s32 $0x0, s10;
	[sflag:s28] =	ssyncadd.s32 $0xFFFFC000  }
0x43: {  	[hbm4b:s6+s1] =	stream.linear.scatter [tilespmem:s12], [sflag:$0x4], $0x8000, $0x38;
	[tilespmem:$0x18300] =	vst v63  }
0x44: {  	_ =	swait.ge [sflag:s29], $0x4000  }
0x45: {  	[sflag:s29] =	ssyncset.done $0x0  }
0x46: {  	[sflag:s29] =	ssyncadd.s32 $0xFFFFC000  }
0x47: {  	_ =	swait.ge [sflag:s29], $0x4000  }
0x48: {  	s7 =	rddreg [dreg:$0x3];
	[sflag:s29] =	ssyncset.done $0x0  }
0x49: {  	[sflag:s29] =	ssyncadd.s32 $0xFFFFC000;
	s0 =	sadd.s32 $0x0, s7  }
0x4a: {  	[hbm4b:s0+s1] =	stream.linear.scatter [tilespmem:s13], [sflag:$0x5], $0x8000, $0x38;
	[tilespmem:$0x18300] =	vst v63  }
0x4b: {  	_ =	swait.ge [sflag:s30], $0x4000  }
0x4c: {  	[sflag:s30] =	ssyncset.done $0x0  }
0x4d: {  	[sflag:s30] =	ssyncadd.s32 $0xFFFFC000  }
0x4e: {  	s2 =	sadd.s32 $0x60, s11;
	s5 =	sadd.s32 $0x60, s9;
	_ =	swait.ge [sflag:s30], $0x4000  }
0x4f: {  	s0 =	simm.s32 $0x3000;
	s4 =	rddreg [dreg:$0x2];
	[sflag:s30] =	ssyncset.done $0x0  }
0x50: {  	[sflag:s30] =	ssyncadd.s32 $0xFFFFC000;
	s6 =	sadd.s32 $0x0, s4;
	s4 =	sadd.s32 $0x60, s8  }
.LBB2_2:
0x51: {  	[hbm4b:s6+s1] =	stream.linear.scatter [tilespmem:s14], [sflag:$0x6], $0x8000, $0x38;
	[tilespmem:$0x18300] =	vst v63  }
0x52: {  	_ =	swait.ge [sflag:s15], $0x8000  }
0x53: {  	[sflag:s15] =	ssyncset.done $0x0  }
0x54: {  	[sflag:s15] =	ssyncadd.s32 $0xFFFF8000  }
0x55: {  	[tilespmem:s1], [sflag:$0x7] =	stream.linear.gather [hbm4b:s2+s1], $0x100, $0x38;
	[tilespmem:$0x18300] =	vst v63  }
0x56: {  	_ =	swait.ge [sflag:s16], $0x100  }
0x57: {  	[sflag:s16] =	ssyncset.done $0x0  }
0x58: {  	[sflag:s16] =	ssyncadd.s32 $0xFFFFFF00  }
0x59: {  	[tilespmem:s12], [sflag:$0x1] =	stream.indirect.gather [hbm4b:s3+s17], $0x80, s1, s17, $0xb8;
	[tilespmem:$0x18300] =	vst v63  }
0x5a: {  	_ = 	snop  }
0x5b: {  	[tilespmem:s18], [sflag:$0x1] =	stream.indirect.gather [hbm4b:s3+s17], $0x80, s17, s17, $0xb8;
	[tilespmem:$0x18300] =	vst v63  }
0x5c: {  	_ =	swait.ge [sflag:s19], $0x8000  }
0x5d: {  	[sflag:s19] =	ssyncset.done $0x0  }
0x5e: {  	[sflag:s19] =	ssyncadd.s32 $0xFFFF8000  }
0x5f: {  	[tilespmem:s20], [sflag:$0x7] =	stream.linear.gather [hbm4b:s5+s1], $0x100, $0x38;
	[tilespmem:$0x18300] =	vst v63  }
0x60: {  	_ =	swait.ge [sflag:s16], $0x100  }
0x61: {  	[sflag:s16] =	ssyncset.done $0x0  }
0x62: {  	[sflag:s16] =	ssyncadd.s32 $0xFFFFFF00  }
0x63: {  	[tilespmem:s13], [sflag:$0x2] =	stream.indirect.gather [hbm4b:s3+s17], $0x80, s20, s17, $0xb8;
	[tilespmem:$0x18300] =	vst v63  }
0x64: {  	_ = 	snop  }
0x65: {  	[tilespmem:s22], [sflag:$0x2] =	stream.indirect.gather [hbm4b:s3+s17], $0x80, s21, s17, $0xb8;
	[tilespmem:$0x18300] =	vst v63  }
0x66: {  	_ =	swait.ge [sflag:s23], $0x8000  }
0x67: {  	[sflag:s23] =	ssyncset.done $0x0  }
0x68: {  	[sflag:s23] =	ssyncadd.s32 $0xFFFF8000  }
0x69: {  	[tilespmem:s24], [sflag:$0x7] =	stream.linear.gather [hbm4b:s4+s1], $0x100, $0x38;
	[tilespmem:$0x18300] =	vst v63  }
0x6a: {  	_ =	swait.ge [sflag:s16], $0x100  }
0x6b: {  	[sflag:s16] =	ssyncset.done $0x0  }
0x6c: {  	[sflag:s16] =	ssyncadd.s32 $0xFFFFFF00  }
0x6d: {  	[tilespmem:s14], [sflag:$0x3] =	stream.indirect.gather [hbm4b:s3+s17], $0x80, s24, s17, $0xb8;
	[tilespmem:$0x18300] =	vst v63  }
0x6e: {  	_ = 	snop  }
0x6f: {  	[tilespmem:s26], [sflag:$0x3] =	stream.indirect.gather [hbm4b:s3+s17], $0x80, s25, s17, $0xb8;
	[tilespmem:$0x18300] =	vst v63  }
0x70: {  	_ =	swait.ge [sflag:s28], $0x4000  }
0x71: {  	[sflag:s28] =	ssyncset.done $0x0  }
0x72: {  	[sflag:s28] =	ssyncadd.s32 $0xFFFFC000  }
0x73: {  	_ =	swait.ge [sflag:s28], $0x4000  }
0x74: {  	s6 =	smov.u32 s0;
	[sflag:s28] =	ssyncset.done $0x0  }
0x75: {  	s7 =	sadd.s32 s6, s10;
	[sflag:s28] =	ssyncadd.s32 $0xFFFFC000  }
0x76: {  	[hbm4b:s7+s1] =	stream.linear.scatter [tilespmem:s12], [sflag:$0x4], $0x8000, $0x38;
	[tilespmem:$0x18300] =	vst v63  }
0x77: {  	_ =	swait.ge [sflag:s29], $0x4000  }
0x78: {  	[sflag:s29] =	ssyncset.done $0x0  }
0x79: {  	[sflag:s29] =	ssyncadd.s32 $0xFFFFC000  }
0x7a: {  	_ =	swait.ge [sflag:s29], $0x4000  }
0x7b: {  	s7 =	rddreg [dreg:$0x3];
	[sflag:s29] =	ssyncset.done $0x0  }
0x7c: {  	[sflag:s29] =	ssyncadd.s32 $0xFFFFC000;
	s7 =	sadd.s32 s6, s7  }
0x7d: {  	[hbm4b:s7+s1] =	stream.linear.scatter [tilespmem:s13], [sflag:$0x5], $0x8000, $0x38;
	[tilespmem:$0x18300] =	vst v63  }
0x7e: {  	p0 =	sne.s32 s0, $0x48000;
	_ =	swait.ge [sflag:s30], $0x4000  }
.Ltmp0:
0x7f: {  	[sflag:s30] =	ssyncset.done $0x0;
	(pc) =	sbr.rel @p0 .LBB2_2-.Ltmp0, $4  }
0x80: {  	[sflag:s30] =	ssyncadd.s32 $0xFFFFC000  }
0x81: {  	s0 =	sadd.s32 $0x3000, s0;
	s2 =	sadd.s32 $0x60, s2;
	_ =	swait.ge [sflag:s30], $0x4000  }
0x82: {  	s5 =	sadd.s32 $0x60, s5;
	[sflag:s30] =	ssyncset.done $0x0;
	s7 =	rddreg [dreg:$0x2]  }
0x83: {  	s4 =	sadd.s32 $0x60, s4;
	[sflag:s30] =	ssyncadd.s32 $0xFFFFC000;
	s6 =	sadd.s32 s6, s7  }
0x84: {  	[hbm4b:s6+s1] =	stream.linear.scatter [tilespmem:s14], [sflag:$0x6], $0x8000, $0x38;
	[tilespmem:$0x18300] =	vst v63  }
0x85: {  	_ =	swait.ge [sflag:s15], $0x8000  }
0x86: {  	[sflag:s15] =	ssyncset.done $0x0  }
0x87: {  	[sflag:s15] =	ssyncadd.s32 $0xFFFF8000  }
0x88: {  	_ =	swait.ge [sflag:s19], $0x8000  }
0x89: {  	[sflag:s19] =	ssyncset.done $0x0  }
0x8a: {  	[sflag:s19] =	ssyncadd.s32 $0xFFFF8000  }
0x8b: {  	_ =	swait.ge [sflag:s23], $0x8000  }
0x8c: {  	s31 =	sadd.s32 $0x1, s31;
	s0 =	rddreg [dreg:$0x7]  }
0x8d: {  	p0 =	sne.s32 s31, s0  }
.Ltmp1:
0x8e: {  	_ = 	snop;
	(pc) =	sbr.rel @p0 .LBB2_1-.Ltmp1, $3  }
0x8f: {  	_ =	sdelay $0x1  }
0x90: {  	[sflag:s23] =	ssyncset.done $0x0  }
0x91: {  	[sflag:s23] =	ssyncadd.s32 $0xFFFF8000  }
0x92: {  	_ =	sfence.sel $0x180000  }
0x93: {  	[bflag:$0x0] =	sbarrier.arrive $0xFFFF  }
0x94: {  	_ =	strace $0x90000047  }
0x95: {  	s0 =	stileid.u32;
	[bflag:$0x2] =	sbarrier.arrive $0xFFFF  }
0x96: {  	p0 =	sne.s32 s0, $0x0;
	s0 =	rddreg [dreg:$0x1]  }
0x97: {  	s0 =	sadd.s32 @!p0 $0x100000, s0  }
0x98: {  	[sflag:s0] =	ssyncadd.tile.s32 @!p0 $0x1;
	_ =	shalt  }
.Lfunc_end2:
_tile_overlayer_lowered:
.L_overlay_start_2:
0x99: {  	(tag) =	ssettag $0x2  }
0x9a: {  	s0 =	rddreg [dreg:$0x0];
	s2 =	stileid.u32  }
0x9b: {  	s1 =	rddreg [dreg:$0x1];
	p0 =	sne.s32 s2, $0x0  }
0x9c: {  	s3 =	rddreg [dreg:$0x2];
	[bflag:$0x3] =	sbarrier.arrive $0xFFFF;
	s2 =	simm.s32 @!p0 $0x1C07  }
0x9d: {  	[timem:s3], [sflag:s2] =	dma.local @!p0 [hbm:s0], s1  }
0x9e: {  	s0 =	simm.s32 @!p0 $0x7  }
0x9f: {  	_ =	swait.ge @!p0 [sflag:s0], s1  }
0xa0: {  	s1 =	ssub.s32 @!p0 $0x0, s1;
	[sflag:s0] =	ssyncset.done @!p0 $0x0  }
0xa1: {  	[sflag:s0] =	ssyncadd.s32 @!p0 s1  }
0xa2: {  	[bflag:$0x3] =	sbarrier.arrive $0xFFFF  }
0xa3: {  	_ =	shalt  }

// kernel: kernel.23.cloned.1.call-start
scs
__scs_entry_jumppad:
0x0: {  	(pc) =	sbr.rel $0x88, $3  }
0x1: {  	(tag) =	ssettag $0x0;
	lr =	simm.s32 $0x1  }
0x2: {  	[smem:$0x3F85] =	sst lr;
	_ =	strace $0xD0000000  }
0x3: {  	_ = 	snop  }
0x4: {  	_ = 	snop  }
0x5: {  	_ = 	snop  }
0x6: {  	_ = 	snop  }
0x7: {  	_ = 	snop  }
__scs_overlays_trampoline_lowered:
0x8: {  	[smem:$0x3F94] =	sst s0  }
0x9: {  	[smem:$0x3F95] =	sst s1  }
0xa: {  	[smem:$0x3F96] =	sst s2  }
0xb: {  	[smem:$0x3F97] =	sst s3  }
0xc: {  	[smem:$0x3F98] =	sst s4  }
0xd: {  	[smem:$0x3F99] =	sst s5  }
0xe: {  	[smem:$0x3F9A] =	sst s6  }
0xf: {  	[smem:$0x3F9B] =	sst s7  }
0x10: {  	[smem:$0x3F9C] =	sst s8  }
0x11: {  	[smem:$0x3F9D] =	sst s9;
	s0 =	simm.s32 @!p0 $0x0  }
0x12: {  	s1 =	sld [smem:$0x3F83];
	s0 =	simm.s32 @p0 $0x1  }
0x13: {  	[smem:$0x3F9E] =	sst s0;
	s0 =	simm.s32 @!p1 $0x0  }
0x14: {  	s2 =	sld [smem:$0x3F82];
	s0 =	simm.s32 @p1 $0x1  }
0x15: {  	[smem:$0x3F9F] =	sst s0;
	s0 =	simm.s32 @!p2 $0x0  }
0x16: {  	s3 =	sld [smem:$0x3FDB];
	s0 =	simm.s32 @p2 $0x1  }
0x17: {  	s4 =	simm.s32 $0x1BF5;
	[smem:$0x3FA1] =	sst s0  }
0x18: {  	s0 =	sld [smem:$0x3F84];
	_ =	swait.ge [sflag:s4], $0x0  }
0x19: {  	s7 =	sld [smem:$0x3F85]  }
0x1a: {  	s8 =	sadd.s32 $0xFFFFE003, lr  }
0x1b: {  	s9 =	sadd.s32 $0xFFFFFEF7, lr;
	s5 =	simm.s32 $0xFFFFFFFF;
	p2 =	slt.u32 s8, $0xFFFFF086  }
0x1c: {  	p1 =	slt.u32 s9, $0xF7A;
	s5 =	simm.s32 @!p2 $0x0  }
0x1d: {  	s5 =	simm.s32 @p1 $0x1;
	p0 =	seq.s32 s7, s2  }
0x1e: {  	s7 =	smul.u32 @!p0 $0xF7A, s2;
	p2 =	seq.s32 @!p0 s5, $0x0  }
0x1f: {  	s9 =	smul.u32 $0xF7A, s1;
	s8 =	simm.s32 @!p0 $0x1BF5;
	p2 =	por !p2, p0  }
0x20: {  	[sflag:s8] =	ssyncset.s32 @!p0 $0xFFFFF086;
	s6 =	sadd.s32 @!p0 s3, s7;
	s7 =	simm.s32 @!p0 $0x108  }
0x21: {  	s3 =	sadd.s32 s3, s9;
	s6 =	sadd.s32 @!p0 $0x88, s6;
	s7 =	simm.s32 @p2 $0x1082  }
0x22: {  	[simem:s7], [sflag:s8] =	dma.local @!p0 [hbm:s6], $0xF7A  }
0x23: {  	s9 =	sor.u32 $0xD0000000, s2;
	s6 =	simm.s32 $0x108;
	_ =	swait.ge @!p0 [sflag:s8], $0x0  }
0x24: {  	s3 =	sadd.s32 $0x88, s3;
	s6 =	simm.s32 @!p1 $0x1082;
	[sflag:s4] =	ssyncset.s32 $0xFFFFF086  }
0x25: {  	[simem:s6], [sflag:s4] =	dma.local [hbm:s3], $0xF7A  }
0x26: {  	[smem:$0x3F85] =	sst s1;
	(tag) =	ssettag s2;
	_ =	strace s9  }
0x27: {  	s1 =	sld [smem:$0x3F95]  }
0x28: {  	s2 =	sld [smem:$0x3F96]  }
0x29: {  	s4 =	sld [smem:$0x3F98]  }
0x2a: {  	p0 =	seq.s32 s5, $0x0;
	s5 =	sld [smem:$0x3F99]  }
0x2b: {  	s6 =	sld [smem:$0x3F9A]  }
0x2c: {  	s7 =	sld [smem:$0x3F9B]  }
0x2d: {  	s3 =	simm.s32 $0x108;
	s8 =	sld [smem:$0x3F9C]  }
0x2e: {  	s3 =	simm.s32 @!p0 $0x1082;
	s9 =	sld [smem:$0x3F9D]  }
0x2f: {  	lr =	sadd.s32 s0, s3;
	s0 =	sld [smem:$0x3F94]  }
0x30: {  	s3 =	sld [smem:$0x3F97]  }
0x31: {  	[smem:$0x3FA0] =	sst s10  }
0x32: {  	s10 =	sld [smem:$0x3F9E];
	_ =	sdelay $0x3  }
0x33: {  	p0 =	seq.s32 s10, $0x1;
	s10 =	sld [smem:$0x3FA0];
	_ =	sdelay $0x3  }
0x34: {  	[smem:$0x3FA0] =	sst s10  }
0x35: {  	s10 =	sld [smem:$0x3F9F];
	_ =	sdelay $0x3  }
0x36: {  	p1 =	seq.s32 s10, $0x1;
	s10 =	sld [smem:$0x3FA0];
	_ =	sdelay $0x3  }
0x37: {  	[smem:$0x3FA0] =	sst s10  }
0x38: {  	s10 =	sld [smem:$0x3FA1]  }
0x39: {  	_ = 	snop;
	(pc) =	sbr.ind lr, $3  }
0x3a: {  	_ = 	snop  }
0x3b: {  	_ = 	snop  }
0x3c: {  	p2 =	seq.s32 s10, $0x1;
	s10 =	sld [smem:$0x3FA0]  }
0x3d: {  	_ =	shalt  }
0x3e: {  	_ =	shalt  }
0x3f: {  	_ =	shalt  }
0x40: {  	_ =	shalt  }
0x41: {  	_ =	shalt  }
0x42: {  	_ =	shalt  }
0x43: {  	_ =	shalt  }
0x44: {  	_ =	shalt  }
0x45: {  	_ =	shalt  }
0x46: {  	_ =	shalt  }
0x47: {  	_ =	shalt  }
0x48: {  	_ =	shalt  }
0x49: {  	_ =	shalt  }
0x4a: {  	_ =	shalt  }
0x4b: {  	_ =	shalt  }
0x4c: {  	_ =	shalt  }
0x4d: {  	_ =	shalt  }
0x4e: {  	_ =	shalt  }
0x4f: {  	_ =	shalt  }
0x50: {  	_ =	shalt  }
0x51: {  	_ =	shalt  }
0x52: {  	_ =	shalt  }
0x53: {  	_ =	shalt  }
0x54: {  	_ =	shalt  }
0x55: {  	_ =	shalt  }
0x56: {  	_ =	shalt  }
0x57: {  	_ =	shalt  }
0x58: {  	_ =	shalt  }
0x59: {  	_ =	shalt  }
0x5a: {  	_ =	shalt  }
0x5b: {  	_ =	shalt  }
0x5c: {  	_ =	shalt  }
0x5d: {  	_ =	shalt  }
0x5e: {  	_ =	shalt  }
0x5f: {  	_ =	shalt  }
0x60: {  	_ =	shalt  }
0x61: {  	_ =	shalt  }
0x62: {  	_ =	shalt  }
0x63: {  	_ =	shalt  }
0x64: {  	_ =	shalt  }
0x65: {  	_ =	shalt  }
0x66: {  	_ =	shalt  }
0x67: {  	_ =	shalt  }
0x68: {  	_ =	shalt  }
0x69: {  	_ =	shalt  }
0x6a: {  	_ =	shalt  }
0x6b: {  	_ =	shalt  }
0x6c: {  	_ =	shalt  }
0x6d: {  	_ =	shalt  }
0x6e: {  	_ =	shalt  }
0x6f: {  	_ =	shalt  }
0x70: {  	_ =	shalt  }
0x71: {  	_ =	shalt  }
0x72: {  	_ =	shalt  }
0x73: {  	_ =	shalt  }
0x74: {  	_ =	shalt  }
0x75: {  	_ =	shalt  }
0x76: {  	_ =	shalt  }
0x77: {  	_ =	shalt  }
0x78: {  	_ =	shalt  }
0x79: {  	_ =	shalt  }
0x7a: {  	_ =	shalt  }
0x7b: {  	_ =	shalt  }
0x7c: {  	_ =	shalt  }
0x7d: {  	_ =	shalt  }
0x7e: {  	_ =	shalt  }
0x7f: {  	_ =	shalt  }
0x80: {  	_ =	shalt  }
0x81: {  	_ =	shalt  }
0x82: {  	_ =	shalt  }
0x83: {  	_ =	shalt  }
0x84: {  	_ =	shalt  }
0x85: {  	_ =	shalt  }
0x86: {  	_ =	shalt  }
0x87: {  	_ =	shalt  }
.Lfunc_end0:
.L_simem_size_0:
called_computation.1_lowered:
.L_overlay_start_0:
0x88: {  	s2 =	sld [smem:$0x3FD9]  }
0x89: {  	s3 =	sld [smem:$0x3FFE];
	_ =	sdelay $0x1  }
0x8a: {  	s1 =	srdreg.scid  }
0x8b: {  	s0 =	sand.u32 $0x1, s1  }
0x8c: {  	s16 =	sshll.u32 s0, $0xA;
	s2 =	sadd.s32 s3, s2  }
0x8d: {  	s2 =	sadd.s32 s2, s16  }
0x8e: {  	[smem:$0x3FAC] =	sst s2  }
0x8f: {  	_ = 	snop  }
0x90: {  	(tm) =	ssettm $0x1  }
0x91: {  	s17 =	sld [smem:$0x3FFB];
	_ =	sdelay $0x3  }
0x92: {  	_ =	strace s17  }
0x93: {  	s2 =	sld [smem:$0x3FFC];
	_ =	sdelay $0x3  }
0x94: {  	_ =	strace s2  }
0x95: {  	s2 =	sld [smem:$0x3FFD];
	_ =	sdelay $0x3  }
0x96: {  	_ =	strace s2  }
0x97: {  	_ =	strace $0x8FFFFFFF  }
0x98: {  	s18 =	sld [smem:$0x3FDB];
	_ =	sdelay $0x1  }
0x99: {  	s19 =	simm.s32 $_scs_section_size  }
0x9a: {  	s4 =	simm.s32 $_size__tile_overlayer_lowered;
	s5 =	simm.s32 $_tile_overlayer_lowered  }
0x9b: {  	s22 =	simm.s32 $0x1BFF;
	s21 =	sshll.u32 s5, $0x1;
	s2 =	sadd.s32 s19, s18  }
0x9c: {  	s6 =	simm.s32 $0x0;
	s20 =	sshll.u32 s4, $0x1;
	s4 =	sadd.s32 s21, s2  }
0x9d: {  	[timem:s6], [sflag:s22] =	dma.local [hbm:s4], s20  }
0x9e: {  	_ =	swait.ge [sflag:s22], s20  }
0x9f: {  	s3 =	ssub.s32 $0x0, s20;
	[sflag:s22] =	ssyncset.done $0x0  }
0xa0: {  	[sflag:s22] =	ssyncadd.s32 s3;
	_ =	sdelay $0x1  }
0xa1: {  	s23 =	simm.s32 $0x1B8B  }
0xa2: {  	_ =	swait.ge [sflag:s23], $0x1  }
0xa3: {  	[sflag:s23] =	ssyncset.done $0x0  }
0xa4: {  	s25 =	simm.s32 $0x1B8E;
	s24 =	sld [smem:$0x3FFE];
	[sflag:s23] =	ssyncadd.s32 $0xFFFFFFFF  }
0xa5: {  	s26 =	simm.s32 $execute0_lowered;
	[smem:$0x3FD2] =	sst s25  }
0xa6: {  	s4 =	sshll.u32 s26, $0x1;
	_ =	strace $0x80000049;
	[dreg:$0x1] =	wrdreg $0xFFFFFFFF  }
0xa7: {  	s28 =	simm.s32 $_size_execute0_lowered;
	s2 =	sadd.s32 s2, s4;
	[dreg:$0x0] =	wrdreg $0x0  }
0xa8: {  	s4 =	sshll.u32 s28, $0x1;
	[dreg:$0x2] =	wrdreg s2  }
0xa9: {  	[dreg:$0x3] =	wrdreg s4  }
0xaa: {  	[dreg:$0x4] =	wrdreg $0xC0  }
0xab: {  	_ =	task [dreg:s6], $0x5FFFF  }
0xac: {  	[dreg:$0x1] =	wrdreg $0xFFFFFFFF  }
0xad: {  	[dreg:$0x0] =	wrdreg $0x60  }
0xae: {  	[dreg:$0x2] =	wrdreg s24  }
0xaf: {  	[dreg:$0x3] =	wrdreg $0x9  }
0xb0: {  	_ =	task.clear_ibuf [dreg:s6], $0x4FFFF;
	_ =	strace $0x90000049  }
0xb1: {  	s29 =	simm.s32 $0x9;
	_ =	strace $0x8000004B  }
0xb2: {  	_ =	swait.ge [sflag:s29], $0x1  }
0xb3: {  	[sflag:s29] =	ssyncadd.s32 $0xFFFFFFFF  }
0xb4: {  	_ =	strace $0x9000004B  }
0xb5: {  	_ =	sfence  }
0xb6: {  	s30 =	sld [smem:$0x0];
	_ =	sdelay $0x2  }
0xb7: {  	s31 =	sshll.u32 s1, $0xD;
	s1 =	sshrl.u32 s1, $0x2  }
0xb8: {  	s3 =	sand.u32 $0x4000, s31;
	s1 =	sadd.s32 s1, s30  }
0xb9: {  	s0 =	sor.u32 s3, s0;
	s1 =	sshll.u32 s1, $0x11  }
0xba: {  	s0 =	sor.u32 s1, s0  }
0xbb: {  	s0 =	sadd.s32 $0x8F2B, s0  }
0xbc: {  	[sflag:s0] =	ssyncadd.remote.s32 $0x1  }
0xbd: {  	_ =	sfence.sel $0xFFFF  }
0xbe: {  	[dreg:$0x0] =	wrdreg $0xFFFFFFFF;
	(pc) =	sbr.abs _section_cstart, $3  }
0xbf: {  	[dreg:$0x1] =	wrdreg $0xFFFFFFFF  }
0xc0: {  	_ =	task.clear_ibuf [dreg:s6], $0x2FFFF;
	_ =	strace $0x9FFFFFFF  }
0xc1: {  	(tm) =	ssettm $0x7FFFFFFF  }
tec
execute0_lowered:
.L_overlay_start_1:
0x0: {  	(tag) =	ssettag $0x1  }
0x1: {  	s0 =	rddreg [dreg:$0x0];
	s1 =	simm.s32 $0x0  }
0x2: {  	s2 =	srdreg.scid;
	s11 =	stileid.u32;
	s12 =	simm.s32 $0x300  }
0x3: {  	s13 =	simm.s32 $0x8300;
	s14 =	simm.s32 $0x10300;
	s5 =	smul.u32 $0x12C, s11  }
0x4: {  	s28 =	simm.s32 $0x1;
	s29 =	simm.s32 $0x2;
	s23 =	smul.u32 $0x96000, s11  }
0x5: {  	s2 =	sand.u32 $0x1, s2;
	s4 =	sshll.u32 s11, $0x1;
	s11 =	smul.u32 $0x12C0, s11  }
0x6: {  	s30 =	simm.s32 $0x3;
	s31 =	simm.s32 $0x0;
	s7 =	smul.u32 $0x96, s2  }
0x7: {  	[smem:$0x7FF] =	sst s1;
	s3 =	sadd.s32 $0x5800, s0;
	s25 =	smul.u32 $0x4B000, s2  }
0x8: {  	s4 =	sor.u32 s2, s4;
	s8 =	ssub.s32 $0x2, s2;
	s2 =	smul.u32 $0x960, s2  }
0x9: {  	s6 =	sadd.s32 $0xC8E00, s0;
	s0 =	sadd.s32 $0x1734800, s0;
	s9 =	smul.u32 $0x258000, s4  }
0xa: {  	_ =	strace $0x8000004A;
	s10 =	sshrl.u32 s8, $0x1;
	s4 =	smul.u32 $0x4B000, s4  }
0xb: {  	s26 =	sadd.s32 s11, s6;
	s5 =	sadd.s32 s7, s5;
	s15 =	ssub.s32 s8, s10  }
0xc: {  	s11 =	sadd.s32 s2, s26;
	s26 =	simm.s32 $0x14300;
	s16 =	sshrl.u32 s9, $0x3  }
0xd: {  	s17 =	sadd.s32 $0x4, s5;
	s4 =	sadd.s32 s0, s4;
	s7 =	smax.u32 s15, $0x1  }
0xe: {  	s5 =	sadd.s32 $0x2, s5;
	s15 =	simm.s32 $0x4;
	[dreg:$0x4] =	wrdreg s4  }
0xf: {  	s18 =	sadd.s32 s0, s16;
	s19 =	sshrl.u32 s17, $0x1;
	[dreg:$0x7] =	wrdreg s7  }
0x10: {  	s22 =	sshrl.u32 s5, $0x1;
	s16 =	simm.s32 $0x7;
	s17 =	simm.s32 $0x80  }
0x11: {  	s20 =	sadd.s32 $0x1000, s18;
	s4 =	sadd.s32 $0x2000, s18;
	s21 =	sshll.u32 s19, $0xC  }
0x12: {  	s8 =	sshll.u32 s19, $0x5;
	s24 =	sshll.u32 s22, $0xC;
	[dreg:$0x5] =	wrdreg s20  }
0x13: {  	s18 =	simm.s32 $0x4300;
	s19 =	simm.s32 $0x5;
	[dreg:$0x6] =	wrdreg s4  }
0x14: {  	s4 =	sadd.s32 s21, s0;
	s8 =	sadd.s32 s8, s6;
	s9 =	sadd.s32 s24, s0  }
0x15: {  	s0 =	sadd.s32 s23, s0;
	s20 =	simm.s32 $0x100;
	s21 =	simm.s32 $0x180  }
0x16: {  	s23 =	simm.s32 $0x6;
	s24 =	simm.s32 $0x200;
	[dreg:$0x2] =	wrdreg s4  }
0x17: {  	[dreg:$0x3] =	wrdreg s9;
	s4 =	sshll.u32 s22, $0x5;
	s10 =	sadd.s32 s25, s0  }
0x18: {  	s22 =	simm.s32 $0xC300;
	s25 =	simm.s32 $0x280;
	s9 =	sadd.s32 s4, s6  }
.LBB2_1:
0x19: {  	s0 =	rddreg [dreg:$0x4]  }
0x1a: {  	[hbm4b:s0+s1] =	stream.linear.scatter [tilespmem:s12], [sflag:$0x4], $0x8000, $0x38;
	[tilespmem:$0x18300] =	vst v63  }
0x1b: {  	s4 =	rddreg [dreg:$0x5]  }
0x1c: {  	[hbm4b:s4+s1] =	stream.linear.scatter [tilespmem:s13], [sflag:$0x5], $0x8000, $0x38;
	[tilespmem:$0x18300] =	vst v63  }
0x1d: {  	s5 =	rddreg [dreg:$0x6]  }
0x1e: {  	[hbm4b:s5+s1] =	stream.linear.scatter [tilespmem:s14], [sflag:$0x6], $0x8000, $0x38;
	[tilespmem:$0x18300] =	vst v63  }
0x1f: {  	_ =	swait.ge [sflag:s15], $0x8000  }
0x20: {  	[sflag:s15] =	ssyncset.done $0x0  }
0x21: {  	[sflag:s15] =	ssyncadd.s32 $0xFFFF8000  }
0x22: {  	[tilespmem:s1], [sflag:$0x7] =	stream.linear.gather [hbm4b:s11+s1], $0x100, $0x38;
	[tilespmem:$0x18300] =	vst v63  }
0x23: {  	_ =	swait.ge [sflag:s16], $0x100  }
0x24: {  	[sflag:s16] =	ssyncset.done $0x0  }
0x25: {  	[sflag:s16] =	ssyncadd.s32 $0xFFFFFF00  }
0x26: {  	[tilespmem:s12], [sflag:$0x1] =	stream.indirect.gather [hbm4b:s3+s17], $0x80, s1, s17, $0xb8;
	[tilespmem:$0x18300] =	vst v63  }
0x27: {  	_ = 	snop  }
0x28: {  	[tilespmem:s18], [sflag:$0x1] =	stream.indirect.gather [hbm4b:s3+s17], $0x80, s17, s17, $0xb8;
	[tilespmem:$0x18300] =	vst v63  }
0x29: {  	_ =	swait.ge [sflag:s19], $0x8000  }
0x2a: {  	[sflag:s19] =	ssyncset.done $0x0  }
0x2b: {  	[sflag:s19] =	ssyncadd.s32 $0xFFFF8000  }
0x2c: {  	[tilespmem:s20], [sflag:$0x7] =	stream.linear.gather [hbm4b:s9+s1], $0x100, $0x38;
	[tilespmem:$0x18300] =	vst v63  }
0x2d: {  	_ =	swait.ge [sflag:s16], $0x100  }
0x2e: {  	[sflag:s16] =	ssyncset.done $0x0  }
0x2f: {  	[sflag:s16] =	ssyncadd.s32 $0xFFFFFF00  }
0x30: {  	[tilespmem:s13], [sflag:$0x2] =	stream.indirect.gather [hbm4b:s3+s17], $0x80, s20, s17, $0xb8;
	[tilespmem:$0x18300] =	vst v63  }
0x31: {  	_ = 	snop  }
0x32: {  	[tilespmem:s22], [sflag:$0x2] =	stream.indirect.gather [hbm4b:s3+s17], $0x80, s21, s17, $0xb8;
	[tilespmem:$0x18300] =	vst v63  }
0x33: {  	_ =	swait.ge [sflag:s23], $0x8000  }
0x34: {  	[sflag:s23] =	ssyncset.done $0x0  }
0x35: {  	[sflag:s23] =	ssyncadd.s32 $0xFFFF8000  }
0x36: {  	[tilespmem:s24], [sflag:$0x7] =	stream.linear.gather [hbm4b:s8+s1], $0x100, $0x38;
	[tilespmem:$0x18300] =	vst v63  }
0x37: {  	_ =	swait.ge [sflag:s16], $0x100  }
0x38: {  	[sflag:s16] =	ssyncset.done $0x0  }
0x39: {  	[sflag:s16] =	ssyncadd.s32 $0xFFFFFF00  }
0x3a: {  	[tilespmem:s14], [sflag:$0x3] =	stream.indirect.gather [hbm4b:s3+s17], $0x80, s24, s17, $0xb8;
	[tilespmem:$0x18300] =	vst v63  }
0x3b: {  	_ = 	snop  }
0x3c: {  	[tilespmem:s26], [sflag:$0x3] =	stream.indirect.gather [hbm4b:s3+s17], $0x80, s25, s17, $0xb8;
	[tilespmem:$0x18300] =	vst v63  }
0x3d: {  	_ =	swait.ge [sflag:s28], $0x4000  }
0x3e: {  	[sflag:s28] =	ssyncset.done $0x0  }
0x3f: {  	[sflag:s28] =	ssyncadd.s32 $0xFFFFC000  }
0x40: {  	_ =	swait.ge [sflag:s28], $0x4000  }
0x41: {  	[sflag:s28] =	ssyncset.done $0x0  }
0x42: {  	s6 =	sadd.s32 $0x0, s10;
	[sflag:s28] =	ssyncadd.s32 $0xFFFFC000  }
0x43: {  	[hbm4b:s6+s1] =	stream.linear.scatter [tilespmem:s12], [sflag:$0x4], $0x8000, $0x38;
	[tilespmem:$0x18300] =	vst v63  }
0x44: {  	_ =	swait.ge [sflag:s29], $0x4000  }
0x45: {  	[sflag:s29] =	ssyncset.done $0x0  }
0x46: {  	[sflag:s29] =	ssyncadd.s32 $0xFFFFC000  }
0x47: {  	_ =	swait.ge [sflag:s29], $0x4000  }
0x48: {  	s7 =	rddreg [dreg:$0x3];
	[sflag:s29] =	ssyncset.done $0x0  }
0x49: {  	[sflag:s29] =	ssyncadd.s32 $0xFFFFC000;
	s0 =	sadd.s32 $0x0, s7  }
0x4a: {  	[hbm4b:s0+s1] =	stream.linear.scatter [tilespmem:s13], [sflag:$0x5], $0x8000, $0x38;
	[tilespmem:$0x18300] =	vst v63  }
0x4b: {  	_ =	swait.ge [sflag:s30], $0x4000  }
0x4c: {  	[sflag:s30] =	ssyncset.done $0x0  }
0x4d: {  	[sflag:s30] =	ssyncadd.s32 $0xFFFFC000  }
0x4e: {  	s2 =	sadd.s32 $0x60, s11;
	s5 =	sadd.s32 $0x60, s9;
	_ =	swait.ge [sflag:s30], $0x4000  }
0x4f: {  	s0 =	simm.s32 $0x3000;
	s4 =	rddreg [dreg:$0x2];
	[sflag:s30] =	ssyncset.done $0x0  }
0x50: {  	[sflag:s30] =	ssyncadd.s32 $0xFFFFC000;
	s6 =	sadd.s32 $0x0, s4;
	s4 =	sadd.s32 $0x60, s8  }
.LBB2_2:
0x51: {  	[hbm4b:s6+s1] =	stream.linear.scatter [tilespmem:s14], [sflag:$0x6], $0x8000, $0x38;
	[tilespmem:$0x18300] =	vst v63  }
0x52: {  	_ =	swait.ge [sflag:s15], $0x8000  }
0x53: {  	[sflag:s15] =	ssyncset.done $0x0  }
0x54: {  	[sflag:s15] =	ssyncadd.s32 $0xFFFF8000  }
0x55: {  	[tilespmem:s1], [sflag:$0x7] =	stream.linear.gather [hbm4b:s2+s1], $0x100, $0x38;
	[tilespmem:$0x18300] =	vst v63  }
0x56: {  	_ =	swait.ge [sflag:s16], $0x100  }
0x57: {  	[sflag:s16] =	ssyncset.done $0x0  }
0x58: {  	[sflag:s16] =	ssyncadd.s32 $0xFFFFFF00  }
0x59: {  	[tilespmem:s12], [sflag:$0x1] =	stream.indirect.gather [hbm4b:s3+s17], $0x80, s1, s17, $0xb8;
	[tilespmem:$0x18300] =	vst v63  }
0x5a: {  	_ = 	snop  }
0x5b: {  	[tilespmem:s18], [sflag:$0x1] =	stream.indirect.gather [hbm4b:s3+s17], $0x80, s17, s17, $0xb8;
	[tilespmem:$0x18300] =	vst v63  }
0x5c: {  	_ =	swait.ge [sflag:s19], $0x8000  }
0x5d: {  	[sflag:s19] =	ssyncset.done $0x0  }
0x5e: {  	[sflag:s19] =	ssyncadd.s32 $0xFFFF8000  }
0x5f: {  	[tilespmem:s20], [sflag:$0x7] =	stream.linear.gather [hbm4b:s5+s1], $0x100, $0x38;
	[tilespmem:$0x18300] =	vst v63  }
0x60: {  	_ =	swait.ge [sflag:s16], $0x100  }
0x61: {  	[sflag:s16] =	ssyncset.done $0x0  }
0x62: {  	[sflag:s16] =	ssyncadd.s32 $0xFFFFFF00  }
0x63: {  	[tilespmem:s13], [sflag:$0x2] =	stream.indirect.gather [hbm4b:s3+s17], $0x80, s20, s17, $0xb8;
	[tilespmem:$0x18300] =	vst v63  }
0x64: {  	_ = 	snop  }
0x65: {  	[tilespmem:s22], [sflag:$0x2] =	stream.indirect.gather [hbm4b:s3+s17], $0x80, s21, s17, $0xb8;
	[tilespmem:$0x18300] =	vst v63  }
0x66: {  	_ =	swait.ge [sflag:s23], $0x8000  }
0x67: {  	[sflag:s23] =	ssyncset.done $0x0  }
0x68: {  	[sflag:s23] =	ssyncadd.s32 $0xFFFF8000  }
0x69: {  	[tilespmem:s24], [sflag:$0x7] =	stream.linear.gather [hbm4b:s4+s1], $0x100, $0x38;
	[tilespmem:$0x18300] =	vst v63  }
0x6a: {  	_ =	swait.ge [sflag:s16], $0x100  }
0x6b: {  	[sflag:s16] =	ssyncset.done $0x0  }
0x6c: {  	[sflag:s16] =	ssyncadd.s32 $0xFFFFFF00  }
0x6d: {  	[tilespmem:s14], [sflag:$0x3] =	stream.indirect.gather [hbm4b:s3+s17], $0x80, s24, s17, $0xb8;
	[tilespmem:$0x18300] =	vst v63  }
0x6e: {  	_ = 	snop  }
0x6f: {  	[tilespmem:s26], [sflag:$0x3] =	stream.indirect.gather [hbm4b:s3+s17], $0x80, s25, s17, $0xb8;
	[tilespmem:$0x18300] =	vst v63  }
0x70: {  	_ =	swait.ge [sflag:s28], $0x4000  }
0x71: {  	[sflag:s28] =	ssyncset.done $0x0  }
0x72: {  	[sflag:s28] =	ssyncadd.s32 $0xFFFFC000  }
0x73: {  	_ =	swait.ge [sflag:s28], $0x4000  }
0x74: {  	s6 =	smov.u32 s0;
	[sflag:s28] =	ssyncset.done $0x0  }
0x75: {  	s7 =	sadd.s32 s6, s10;
	[sflag:s28] =	ssyncadd.s32 $0xFFFFC000  }
0x76: {  	[hbm4b:s7+s1] =	stream.linear.scatter [tilespmem:s12], [sflag:$0x4], $0x8000, $0x38;
	[tilespmem:$0x18300] =	vst v63  }
0x77: {  	_ =	swait.ge [sflag:s29], $0x4000  }
0x78: {  	[sflag:s29] =	ssyncset.done $0x0  }
0x79: {  	[sflag:s29] =	ssyncadd.s32 $0xFFFFC000  }
0x7a: {  	_ =	swait.ge [sflag:s29], $0x4000  }
0x7b: {  	s7 =	rddreg [dreg:$0x3];
	[sflag:s29] =	ssyncset.done $0x0  }
0x7c: {  	[sflag:s29] =	ssyncadd.s32 $0xFFFFC000;
	s7 =	sadd.s32 s6, s7  }
0x7d: {  	[hbm4b:s7+s1] =	stream.linear.scatter [tilespmem:s13], [sflag:$0x5], $0x8000, $0x38;
	[tilespmem:$0x18300] =	vst v63  }
0x7e: {  	p0 =	sne.s32 s0, $0x48000;
	_ =	swait.ge [sflag:s30], $0x4000  }
.Ltmp0:
0x7f: {  	[sflag:s30] =	ssyncset.done $0x0;
	(pc) =	sbr.rel @p0 .LBB2_2-.Ltmp0, $4  }
0x80: {  	[sflag:s30] =	ssyncadd.s32 $0xFFFFC000  }
0x81: {  	s0 =	sadd.s32 $0x3000, s0;
	s2 =	sadd.s32 $0x60, s2;
	_ =	swait.ge [sflag:s30], $0x4000  }
0x82: {  	s5 =	sadd.s32 $0x60, s5;
	[sflag:s30] =	ssyncset.done $0x0;
	s7 =	rddreg [dreg:$0x2]  }
0x83: {  	s4 =	sadd.s32 $0x60, s4;
	[sflag:s30] =	ssyncadd.s32 $0xFFFFC000;
	s6 =	sadd.s32 s6, s7  }
0x84: {  	[hbm4b:s6+s1] =	stream.linear.scatter [tilespmem:s14], [sflag:$0x6], $0x8000, $0x38;
	[tilespmem:$0x18300] =	vst v63  }
0x85: {  	_ =	swait.ge [sflag:s15], $0x8000  }
0x86: {  	[sflag:s15] =	ssyncset.done $0x0  }
0x87: {  	[sflag:s15] =	ssyncadd.s32 $0xFFFF8000  }
0x88: {  	_ =	swait.ge [sflag:s19], $0x8000  }
0x89: {  	[sflag:s19] =	ssyncset.done $0x0  }
0x8a: {  	[sflag:s19] =	ssyncadd.s32 $0xFFFF8000  }
0x8b: {  	_ =	swait.ge [sflag:s23], $0x8000  }
0x8c: {  	s31 =	sadd.s32 $0x1, s31;
	s0 =	rddreg [dreg:$0x7]  }
0x8d: {  	p0 =	sne.s32 s31, s0  }
.Ltmp1:
0x8e: {  	_ = 	snop;
	(pc) =	sbr.rel @p0 .LBB2_1-.Ltmp1, $3  }
0x8f: {  	_ =	sdelay $0x1  }
0x90: {  	[sflag:s23] =	ssyncset.done $0x0  }
0x91: {  	[sflag:s23] =	ssyncadd.s32 $0xFFFF8000  }
0x92: {  	_ =	sfence.sel $0x180000  }
0x93: {  	[bflag:$0x0] =	sbarrier.arrive $0xFFFF  }
0x94: {  	_ =	strace $0x9000004A  }
0x95: {  	s0 =	stileid.u32;
	[bflag:$0x2] =	sbarrier.arrive $0xFFFF  }
0x96: {  	p0 =	sne.s32 s0, $0x0;
	s0 =	rddreg [dreg:$0x1]  }
0x97: {  	s0 =	sadd.s32 @!p0 $0x100000, s0  }
0x98: {  	[sflag:s0] =	ssyncadd.tile.s32 @!p0 $0x1;
	_ =	shalt  }
.Lfunc_end2:
_tile_overlayer_lowered:
.L_overlay_start_2:
0x99: {  	(tag) =	ssettag $0x2  }
0x9a: {  	s0 =	rddreg [dreg:$0x0];
	s2 =	stileid.u32  }
0x9b: {  	s1 =	rddreg [dreg:$0x1];
	p0 =	sne.s32 s2, $0x0  }
0x9c: {  	s3 =	rddreg [dreg:$0x2];
	[bflag:$0x3] =	sbarrier.arrive $0xFFFF;
	s2 =	simm.s32 @!p0 $0x1C07  }
0x9d: {  	[timem:s3], [sflag:s2] =	dma.local @!p0 [hbm:s0], s1  }
0x9e: {  	s0 =	simm.s32 @!p0 $0x7  }
0x9f: {  	_ =	swait.ge @!p0 [sflag:s0], s1  }
0xa0: {  	s1 =	ssub.s32 @!p0 $0x0, s1;
	[sflag:s0] =	ssyncset.done @!p0 $0x0  }
0xa1: {  	[sflag:s0] =	ssyncadd.s32 @!p0 s1  }
0xa2: {  	[bflag:$0x3] =	sbarrier.arrive $0xFFFF  }
0xa3: {  	_ =	shalt  }

// kernel: kernel.26.cloned.1.call-start
scs
__scs_entry_jumppad:
0x0: {  	(pc) =	sbr.rel $0x88, $3  }
0x1: {  	(tag) =	ssettag $0x0;
	lr =	simm.s32 $0x1  }
0x2: {  	[smem:$0x3F85] =	sst lr;
	_ =	strace $0xD0000000  }
0x3: {  	_ = 	snop  }
0x4: {  	_ = 	snop  }
0x5: {  	_ = 	snop  }
0x6: {  	_ = 	snop  }
0x7: {  	_ = 	snop  }
__scs_overlays_trampoline_lowered:
0x8: {  	[smem:$0x3F94] =	sst s0  }
0x9: {  	[smem:$0x3F95] =	sst s1  }
0xa: {  	[smem:$0x3F96] =	sst s2  }
0xb: {  	[smem:$0x3F97] =	sst s3  }
0xc: {  	[smem:$0x3F98] =	sst s4  }
0xd: {  	[smem:$0x3F99] =	sst s5  }
0xe: {  	[smem:$0x3F9A] =	sst s6  }
0xf: {  	[smem:$0x3F9B] =	sst s7  }
0x10: {  	[smem:$0x3F9C] =	sst s8  }
0x11: {  	[smem:$0x3F9D] =	sst s9;
	s0 =	simm.s32 @!p0 $0x0  }
0x12: {  	s1 =	sld [smem:$0x3F83];
	s0 =	simm.s32 @p0 $0x1  }
0x13: {  	[smem:$0x3F9E] =	sst s0;
	s0 =	simm.s32 @!p1 $0x0  }
0x14: {  	s2 =	sld [smem:$0x3F82];
	s0 =	simm.s32 @p1 $0x1  }
0x15: {  	[smem:$0x3F9F] =	sst s0;
	s0 =	simm.s32 @!p2 $0x0  }
0x16: {  	s3 =	sld [smem:$0x3FDB];
	s0 =	simm.s32 @p2 $0x1  }
0x17: {  	s4 =	simm.s32 $0x1BF5;
	[smem:$0x3FA1] =	sst s0  }
0x18: {  	s0 =	sld [smem:$0x3F84];
	_ =	swait.ge [sflag:s4], $0x0  }
0x19: {  	s7 =	sld [smem:$0x3F85]  }
0x1a: {  	s8 =	sadd.s32 $0xFFFFE003, lr  }
0x1b: {  	s9 =	sadd.s32 $0xFFFFFEF7, lr;
	s5 =	simm.s32 $0xFFFFFFFF;
	p2 =	slt.u32 s8, $0xFFFFF086  }
0x1c: {  	p1 =	slt.u32 s9, $0xF7A;
	s5 =	simm.s32 @!p2 $0x0  }
0x1d: {  	s5 =	simm.s32 @p1 $0x1;
	p0 =	seq.s32 s7, s2  }
0x1e: {  	s7 =	smul.u32 @!p0 $0xF7A, s2;
	p2 =	seq.s32 @!p0 s5, $0x0  }
0x1f: {  	s9 =	smul.u32 $0xF7A, s1;
	s8 =	simm.s32 @!p0 $0x1BF5;
	p2 =	por !p2, p0  }
0x20: {  	[sflag:s8] =	ssyncset.s32 @!p0 $0xFFFFF086;
	s6 =	sadd.s32 @!p0 s3, s7;
	s7 =	simm.s32 @!p0 $0x108  }
0x21: {  	s3 =	sadd.s32 s3, s9;
	s6 =	sadd.s32 @!p0 $0x88, s6;
	s7 =	simm.s32 @p2 $0x1082  }
0x22: {  	[simem:s7], [sflag:s8] =	dma.local @!p0 [hbm:s6], $0xF7A  }
0x23: {  	s9 =	sor.u32 $0xD0000000, s2;
	s6 =	simm.s32 $0x108;
	_ =	swait.ge @!p0 [sflag:s8], $0x0  }
0x24: {  	s3 =	sadd.s32 $0x88, s3;
	s6 =	simm.s32 @!p1 $0x1082;
	[sflag:s4] =	ssyncset.s32 $0xFFFFF086  }
0x25: {  	[simem:s6], [sflag:s4] =	dma.local [hbm:s3], $0xF7A  }
0x26: {  	[smem:$0x3F85] =	sst s1;
	(tag) =	ssettag s2;
	_ =	strace s9  }
0x27: {  	s1 =	sld [smem:$0x3F95]  }
0x28: {  	s2 =	sld [smem:$0x3F96]  }
0x29: {  	s4 =	sld [smem:$0x3F98]  }
0x2a: {  	p0 =	seq.s32 s5, $0x0;
	s5 =	sld [smem:$0x3F99]  }
0x2b: {  	s6 =	sld [smem:$0x3F9A]  }
0x2c: {  	s7 =	sld [smem:$0x3F9B]  }
0x2d: {  	s3 =	simm.s32 $0x108;
	s8 =	sld [smem:$0x3F9C]  }
0x2e: {  	s3 =	simm.s32 @!p0 $0x1082;
	s9 =	sld [smem:$0x3F9D]  }
0x2f: {  	lr =	sadd.s32 s0, s3;
	s0 =	sld [smem:$0x3F94]  }
0x30: {  	s3 =	sld [smem:$0x3F97]  }
0x31: {  	[smem:$0x3FA0] =	sst s10  }
0x32: {  	s10 =	sld [smem:$0x3F9E];
	_ =	sdelay $0x3  }
0x33: {  	p0 =	seq.s32 s10, $0x1;
	s10 =	sld [smem:$0x3FA0];
	_ =	sdelay $0x3  }
0x34: {  	[smem:$0x3FA0] =	sst s10  }
0x35: {  	s10 =	sld [smem:$0x3F9F];
	_ =	sdelay $0x3  }
0x36: {  	p1 =	seq.s32 s10, $0x1;
	s10 =	sld [smem:$0x3FA0];
	_ =	sdelay $0x3  }
0x37: {  	[smem:$0x3FA0] =	sst s10  }
0x38: {  	s10 =	sld [smem:$0x3FA1]  }
0x39: {  	_ = 	snop;
	(pc) =	sbr.ind lr, $3  }
0x3a: {  	_ = 	snop  }
0x3b: {  	_ = 	snop  }
0x3c: {  	p2 =	seq.s32 s10, $0x1;
	s10 =	sld [smem:$0x3FA0]  }
0x3d: {  	_ =	shalt  }
0x3e: {  	_ =	shalt  }
0x3f: {  	_ =	shalt  }
0x40: {  	_ =	shalt  }
0x41: {  	_ =	shalt  }
0x42: {  	_ =	shalt  }
0x43: {  	_ =	shalt  }
0x44: {  	_ =	shalt  }
0x45: {  	_ =	shalt  }
0x46: {  	_ =	shalt  }
0x47: {  	_ =	shalt  }
0x48: {  	_ =	shalt  }
0x49: {  	_ =	shalt  }
0x4a: {  	_ =	shalt  }
0x4b: {  	_ =	shalt  }
0x4c: {  	_ =	shalt  }
0x4d: {  	_ =	shalt  }
0x4e: {  	_ =	shalt  }
0x4f: {  	_ =	shalt  }
0x50: {  	_ =	shalt  }
0x51: {  	_ =	shalt  }
0x52: {  	_ =	shalt  }
0x53: {  	_ =	shalt  }
0x54: {  	_ =	shalt  }
0x55: {  	_ =	shalt  }
0x56: {  	_ =	shalt  }
0x57: {  	_ =	shalt  }
0x58: {  	_ =	shalt  }
0x59: {  	_ =	shalt  }
0x5a: {  	_ =	shalt  }
0x5b: {  	_ =	shalt  }
0x5c: {  	_ =	shalt  }
0x5d: {  	_ =	shalt  }
0x5e: {  	_ =	shalt  }
0x5f: {  	_ =	shalt  }
0x60: {  	_ =	shalt  }
0x61: {  	_ =	shalt  }
0x62: {  	_ =	shalt  }
0x63: {  	_ =	shalt  }
0x64: {  	_ =	shalt  }
0x65: {  	_ =	shalt  }
0x66: {  	_ =	shalt  }
0x67: {  	_ =	shalt  }
0x68: {  	_ =	shalt  }
0x69: {  	_ =	shalt  }
0x6a: {  	_ =	shalt  }
0x6b: {  	_ =	shalt  }
0x6c: {  	_ =	shalt  }
0x6d: {  	_ =	shalt  }
0x6e: {  	_ =	shalt  }
0x6f: {  	_ =	shalt  }
0x70: {  	_ =	shalt  }
0x71: {  	_ =	shalt  }
0x72: {  	_ =	shalt  }
0x73: {  	_ =	shalt  }
0x74: {  	_ =	shalt  }
0x75: {  	_ =	shalt  }
0x76: {  	_ =	shalt  }
0x77: {  	_ =	shalt  }
0x78: {  	_ =	shalt  }
0x79: {  	_ =	shalt  }
0x7a: {  	_ =	shalt  }
0x7b: {  	_ =	shalt  }
0x7c: {  	_ =	shalt  }
0x7d: {  	_ =	shalt  }
0x7e: {  	_ =	shalt  }
0x7f: {  	_ =	shalt  }
0x80: {  	_ =	shalt  }
0x81: {  	_ =	shalt  }
0x82: {  	_ =	shalt  }
0x83: {  	_ =	shalt  }
0x84: {  	_ =	shalt  }
0x85: {  	_ =	shalt  }
0x86: {  	_ =	shalt  }
0x87: {  	_ =	shalt  }
.Lfunc_end0:
.L_simem_size_0:
called_computation.2_lowered:
.L_overlay_start_0:
0x88: {  	s2 =	sld [smem:$0x3FD9]  }
0x89: {  	s3 =	sld [smem:$0x3FFE];
	_ =	sdelay $0x1  }
0x8a: {  	s1 =	srdreg.scid  }
0x8b: {  	s0 =	sand.u32 $0x1, s1  }
0x8c: {  	s16 =	sshll.u32 s0, $0xA;
	s2 =	sadd.s32 s3, s2  }
0x8d: {  	s2 =	sadd.s32 s2, s16  }
0x8e: {  	[smem:$0x3FAC] =	sst s2  }
0x8f: {  	_ = 	snop  }
0x90: {  	(tm) =	ssettm $0x1  }
0x91: {  	s17 =	sld [smem:$0x3FFB];
	_ =	sdelay $0x3  }
0x92: {  	_ =	strace s17  }
0x93: {  	s2 =	sld [smem:$0x3FFC];
	_ =	sdelay $0x3  }
0x94: {  	_ =	strace s2  }
0x95: {  	s2 =	sld [smem:$0x3FFD];
	_ =	sdelay $0x3  }
0x96: {  	_ =	strace s2  }
0x97: {  	_ =	strace $0x8FFFFFFF  }
0x98: {  	s18 =	sld [smem:$0x3FDB];
	_ =	sdelay $0x1  }
0x99: {  	s19 =	simm.s32 $_scs_section_size  }
0x9a: {  	s4 =	simm.s32 $_size__tile_overlayer_lowered;
	s5 =	simm.s32 $_tile_overlayer_lowered  }
0x9b: {  	s22 =	simm.s32 $0x1BFF;
	s21 =	sshll.u32 s5, $0x1;
	s2 =	sadd.s32 s19, s18  }
0x9c: {  	s6 =	simm.s32 $0x0;
	s20 =	sshll.u32 s4, $0x1;
	s4 =	sadd.s32 s21, s2  }
0x9d: {  	[timem:s6], [sflag:s22] =	dma.local [hbm:s4], s20  }
0x9e: {  	_ =	swait.ge [sflag:s22], s20  }
0x9f: {  	s3 =	ssub.s32 $0x0, s20;
	[sflag:s22] =	ssyncset.done $0x0  }
0xa0: {  	[sflag:s22] =	ssyncadd.s32 s3;
	_ =	sdelay $0x1  }
0xa1: {  	s23 =	simm.s32 $0x1B8B  }
0xa2: {  	_ =	swait.ge [sflag:s23], $0x1  }
0xa3: {  	[sflag:s23] =	ssyncset.done $0x0  }
0xa4: {  	s25 =	simm.s32 $0x1B8E;
	s24 =	sld [smem:$0x3FFE];
	[sflag:s23] =	ssyncadd.s32 $0xFFFFFFFF  }
0xa5: {  	s26 =	simm.s32 $execute0_lowered;
	[smem:$0x3FD2] =	sst s25  }
0xa6: {  	s4 =	sshll.u32 s26, $0x1;
	_ =	strace $0x8000004C;
	[dreg:$0x1] =	wrdreg $0xFFFFFFFF  }
0xa7: {  	s28 =	simm.s32 $_size_execute0_lowered;
	s2 =	sadd.s32 s2, s4;
	[dreg:$0x0] =	wrdreg $0x0  }
0xa8: {  	s4 =	sshll.u32 s28, $0x1;
	[dreg:$0x2] =	wrdreg s2  }
0xa9: {  	[dreg:$0x3] =	wrdreg s4  }
0xaa: {  	[dreg:$0x4] =	wrdreg $0xC0  }
0xab: {  	_ =	task [dreg:s6], $0x5FFFF  }
0xac: {  	[dreg:$0x1] =	wrdreg $0xFFFFFFFF  }
0xad: {  	[dreg:$0x0] =	wrdreg $0x60  }
0xae: {  	[dreg:$0x2] =	wrdreg s24  }
0xaf: {  	[dreg:$0x3] =	wrdreg $0x9  }
0xb0: {  	_ =	task.clear_ibuf [dreg:s6], $0x4FFFF;
	_ =	strace $0x9000004C  }
0xb1: {  	s29 =	simm.s32 $0x9;
	_ =	strace $0x8000004E  }
0xb2: {  	_ =	swait.ge [sflag:s29], $0x1  }
0xb3: {  	[sflag:s29] =	ssyncadd.s32 $0xFFFFFFFF  }
0xb4: {  	_ =	strace $0x9000004E  }
0xb5: {  	_ =	sfence  }
0xb6: {  	s30 =	sld [smem:$0x0];
	_ =	sdelay $0x2  }
0xb7: {  	s31 =	sshll.u32 s1, $0xD;
	s1 =	sshrl.u32 s1, $0x2  }
0xb8: {  	s3 =	sand.u32 $0x4000, s31;
	s1 =	sadd.s32 s1, s30  }
0xb9: {  	s0 =	sor.u32 s3, s0;
	s1 =	sshll.u32 s1, $0x11  }
0xba: {  	s0 =	sor.u32 s1, s0  }
0xbb: {  	s0 =	sadd.s32 $0x8F2B, s0  }
0xbc: {  	[sflag:s0] =	ssyncadd.remote.s32 $0x1  }
0xbd: {  	_ =	sfence.sel $0xFFFF  }
0xbe: {  	[dreg:$0x0] =	wrdreg $0xFFFFFFFF;
	(pc) =	sbr.abs _section_cstart, $3  }
0xbf: {  	[dreg:$0x1] =	wrdreg $0xFFFFFFFF  }
0xc0: {  	_ =	task.clear_ibuf [dreg:s6], $0x2FFFF;
	_ =	strace $0x9FFFFFFF  }
0xc1: {  	(tm) =	ssettm $0x7FFFFFFF  }
tec
execute0_lowered:
.L_overlay_start_1:
0x0: {  	(tag) =	ssettag $0x1  }
0x1: {  	s0 =	rddreg [dreg:$0x0];
	s1 =	simm.s32 $0x0  }
0x2: {  	s2 =	srdreg.scid;
	s11 =	stileid.u32;
	s12 =	simm.s32 $0x300  }
0x3: {  	s13 =	simm.s32 $0x8300;
	s14 =	simm.s32 $0x10300;
	s5 =	smul.u32 $0x12C, s11  }
0x4: {  	s28 =	simm.s32 $0x1;
	s29 =	simm.s32 $0x2;
	s23 =	smul.u32 $0x96000, s11  }
0x5: {  	s2 =	sand.u32 $0x1, s2;
	s4 =	sshll.u32 s11, $0x1;
	s11 =	smul.u32 $0x12C0, s11  }
0x6: {  	s30 =	simm.s32 $0x3;
	s31 =	simm.s32 $0x0;
	s7 =	smul.u32 $0x96, s2  }
0x7: {  	[smem:$0x7FF] =	sst s1;
	s3 =	sadd.s32 $0x5800, s0;
	s25 =	smul.u32 $0x4B000, s2  }
0x8: {  	s4 =	sor.u32 s2, s4;
	s8 =	ssub.s32 $0x2, s2;
	s2 =	smul.u32 $0x960, s2  }
0x9: {  	s6 =	sadd.s32 $0xC8E00, s0;
	s0 =	sadd.s32 $0x19F000, s0;
	s9 =	smul.u32 $0x258000, s4  }
0xa: {  	_ =	strace $0x8000004D;
	s10 =	sshrl.u32 s8, $0x1;
	s4 =	smul.u32 $0x4B000, s4  }
0xb: {  	s26 =	sadd.s32 s11, s6;
	s5 =	sadd.s32 s7, s5;
	s15 =	ssub.s32 s8, s10  }
0xc: {  	s11 =	sadd.s32 s2, s26;
	s26 =	simm.s32 $0x14300;
	s16 =	sshrl.u32 s9, $0x3  }
0xd: {  	s17 =	sadd.s32 $0x4, s5;
	s4 =	sadd.s32 s0, s4;
	s7 =	smax.u32 s15, $0x1  }
0xe: {  	s5 =	sadd.s32 $0x2, s5;
	s15 =	simm.s32 $0x4;
	[dreg:$0x4] =	wrdreg s4  }
0xf: {  	s18 =	sadd.s32 s0, s16;
	s19 =	sshrl.u32 s17, $0x1;
	[dreg:$0x7] =	wrdreg s7  }
0x10: {  	s22 =	sshrl.u32 s5, $0x1;
	s16 =	simm.s32 $0x7;
	s17 =	simm.s32 $0x80  }
0x11: {  	s20 =	sadd.s32 $0x1000, s18;
	s4 =	sadd.s32 $0x2000, s18;
	s21 =	sshll.u32 s19, $0xC  }
0x12: {  	s8 =	sshll.u32 s19, $0x5;
	s24 =	sshll.u32 s22, $0xC;
	[dreg:$0x5] =	wrdreg s20  }
0x13: {  	s18 =	simm.s32 $0x4300;
	s19 =	simm.s32 $0x5;
	[dreg:$0x6] =	wrdreg s4  }
0x14: {  	s4 =	sadd.s32 s21, s0;
	s8 =	sadd.s32 s8, s6;
	s9 =	sadd.s32 s24, s0  }
0x15: {  	s0 =	sadd.s32 s23, s0;
	s20 =	simm.s32 $0x100;
	s21 =	simm.s32 $0x180  }
0x16: {  	s23 =	simm.s32 $0x6;
	s24 =	simm.s32 $0x200;
	[dreg:$0x2] =	wrdreg s4  }
0x17: {  	[dreg:$0x3] =	wrdreg s9;
	s4 =	sshll.u32 s22, $0x5;
	s10 =	sadd.s32 s25, s0  }
0x18: {  	s22 =	simm.s32 $0xC300;
	s25 =	simm.s32 $0x280;
	s9 =	sadd.s32 s4, s6  }
.LBB2_1:
0x19: {  	s0 =	rddreg [dreg:$0x4]  }
0x1a: {  	[hbm4b:s0+s1] =	stream.linear.scatter [tilespmem:s12], [sflag:$0x4], $0x8000, $0x38;
	[tilespmem:$0x18300] =	vst v63  }
0x1b: {  	s4 =	rddreg [dreg:$0x5]  }
0x1c: {  	[hbm4b:s4+s1] =	stream.linear.scatter [tilespmem:s13], [sflag:$0x5], $0x8000, $0x38;
	[tilespmem:$0x18300] =	vst v63  }
0x1d: {  	s5 =	rddreg [dreg:$0x6]  }
0x1e: {  	[hbm4b:s5+s1] =	stream.linear.scatter [tilespmem:s14], [sflag:$0x6], $0x8000, $0x38;
	[tilespmem:$0x18300] =	vst v63  }
0x1f: {  	_ =	swait.ge [sflag:s15], $0x8000  }
0x20: {  	[sflag:s15] =	ssyncset.done $0x0  }
0x21: {  	[sflag:s15] =	ssyncadd.s32 $0xFFFF8000  }
0x22: {  	[tilespmem:s1], [sflag:$0x7] =	stream.linear.gather [hbm4b:s11+s1], $0x100, $0x38;
	[tilespmem:$0x18300] =	vst v63  }
0x23: {  	_ =	swait.ge [sflag:s16], $0x100  }
0x24: {  	[sflag:s16] =	ssyncset.done $0x0  }
0x25: {  	[sflag:s16] =	ssyncadd.s32 $0xFFFFFF00  }
0x26: {  	[tilespmem:s12], [sflag:$0x1] =	stream.indirect.gather [hbm4b:s3+s17], $0x80, s1, s17, $0xb8;
	[tilespmem:$0x18300] =	vst v63  }
0x27: {  	_ = 	snop  }
0x28: {  	[tilespmem:s18], [sflag:$0x1] =	stream.indirect.gather [hbm4b:s3+s17], $0x80, s17, s17, $0xb8;
	[tilespmem:$0x18300] =	vst v63  }
0x29: {  	_ =	swait.ge [sflag:s19], $0x8000  }
0x2a: {  	[sflag:s19] =	ssyncset.done $0x0  }
0x2b: {  	[sflag:s19] =	ssyncadd.s32 $0xFFFF8000  }
0x2c: {  	[tilespmem:s20], [sflag:$0x7] =	stream.linear.gather [hbm4b:s9+s1], $0x100, $0x38;
	[tilespmem:$0x18300] =	vst v63  }
0x2d: {  	_ =	swait.ge [sflag:s16], $0x100  }
0x2e: {  	[sflag:s16] =	ssyncset.done $0x0  }
0x2f: {  	[sflag:s16] =	ssyncadd.s32 $0xFFFFFF00  }
0x30: {  	[tilespmem:s13], [sflag:$0x2] =	stream.indirect.gather [hbm4b:s3+s17], $0x80, s20, s17, $0xb8;
	[tilespmem:$0x18300] =	vst v63  }
0x31: {  	_ = 	snop  }
0x32: {  	[tilespmem:s22], [sflag:$0x2] =	stream.indirect.gather [hbm4b:s3+s17], $0x80, s21, s17, $0xb8;
	[tilespmem:$0x18300] =	vst v63  }
0x33: {  	_ =	swait.ge [sflag:s23], $0x8000  }
0x34: {  	[sflag:s23] =	ssyncset.done $0x0  }
0x35: {  	[sflag:s23] =	ssyncadd.s32 $0xFFFF8000  }
0x36: {  	[tilespmem:s24], [sflag:$0x7] =	stream.linear.gather [hbm4b:s8+s1], $0x100, $0x38;
	[tilespmem:$0x18300] =	vst v63  }
0x37: {  	_ =	swait.ge [sflag:s16], $0x100  }
0x38: {  	[sflag:s16] =	ssyncset.done $0x0  }
0x39: {  	[sflag:s16] =	ssyncadd.s32 $0xFFFFFF00  }
0x3a: {  	[tilespmem:s14], [sflag:$0x3] =	stream.indirect.gather [hbm4b:s3+s17], $0x80, s24, s17, $0xb8;
	[tilespmem:$0x18300] =	vst v63  }
0x3b: {  	_ = 	snop  }
0x3c: {  	[tilespmem:s26], [sflag:$0x3] =	stream.indirect.gather [hbm4b:s3+s17], $0x80, s25, s17, $0xb8;
	[tilespmem:$0x18300] =	vst v63  }
0x3d: {  	_ =	swait.ge [sflag:s28], $0x4000  }
0x3e: {  	[sflag:s28] =	ssyncset.done $0x0  }
0x3f: {  	[sflag:s28] =	ssyncadd.s32 $0xFFFFC000  }
0x40: {  	_ =	swait.ge [sflag:s28], $0x4000  }
0x41: {  	[sflag:s28] =	ssyncset.done $0x0  }
0x42: {  	s6 =	sadd.s32 $0x0, s10;
	[sflag:s28] =	ssyncadd.s32 $0xFFFFC000  }
0x43: {  	[hbm4b:s6+s1] =	stream.linear.scatter [tilespmem:s12], [sflag:$0x4], $0x8000, $0x38;
	[tilespmem:$0x18300] =	vst v63  }
0x44: {  	_ =	swait.ge [sflag:s29], $0x4000  }
0x45: {  	[sflag:s29] =	ssyncset.done $0x0  }
0x46: {  	[sflag:s29] =	ssyncadd.s32 $0xFFFFC000  }
0x47: {  	_ =	swait.ge [sflag:s29], $0x4000  }
0x48: {  	s7 =	rddreg [dreg:$0x3];
	[sflag:s29] =	ssyncset.done $0x0  }
0x49: {  	[sflag:s29] =	ssyncadd.s32 $0xFFFFC000;
	s0 =	sadd.s32 $0x0, s7  }
0x4a: {  	[hbm4b:s0+s1] =	stream.linear.scatter [tilespmem:s13], [sflag:$0x5], $0x8000, $0x38;
	[tilespmem:$0x18300] =	vst v63  }
0x4b: {  	_ =	swait.ge [sflag:s30], $0x4000  }
0x4c: {  	[sflag:s30] =	ssyncset.done $0x0  }
0x4d: {  	[sflag:s30] =	ssyncadd.s32 $0xFFFFC000  }
0x4e: {  	s2 =	sadd.s32 $0x60, s11;
	s5 =	sadd.s32 $0x60, s9;
	_ =	swait.ge [sflag:s30], $0x4000  }
0x4f: {  	s0 =	simm.s32 $0x3000;
	s4 =	rddreg [dreg:$0x2];
	[sflag:s30] =	ssyncset.done $0x0  }
0x50: {  	[sflag:s30] =	ssyncadd.s32 $0xFFFFC000;
	s6 =	sadd.s32 $0x0, s4;
	s4 =	sadd.s32 $0x60, s8  }
.LBB2_2:
0x51: {  	[hbm4b:s6+s1] =	stream.linear.scatter [tilespmem:s14], [sflag:$0x6], $0x8000, $0x38;
	[tilespmem:$0x18300] =	vst v63  }
0x52: {  	_ =	swait.ge [sflag:s15], $0x8000  }
0x53: {  	[sflag:s15] =	ssyncset.done $0x0  }
0x54: {  	[sflag:s15] =	ssyncadd.s32 $0xFFFF8000  }
0x55: {  	[tilespmem:s1], [sflag:$0x7] =	stream.linear.gather [hbm4b:s2+s1], $0x100, $0x38;
	[tilespmem:$0x18300] =	vst v63  }
0x56: {  	_ =	swait.ge [sflag:s16], $0x100  }
0x57: {  	[sflag:s16] =	ssyncset.done $0x0  }
0x58: {  	[sflag:s16] =	ssyncadd.s32 $0xFFFFFF00  }
0x59: {  	[tilespmem:s12], [sflag:$0x1] =	stream.indirect.gather [hbm4b:s3+s17], $0x80, s1, s17, $0xb8;
	[tilespmem:$0x18300] =	vst v63  }
0x5a: {  	_ = 	snop  }
0x5b: {  	[tilespmem:s18], [sflag:$0x1] =	stream.indirect.gather [hbm4b:s3+s17], $0x80, s17, s17, $0xb8;
	[tilespmem:$0x18300] =	vst v63  }
0x5c: {  	_ =	swait.ge [sflag:s19], $0x8000  }
0x5d: {  	[sflag:s19] =	ssyncset.done $0x0  }
0x5e: {  	[sflag:s19] =	ssyncadd.s32 $0xFFFF8000  }
0x5f: {  	[tilespmem:s20], [sflag:$0x7] =	stream.linear.gather [hbm4b:s5+s1], $0x100, $0x38;
	[tilespmem:$0x18300] =	vst v63  }
0x60: {  	_ =	swait.ge [sflag:s16], $0x100  }
0x61: {  	[sflag:s16] =	ssyncset.done $0x0  }
0x62: {  	[sflag:s16] =	ssyncadd.s32 $0xFFFFFF00  }
0x63: {  	[tilespmem:s13], [sflag:$0x2] =	stream.indirect.gather [hbm4b:s3+s17], $0x80, s20, s17, $0xb8;
	[tilespmem:$0x18300] =	vst v63  }
0x64: {  	_ = 	snop  }
0x65: {  	[tilespmem:s22], [sflag:$0x2] =	stream.indirect.gather [hbm4b:s3+s17], $0x80, s21, s17, $0xb8;
	[tilespmem:$0x18300] =	vst v63  }
0x66: {  	_ =	swait.ge [sflag:s23], $0x8000  }
0x67: {  	[sflag:s23] =	ssyncset.done $0x0  }
0x68: {  	[sflag:s23] =	ssyncadd.s32 $0xFFFF8000  }
0x69: {  	[tilespmem:s24], [sflag:$0x7] =	stream.linear.gather [hbm4b:s4+s1], $0x100, $0x38;
	[tilespmem:$0x18300] =	vst v63  }
0x6a: {  	_ =	swait.ge [sflag:s16], $0x100  }
0x6b: {  	[sflag:s16] =	ssyncset.done $0x0  }
0x6c: {  	[sflag:s16] =	ssyncadd.s32 $0xFFFFFF00  }
0x6d: {  	[tilespmem:s14], [sflag:$0x3] =	stream.indirect.gather [hbm4b:s3+s17], $0x80, s24, s17, $0xb8;
	[tilespmem:$0x18300] =	vst v63  }
0x6e: {  	_ = 	snop  }
0x6f: {  	[tilespmem:s26], [sflag:$0x3] =	stream.indirect.gather [hbm4b:s3+s17], $0x80, s25, s17, $0xb8;
	[tilespmem:$0x18300] =	vst v63  }
0x70: {  	_ =	swait.ge [sflag:s28], $0x4000  }
0x71: {  	[sflag:s28] =	ssyncset.done $0x0  }
0x72: {  	[sflag:s28] =	ssyncadd.s32 $0xFFFFC000  }
0x73: {  	_ =	swait.ge [sflag:s28], $0x4000  }
0x74: {  	s6 =	smov.u32 s0;
	[sflag:s28] =	ssyncset.done $0x0  }
0x75: {  	s7 =	sadd.s32 s6, s10;
	[sflag:s28] =	ssyncadd.s32 $0xFFFFC000  }
0x76: {  	[hbm4b:s7+s1] =	stream.linear.scatter [tilespmem:s12], [sflag:$0x4], $0x8000, $0x38;
	[tilespmem:$0x18300] =	vst v63  }
0x77: {  	_ =	swait.ge [sflag:s29], $0x4000  }
0x78: {  	[sflag:s29] =	ssyncset.done $0x0  }
0x79: {  	[sflag:s29] =	ssyncadd.s32 $0xFFFFC000  }
0x7a: {  	_ =	swait.ge [sflag:s29], $0x4000  }
0x7b: {  	s7 =	rddreg [dreg:$0x3];
	[sflag:s29] =	ssyncset.done $0x0  }
0x7c: {  	[sflag:s29] =	ssyncadd.s32 $0xFFFFC000;
	s7 =	sadd.s32 s6, s7  }
0x7d: {  	[hbm4b:s7+s1] =	stream.linear.scatter [tilespmem:s13], [sflag:$0x5], $0x8000, $0x38;
	[tilespmem:$0x18300] =	vst v63  }
0x7e: {  	p0 =	sne.s32 s0, $0x48000;
	_ =	swait.ge [sflag:s30], $0x4000  }
.Ltmp0:
0x7f: {  	[sflag:s30] =	ssyncset.done $0x0;
	(pc) =	sbr.rel @p0 .LBB2_2-.Ltmp0, $4  }
0x80: {  	[sflag:s30] =	ssyncadd.s32 $0xFFFFC000  }
0x81: {  	s0 =	sadd.s32 $0x3000, s0;
	s2 =	sadd.s32 $0x60, s2;
	_ =	swait.ge [sflag:s30], $0x4000  }
0x82: {  	s5 =	sadd.s32 $0x60, s5;
	[sflag:s30] =	ssyncset.done $0x0;
	s7 =	rddreg [dreg:$0x2]  }
0x83: {  	s4 =	sadd.s32 $0x60, s4;
	[sflag:s30] =	ssyncadd.s32 $0xFFFFC000;
	s6 =	sadd.s32 s6, s7  }
0x84: {  	[hbm4b:s6+s1] =	stream.linear.scatter [tilespmem:s14], [sflag:$0x6], $0x8000, $0x38;
	[tilespmem:$0x18300] =	vst v63  }
0x85: {  	_ =	swait.ge [sflag:s15], $0x8000  }
0x86: {  	[sflag:s15] =	ssyncset.done $0x0  }
0x87: {  	[sflag:s15] =	ssyncadd.s32 $0xFFFF8000  }
0x88: {  	_ =	swait.ge [sflag:s19], $0x8000  }
0x89: {  	[sflag:s19] =	ssyncset.done $0x0  }
0x8a: {  	[sflag:s19] =	ssyncadd.s32 $0xFFFF8000  }
0x8b: {  	_ =	swait.ge [sflag:s23], $0x8000  }
0x8c: {  	s31 =	sadd.s32 $0x1, s31;
	s0 =	rddreg [dreg:$0x7]  }
0x8d: {  	p0 =	sne.s32 s31, s0  }
.Ltmp1:
0x8e: {  	_ = 	snop;
	(pc) =	sbr.rel @p0 .LBB2_1-.Ltmp1, $3  }
0x8f: {  	_ =	sdelay $0x1  }
0x90: {  	[sflag:s23] =	ssyncset.done $0x0  }
0x91: {  	[sflag:s23] =	ssyncadd.s32 $0xFFFF8000  }
0x92: {  	_ =	sfence.sel $0x180000  }
0x93: {  	[bflag:$0x0] =	sbarrier.arrive $0xFFFF  }
0x94: {  	_ =	strace $0x9000004D  }
0x95: {  	s0 =	stileid.u32;
	[bflag:$0x2] =	sbarrier.arrive $0xFFFF  }
0x96: {  	p0 =	sne.s32 s0, $0x0;
	s0 =	rddreg [dreg:$0x1]  }
0x97: {  	s0 =	sadd.s32 @!p0 $0x100000, s0  }
0x98: {  	[sflag:s0] =	ssyncadd.tile.s32 @!p0 $0x1;
	_ =	shalt  }
.Lfunc_end2:
_tile_overlayer_lowered:
.L_overlay_start_2:
0x99: {  	(tag) =	ssettag $0x2  }
0x9a: {  	s0 =	rddreg [dreg:$0x0];
	s2 =	stileid.u32  }
0x9b: {  	s1 =	rddreg [dreg:$0x1];
	p0 =	sne.s32 s2, $0x0  }
0x9c: {  	s3 =	rddreg [dreg:$0x2];
	[bflag:$0x3] =	sbarrier.arrive $0xFFFF;
	s2 =	simm.s32 @!p0 $0x1C07  }
0x9d: {  	[timem:s3], [sflag:s2] =	dma.local @!p0 [hbm:s0], s1  }
0x9e: {  	s0 =	simm.s32 @!p0 $0x7  }
0x9f: {  	_ =	swait.ge @!p0 [sflag:s0], s1  }
0xa0: {  	s1 =	ssub.s32 @!p0 $0x0, s1;
	[sflag:s0] =	ssyncset.done @!p0 $0x0  }
0xa1: {  	[sflag:s0] =	ssyncadd.s32 @!p0 s1  }
0xa2: {  	[bflag:$0x3] =	sbarrier.arrive $0xFFFF  }
0xa3: {  	_ =	shalt  }

</sc_bundles>
